<compile_context>
chip_gen: v7x
topology: tpu7x:2x2x1
jax: 0.10.2.dev20260603
libtpu: 0.0.44.dev20260713+nightly
codegen_flags: <defaults>
</compile_context>

<pallas_src>
import functools

import jax
import jax.numpy as jnp
from jax import lax
from jax.experimental import pallas as pl
from jax.experimental.pallas import tpu as pltpu, tpu_sc as plsc

N = 100000
D = 128
K = 25000

NC = 2
NS = 16
NW = NC * NS

K_PAD = 25088
HALF = K_PAD // 2
B_PER_W = HALF // NW
K16 = K_PAD // NS

NCHUNK = 10
CPS = NCHUNK // NC
C = N // NCHUNK
CT = 624
CT_LAST = C - (NS - 1) * CT
LCAP = K16 + 32

_mesh = plsc.VectorSubcoreMesh(core_axis_name="c", subcore_axis_name="s")
_sc_params = pltpu.CompilerParams(needs_layout_passes=False)


@functools.partial(
    pl.kernel,
    out_type=jax.ShapeDtypeStruct((HALF, D), jnp.float32),
    mesh=_mesh,
    scratch_types=[
        pltpu.VMEM((B_PER_W,), jnp.int32),
        pltpu.VMEM((B_PER_W, D), jnp.float32),
        pltpu.SemaphoreType.DMA,
    ],
    compiler_params=_sc_params,
)
def _sc_gather(x_hbm, idx_hbm, out_hbm, idx_v, rows_v, sem):
    wid = lax.axis_index("s") * NC + lax.axis_index("c")
    base = wid * B_PER_W
    pltpu.sync_copy(idx_hbm.at[pl.ds(base, B_PER_W)], idx_v)
    pltpu.async_copy(x_hbm.at[idx_v], rows_v, sem).wait()
    pltpu.sync_copy(rows_v, out_hbm.at[pl.ds(base, B_PER_W)])


def _dense_body(xg_ref, w_ref, b_ref, o_ref):
    h = jnp.dot(xg_ref[...], w_ref[...], preferred_element_type=jnp.float32)
    h = h + b_ref[...]
    o_ref[...] = jnp.where(h > 0.0, h, jnp.exp(jnp.minimum(h, 0.0)) - 1.0)


def _tc_dense(up, w0, b0):
    blk = 6272
    grid = (HALF // blk,)
    return pl.pallas_call(
        _dense_body,
        grid=grid,
        in_specs=[
            pl.BlockSpec((blk, D), lambda i: (i, 0)),
            pl.BlockSpec((D, D), lambda i: (0, 0)),
            pl.BlockSpec((1, D), lambda i: (0, 0)),
        ],
        out_specs=pl.BlockSpec((blk, D), lambda i: (i, 0)),
        out_shape=jax.ShapeDtypeStruct((HALF, D), jnp.float32),
    )(up, w0, b0.reshape(1, D))


@functools.partial(
    pl.kernel,
    out_type=jax.ShapeDtypeStruct((N, D), jnp.float32),
    mesh=_mesh,
    scratch_types=[
        pltpu.VMEM_SHARED((C + 16, D), jnp.float32),
        pltpu.VMEM((K16,), jnp.int32),
        pltpu.VMEM((LCAP,), jnp.int32),
        pltpu.VMEM((LCAP,), jnp.int32),
        pltpu.VMEM((16, D), jnp.float32),
        pltpu.VMEM((16, D), jnp.float32),
        pltpu.SemaphoreType.DMA,
        pltpu.SemaphoreType.DMA,
    ],
    compiler_params=_sc_params,
)
def _sc_scatter(x_hbm, idx_hbm, y0_hbm, y1_hbm, out_hbm,
                acc_sh, idx_v, jlist_v, llist_v, rows_a, rows_b,
                sem_a, sem_b):
    cid = lax.axis_index("c")
    sid = lax.axis_index("s")

    pltpu.sync_copy(idx_hbm.at[pl.ds(sid * K16, K16)], idx_v)
    lane = lax.iota(jnp.int32, 16)

    for k in range(CPS):
        lo = (cid * CPS + k) * C

        @pl.when(sid < NS - 1)
        def _():
            pltpu.sync_copy(x_hbm.at[pl.ds(lo + sid * CT, CT)],
                            acc_sh.at[pl.ds(sid * CT, CT)])

        @pl.when(sid == NS - 1)
        def _():
            pltpu.sync_copy(x_hbm.at[pl.ds(lo + (NS - 1) * CT, CT_LAST)],
                            acc_sh.at[pl.ds((NS - 1) * CT, CT_LAST)])

        def scan_body(v, cnt):
            ivec = idx_v[pl.ds(v * 16, 16)]
            pos = sid * K16 + v * 16 + lane
            m = (ivec >= lo) & (ivec < lo + C) & (pos < K)
            mi = jnp.where(m, jnp.int32(1), jnp.int32(0))
            csum = plsc.cumsum(mi)
            slots = cnt + csum - 1
            plsc.store_scatter(llist_v, [slots], ivec - lo, mask=m)
            plsc.store_scatter(jlist_v, [slots], pos, mask=m)
            return cnt + csum[15]

        cnt = lax.fori_loop(0, K16 // 16, scan_body, jnp.int32(0))

        for p in range(2):
            llist_v[pl.ds(cnt + p * 16, 16)] = jnp.full((16,), C, jnp.int32)
            jlist_v[pl.ds(cnt + p * 16, 16)] = lane * 0 + sid * K16

        plsc.subcore_barrier()

        nb = (cnt + 15) // 16

        def mk_batch(yref, joff):
            def batch_body(b, carry):
                jv = jlist_v[pl.ds(b * 16, 16)] - joff
                pltpu.async_copy(yref.at[jv], rows_a, sem_a).wait()
                lv = llist_v[pl.ds(b * 16, 16)]
                pltpu.sync_copy(rows_a, acc_sh.at[lv], add=True)
                return carry
            return batch_body

        @pl.when(sid < NS // 2)
        def _():
            lax.fori_loop(0, nb, mk_batch(y0_hbm, 0), jnp.int32(0))

        @pl.when(sid >= NS // 2)
        def _():
            lax.fori_loop(0, nb, mk_batch(y1_hbm, HALF), jnp.int32(0))

        plsc.subcore_barrier()

        @pl.when(sid < NS - 1)
        def _():
            pltpu.sync_copy(acc_sh.at[pl.ds(sid * CT, CT)],
                            out_hbm.at[pl.ds(lo + sid * CT, CT)])

        @pl.when(sid == NS - 1)
        def _():
            pltpu.sync_copy(acc_sh.at[pl.ds((NS - 1) * CT, CT_LAST)],
                            out_hbm.at[pl.ds(lo + (NS - 1) * CT, CT_LAST)])

        plsc.subcore_barrier()


def kernel(x, sel_idx_up, W0, b0):
    idx = sel_idx_up[:, 0]
    idx_pad = jnp.concatenate(
        [idx, jnp.zeros((K_PAD - K,), dtype=jnp.int32)])
    up0 = _sc_gather(x, idx_pad[:HALF])
    up1 = _sc_gather(x, idx_pad[HALF:])
    y0 = _tc_dense(up0, W0, b0)
    y1 = _tc_dense(up1, W0, b0)
    return _sc_scatter(x, idx_pad, y0, y1)

# --- scband reference (transcript-rebuilt; emitter-appended) ---
"""Pipeline reference for scband-dense-on-up-23562190586024 (READ-ONLY COPY).

The authoritative reference and input builder live on the scoring server;
editing this copy changes nothing except your own understanding.
"""

import jax, jax.numpy as jnp
import numpy as np

N = 100000
D = 128
K = 25000

def setup_inputs(seed: int = 0) -> dict:
    key = jax.random.key(seed)
    k1, k2, k3 = jax.random.split(key, 3)
    x = jax.random.normal(k1, (N, D), dtype=jnp.float32)
    sel_idx_up = jax.random.randint(k2, (K, 1), 0, N, dtype=jnp.int32)
    # Dense layer params per init_kwargs dense=[128]: one Dense(128, activation='elu'), input dim 128
    W0 = jax.random.normal(k3, (D, D), dtype=jnp.float32) * (1.0 / np.sqrt(D))
    b0 = jnp.zeros((D,), dtype=jnp.float32)
    return {"x": x, "sel_idx_up": sel_idx_up, "W0": W0, "b0": b0}

def reference(x, sel_idx_up, W0, b0):
    # SelectUp: gather_nd with [K,1] indices over [N,D] -> [K,D]
    idx = sel_idx_up[:, 0]
    up_x = jnp.take(x, idx, axis=0)
    # Dense layers (elu activated)
    up_x = jax.nn.elu(up_x @ W0 + b0)
    # x += scatter_nd(sel_idx_up, up_x, shape(x))  -- duplicate indices accumulate
    out = x + jnp.zeros_like(x).at[idx].add(up_x)
    return out

if __name__ == "__main__":
    import jax
    _d = setup_inputs()
    print(jax.jit(kernel)(*tuple(_d.values())))

</pallas_src>

<mosaic_0001>
#map = affine_map<(d0, d1) -> (0, 0)>
#map1 = affine_map<(d0, d1) -> (0)>
module attributes {stable_mosaic.version = 14 : i64} {
  func.func @_sc_gather(%arg0: i32, %arg1: i32, %arg2: memref<100000x128xf32, #tpu.memory_space<hbm>>, %arg3: memref<12544xi32, #tpu.memory_space<hbm>>, %arg4: memref<12544x128xf32, #tpu.memory_space<hbm>>, %arg5: memref<392xi32, #tpu.memory_space<vmem>>, %arg6: memref<392x128xf32, #tpu.memory_space<vmem>>, %arg7: memref<!tpu.dma_semaphore, #tpu.memory_space<semaphore_mem>>) attributes {dimension_semantics = [#tpu.dimension_semantics<core_parallel>, #tpu.dimension_semantics<subcore_parallel>], iteration_bounds = array<i64: 2, 16>, scalar_prefetch = 0 : i64, scratch_operands = 3 : i64, tpu.core_type = #tpu.core_type<sc_vector_subcore>, window_params = [{transform_indices = #map}, {transform_indices = #map1}, {transform_indices = #map}]} {
    %mul3A = arith.constant 2 : i32
    %mul3A_0 = arith.muli %arg1, %mul3A : i32
    %add3A = arith.addi %mul3A_0, %arg0 : i32
    %mul3A_1 = arith.constant 392 : i32
    %mul3A_2 = arith.muli %add3A, %mul3A_1 : i32
    "tpu.region"() ({
      %run_scoped3A = tpu.sem_alloc : memref<!tpu.dma_semaphore, #tpu.memory_space<semaphore_mem>>
      %dma_start3A_7 = tpu.memref_slice %arg3[%mul3A_2] : memref<12544xi32, #tpu.memory_space<hbm>> -> memref<392xi32, #tpu.memory_space<hbm>>
      %dma_start3A_8 = tpu.memref_slice %arg3[%mul3A_2] : memref<12544xi32, #tpu.memory_space<hbm>> -> memref<392xi32, #tpu.memory_space<hbm>>
      tpu.enqueue_dma source(%dma_start3A_8 : memref<392xi32, #tpu.memory_space<hbm>>) target(%arg5 : memref<392xi32, #tpu.memory_space<vmem>>) target_semaphore(%run_scoped3A : memref<!tpu.dma_semaphore, #tpu.memory_space<semaphore_mem>>)
      %dma_wait3A_9 = tpu.memref_slice %arg3[%mul3A_2] : memref<12544xi32, #tpu.memory_space<hbm>> -> memref<392xi32, #tpu.memory_space<hbm>>
      %dma_wait3A_10 = tpu.memref_slice %arg3[%mul3A_2] : memref<12544xi32, #tpu.memory_space<hbm>> -> memref<392xi32, #tpu.memory_space<hbm>>
      tpu.wait_dma2 semaphore(%run_scoped3A : memref<!tpu.dma_semaphore, #tpu.memory_space<semaphore_mem>>) src(%dma_wait3A_10 : memref<392xi32, #tpu.memory_space<hbm>>) dst(%arg5 : memref<392xi32, #tpu.memory_space<vmem>>)
      tpu.yield
    }) : () -> ()
    %dma_start3A = arith.constant 0 : i32
    %dma_start3A_3 = arith.constant 0 : i32
    %dma_start3A_4 = tpu.memref_slice %arg2[%dma_start3A, %dma_start3A_3] : memref<100000x128xf32, #tpu.memory_space<hbm>> -> memref<100000x128xf32, #tpu.memory_space<hbm>>
    tpu.enqueue_indirect_dma source(%dma_start3A_4 : memref<100000x128xf32, #tpu.memory_space<hbm>>) target(%arg6 : memref<392x128xf32, #tpu.memory_space<vmem>>) offsets(%arg5 : memref<392xi32, #tpu.memory_space<vmem>>) semaphore(%arg7 : memref<!tpu.dma_semaphore, #tpu.memory_space<semaphore_mem>>)
    %dma_wait3A = arith.constant 0 : i32
    %dma_wait3A_5 = arith.constant 0 : i32
    %dma_wait3A_6 = tpu.memref_slice %arg2[%dma_wait3A, %dma_wait3A_5] : memref<100000x128xf32, #tpu.memory_space<hbm>> -> memref<100000x128xf32, #tpu.memory_space<hbm>>
    tpu.wait_indirect_dma semaphore(%arg7 : memref<!tpu.dma_semaphore, #tpu.memory_space<semaphore_mem>>) src(%dma_wait3A_6 : memref<100000x128xf32, #tpu.memory_space<hbm>>) dst(%arg6 : memref<392x128xf32, #tpu.memory_space<vmem>>)
    "tpu.region"() ({
      %run_scoped3A = tpu.sem_alloc : memref<!tpu.dma_semaphore, #tpu.memory_space<semaphore_mem>>
      %dma_start3A_7 = arith.constant 0 : i32
      %dma_start3A_8 = tpu.memref_slice %arg4[%mul3A_2, %dma_start3A_7] : memref<12544x128xf32, #tpu.memory_space<hbm>> -> memref<392x128xf32, #tpu.memory_space<hbm>>
      %dma_start3A_9 = arith.constant 0 : i32
      %dma_start3A_10 = tpu.memref_slice %arg4[%mul3A_2, %dma_start3A_9] : memref<12544x128xf32, #tpu.memory_space<hbm>> -> memref<392x128xf32, #tpu.memory_space<hbm>>
      tpu.enqueue_dma source(%arg6 : memref<392x128xf32, #tpu.memory_space<vmem>>) target(%dma_start3A_10 : memref<392x128xf32, #tpu.memory_space<hbm>>) target_semaphore(%run_scoped3A : memref<!tpu.dma_semaphore, #tpu.memory_space<semaphore_mem>>)
      %dma_wait3A_11 = arith.constant 0 : i32
      %dma_wait3A_12 = tpu.memref_slice %arg4[%mul3A_2, %dma_wait3A_11] : memref<12544x128xf32, #tpu.memory_space<hbm>> -> memref<392x128xf32, #tpu.memory_space<hbm>>
      %dma_wait3A_13 = arith.constant 0 : i32
      %dma_wait3A_14 = tpu.memref_slice %arg4[%mul3A_2, %dma_wait3A_13] : memref<12544x128xf32, #tpu.memory_space<hbm>> -> memref<392x128xf32, #tpu.memory_space<hbm>>
      tpu.wait_dma2 semaphore(%run_scoped3A : memref<!tpu.dma_semaphore, #tpu.memory_space<semaphore_mem>>) src(%arg6 : memref<392x128xf32, #tpu.memory_space<vmem>>) dst(%dma_wait3A_14 : memref<392x128xf32, #tpu.memory_space<hbm>>)
      tpu.yield
    }) : () -> ()
    return
  }
}

#map = affine_map<(d0, d1) -> (0, 0)>
#map1 = affine_map<(d0, d1) -> (0)>
module attributes {stable_mosaic.version = 14 : i64} {
  func.func @_sc_gather(%arg0: i32, %arg1: i32, %arg2: memref<100000x128xf32, #tpu.memory_space<hbm>>, %arg3: memref<12544xi32, #tpu.memory_space<hbm>>, %arg4: memref<12544x128xf32, #tpu.memory_space<hbm>>, %arg5: memref<392xi32, #tpu.memory_space<vmem>>, %arg6: memref<392x128xf32, #tpu.memory_space<vmem>>, %arg7: memref<!tpu.dma_semaphore, #tpu.memory_space<semaphore_mem>>) attributes {dimension_semantics = [#tpu.dimension_semantics<core_parallel>, #tpu.dimension_semantics<subcore_parallel>], iteration_bounds = array<i64: 2, 16>, scalar_prefetch = 0 : i64, scratch_operands = 3 : i64, tpu.core_type = #tpu.core_type<sc_vector_subcore>, window_params = [{transform_indices = #map}, {transform_indices = #map1}, {transform_indices = #map}]} {
    %mul3A = arith.constant 2 : i32
    %mul3A_0 = arith.muli %arg1, %mul3A : i32
    %add3A = arith.addi %mul3A_0, %arg0 : i32
    %mul3A_1 = arith.constant 392 : i32
    %mul3A_2 = arith.muli %add3A, %mul3A_1 : i32
    "tpu.region"() ({
      %run_scoped3A = tpu.sem_alloc : memref<!tpu.dma_semaphore, #tpu.memory_space<semaphore_mem>>
      %dma_start3A_7 = tpu.memref_slice %arg3[%mul3A_2] : memref<12544xi32, #tpu.memory_space<hbm>> -> memref<392xi32, #tpu.memory_space<hbm>>
      %dma_start3A_8 = tpu.memref_slice %arg3[%mul3A_2] : memref<12544xi32, #tpu.memory_space<hbm>> -> memref<392xi32, #tpu.memory_space<hbm>>
      tpu.enqueue_dma source(%dma_start3A_8 : memref<392xi32, #tpu.memory_space<hbm>>) target(%arg5 : memref<392xi32, #tpu.memory_space<vmem>>) target_semaphore(%run_scoped3A : memref<!tpu.dma_semaphore, #tpu.memory_space<semaphore_mem>>)
      %dma_wait3A_9 = tpu.memref_slice %arg3[%mul3A_2] : memref<12544xi32, #tpu.memory_space<hbm>> -> memref<392xi32, #tpu.memory_space<hbm>>
      %dma_wait3A_10 = tpu.memref_slice %arg3[%mul3A_2] : memref<12544xi32, #tpu.memory_space<hbm>> -> memref<392xi32, #tpu.memory_space<hbm>>
      tpu.wait_dma2 semaphore(%run_scoped3A : memref<!tpu.dma_semaphore, #tpu.memory_space<semaphore_mem>>) src(%dma_wait3A_10 : memref<392xi32, #tpu.memory_space<hbm>>) dst(%arg5 : memref<392xi32, #tpu.memory_space<vmem>>)
      tpu.yield
    }) : () -> ()
    %dma_start3A = arith.constant 0 : i32
    %dma_start3A_3 = arith.constant 0 : i32
    %dma_start3A_4 = tpu.memref_slice %arg2[%dma_start3A, %dma_start3A_3] : memref<100000x128xf32, #tpu.memory_space<hbm>> -> memref<100000x128xf32, #tpu.memory_space<hbm>>
    tpu.enqueue_indirect_dma source(%dma_start3A_4 : memref<100000x128xf32, #tpu.memory_space<hbm>>) target(%arg6 : memref<392x128xf32, #tpu.memory_space<vmem>>) offsets(%arg5 : memref<392xi32, #tpu.memory_space<vmem>>) semaphore(%arg7 : memref<!tpu.dma_semaphore, #tpu.memory_space<semaphore_mem>>)
    %dma_wait3A = arith.constant 0 : i32
    %dma_wait3A_5 = arith.constant 0 : i32
    %dma_wait3A_6 = tpu.memref_slice %arg2[%dma_wait3A, %dma_wait3A_5] : memref<100000x128xf32, #tpu.memory_space<hbm>> -> memref<100000x128xf32, #tpu.memory_space<hbm>>
    tpu.wait_indirect_dma semaphore(%arg7 : memref<!tpu.dma_semaphore, #tpu.memory_space<semaphore_mem>>) src(%dma_wait3A_6 : memref<100000x128xf32, #tpu.memory_space<hbm>>) dst(%arg6 : memref<392x128xf32, #tpu.memory_space<vmem>>)
    "tpu.region"() ({
      %run_scoped3A = tpu.sem_alloc : memref<!tpu.dma_semaphore, #tpu.memory_space<semaphore_mem>>
      %dma_start3A_7 = arith.constant 0 : i32
      %dma_start3A_8 = tpu.memref_slice %arg4[%mul3A_2, %dma_start3A_7] : memref<12544x128xf32, #tpu.memory_space<hbm>> -> memref<392x128xf32, #tpu.memory_space<hbm>>
      %dma_start3A_9 = arith.constant 0 : i32
      %dma_start3A_10 = tpu.memref_slice %arg4[%mul3A_2, %dma_start3A_9] : memref<12544x128xf32, #tpu.memory_space<hbm>> -> memref<392x128xf32, #tpu.memory_space<hbm>>
      tpu.enqueue_dma source(%arg6 : memref<392x128xf32, #tpu.memory_space<vmem>>) target(%dma_start3A_10 : memref<392x128xf32, #tpu.memory_space<hbm>>) target_semaphore(%run_scoped3A : memref<!tpu.dma_semaphore, #tpu.memory_space<semaphore_mem>>)
      %dma_wait3A_11 = arith.constant 0 : i32
      %dma_wait3A_12 = tpu.memref_slice %arg4[%mul3A_2, %dma_wait3A_11] : memref<12544x128xf32, #tpu.memory_space<hbm>> -> memref<392x128xf32, #tpu.memory_space<hbm>>
      %dma_wait3A_13 = arith.constant 0 : i32
      %dma_wait3A_14 = tpu.memref_slice %arg4[%mul3A_2, %dma_wait3A_13] : memref<12544x128xf32, #tpu.memory_space<hbm>> -> memref<392x128xf32, #tpu.memory_space<hbm>>
      tpu.wait_dma2 semaphore(%run_scoped3A : memref<!tpu.dma_semaphore, #tpu.memory_space<semaphore_mem>>) src(%arg6 : memref<392x128xf32, #tpu.memory_space<vmem>>) dst(%dma_wait3A_14 : memref<392x128xf32, #tpu.memory_space<hbm>>)
      tpu.yield
    }) : () -> ()
    return
  }
}

#map = affine_map<(d0, d1) -> (0, 0)>
#map1 = affine_map<(d0, d1) -> (0)>
module attributes {stable_mosaic.version = 14 : i64} {
  func.func @_sc_scatter(%arg0: i32, %arg1: i32, %arg2: memref<100000x128xf32, #tpu.memory_space<hbm>>, %arg3: memref<25088xi32, #tpu.memory_space<hbm>>, %arg4: memref<12544x128xf32, #tpu.memory_space<hbm>>, %arg5: memref<12544x128xf32, #tpu.memory_space<hbm>>, %arg6: memref<100000x128xf32, #tpu.memory_space<hbm>>, %arg7: memref<10016x128xf32, #tpu.memory_space<vmem_shared>>, %arg8: memref<1568xi32, #tpu.memory_space<vmem>>, %arg9: memref<1600xi32, #tpu.memory_space<vmem>>, %arg10: memref<1600xi32, #tpu.memory_space<vmem>>, %arg11: memref<16x128xf32, #tpu.memory_space<vmem>>, %arg12: memref<16x128xf32, #tpu.memory_space<vmem>>, %arg13: memref<!tpu.dma_semaphore, #tpu.memory_space<semaphore_mem>>, %arg14: memref<!tpu.dma_semaphore, #tpu.memory_space<semaphore_mem>>) attributes {dimension_semantics = [#tpu.dimension_semantics<core_parallel>, #tpu.dimension_semantics<subcore_parallel>], iteration_bounds = array<i64: 2, 16>, scalar_prefetch = 0 : i64, scratch_operands = 8 : i64, tpu.core_type = #tpu.core_type<sc_vector_subcore>, window_params = [{transform_indices = #map}, {transform_indices = #map1}, {transform_indices = #map}, {transform_indices = #map}, {transform_indices = #map}]} {
    %mul3A = arith.constant 1568 : i32
    %mul3A_0 = arith.muli %arg1, %mul3A : i32
    "tpu.region"() ({
      %run_scoped3A = tpu.sem_alloc : memref<!tpu.dma_semaphore, #tpu.memory_space<semaphore_mem>>
      %dma_start3A = tpu.memref_slice %arg3[%mul3A_0] : memref<25088xi32, #tpu.memory_space<hbm>> -> memref<1568xi32, #tpu.memory_space<hbm>>
      %dma_start3A_513 = tpu.memref_slice %arg3[%mul3A_0] : memref<25088xi32, #tpu.memory_space<hbm>> -> memref<1568xi32, #tpu.memory_space<hbm>>
      tpu.enqueue_dma source(%dma_start3A_513 : memref<1568xi32, #tpu.memory_space<hbm>>) target(%arg8 : memref<1568xi32, #tpu.memory_space<vmem>>) target_semaphore(%run_scoped3A : memref<!tpu.dma_semaphore, #tpu.memory_space<semaphore_mem>>)
      %dma_wait3A = tpu.memref_slice %arg3[%mul3A_0] : memref<25088xi32, #tpu.memory_space<hbm>> -> memref<1568xi32, #tpu.memory_space<hbm>>
      %dma_wait3A_514 = tpu.memref_slice %arg3[%mul3A_0] : memref<25088xi32, #tpu.memory_space<hbm>> -> memref<1568xi32, #tpu.memory_space<hbm>>
      tpu.wait_dma2 semaphore(%run_scoped3A : memref<!tpu.dma_semaphore, #tpu.memory_space<semaphore_mem>>) src(%dma_wait3A_514 : memref<1568xi32, #tpu.memory_space<hbm>>) dst(%arg8 : memref<1568xi32, #tpu.memory_space<vmem>>)
      tpu.yield
    }) : () -> ()
    %iota3A = tpu.iota {dimensions = array<i32: 0>} : vector<16xi32>
    %mul3A_1 = arith.constant 5 : i32
    %mul3A_2 = arith.muli %arg0, %mul3A_1 : i32
    %add3A = arith.constant 0 : i32
    %add3A_3 = arith.addi %mul3A_2, %add3A : i32
    %mul3A_4 = arith.constant 10000 : i32
    %mul3A_5 = arith.muli %add3A_3, %mul3A_4 : i32
    %lt3A = arith.constant 15 : i32
    %lt3A_6 = arith.cmpi slt, %arg1, %lt3A : i32
    %convert_element_type3A = arith.extui %lt3A_6 : i1 to i32
    %cond3A = arith.constant 0 : i32
    %cond3A_7 = arith.cmpi ne, %convert_element_type3A, %cond3A : i32
    scf.if %cond3A_7 {
      %mul3A_513 = arith.constant 624 : i32
      %mul3A_514 = arith.muli %arg1, %mul3A_513 : i32
      %add3A_515 = arith.addi %mul3A_5, %mul3A_514 : i32
      %mul3A_516 = arith.constant 624 : i32
      %mul3A_517 = arith.muli %arg1, %mul3A_516 : i32
      "tpu.region"() ({
        %run_scoped3A = tpu.sem_alloc : memref<!tpu.dma_semaphore, #tpu.memory_space<semaphore_mem>>
        %dma_start3A = arith.constant 0 : i32
        %dma_start3A_518 = tpu.memref_slice %arg7[%mul3A_517, %dma_start3A] : memref<10016x128xf32, #tpu.memory_space<vmem_shared>> -> memref<624x128xf32, #tpu.memory_space<vmem_shared>>
        %dma_start3A_519 = arith.constant 0 : i32
        %dma_start3A_520 = tpu.memref_slice %arg2[%add3A_515, %dma_start3A_519] : memref<100000x128xf32, #tpu.memory_space<hbm>> -> memref<624x128xf32, #tpu.memory_space<hbm>>
        tpu.enqueue_dma source(%dma_start3A_520 : memref<624x128xf32, #tpu.memory_space<hbm>>) target(%dma_start3A_518 : memref<624x128xf32, #tpu.memory_space<vmem_shared>>) target_semaphore(%run_scoped3A : memref<!tpu.dma_semaphore, #tpu.memory_space<semaphore_mem>>)
        %dma_wait3A = arith.constant 0 : i32
        %dma_wait3A_521 = tpu.memref_slice %arg7[%mul3A_517, %dma_wait3A] : memref<10016x128xf32, #tpu.memory_space<vmem_shared>> -> memref<624x128xf32, #tpu.memory_space<vmem_shared>>
        %dma_wait3A_522 = arith.constant 0 : i32
        %dma_wait3A_523 = tpu.memref_slice %arg2[%add3A_515, %dma_wait3A_522] : memref<100000x128xf32, #tpu.memory_space<hbm>> -> memref<624x128xf32, #tpu.memory_space<hbm>>
        tpu.wait_dma2 semaphore(%run_scoped3A : memref<!tpu.dma_semaphore, #tpu.memory_space<semaphore_mem>>) src(%dma_wait3A_523 : memref<624x128xf32, #tpu.memory_space<hbm>>) dst(%dma_wait3A_521 : memref<624x128xf32, #tpu.memory_space<vmem_shared>>)
        tpu.yield
      }) : () -> ()
    } else {
    }
    %eq3A = arith.constant 15 : i32
    %eq3A_8 = arith.cmpi eq, %arg1, %eq3A : i32
    %convert_element_type3A_9 = arith.extui %eq3A_8 : i1 to i32
    %cond3A_10 = arith.constant 0 : i32
    %cond3A_11 = arith.cmpi ne, %convert_element_type3A_9, %cond3A_10 : i32
    scf.if %cond3A_11 {
      %add3A_513 = arith.constant 9360 : i32
      %add3A_514 = arith.addi %mul3A_5, %add3A_513 : i32
      "tpu.region"() ({
        %run_scoped3A = tpu.sem_alloc : memref<!tpu.dma_semaphore, #tpu.memory_space<semaphore_mem>>
        %dma_start3A = arith.constant 9360 : i32
        %dma_start3A_515 = arith.constant 0 : i32
        %dma_start3A_516 = tpu.memref_slice %arg7[%dma_start3A, %dma_start3A_515] : memref<10016x128xf32, #tpu.memory_space<vmem_shared>> -> memref<640x128xf32, #tpu.memory_space<vmem_shared>>
        %dma_start3A_517 = arith.constant 0 : i32
        %dma_start3A_518 = tpu.memref_slice %arg2[%add3A_514, %dma_start3A_517] : memref<100000x128xf32, #tpu.memory_space<hbm>> -> memref<640x128xf32, #tpu.memory_space<hbm>>
        tpu.enqueue_dma source(%dma_start3A_518 : memref<640x128xf32, #tpu.memory_space<hbm>>) target(%dma_start3A_516 : memref<640x128xf32, #tpu.memory_space<vmem_shared>>) target_semaphore(%run_scoped3A : memref<!tpu.dma_semaphore, #tpu.memory_space<semaphore_mem>>)
        %dma_wait3A = arith.constant 9360 : i32
        %dma_wait3A_519 = arith.constant 0 : i32
        %dma_wait3A_520 = tpu.memref_slice %arg7[%dma_wait3A, %dma_wait3A_519] : memref<10016x128xf32, #tpu.memory_space<vmem_shared>> -> memref<640x128xf32, #tpu.memory_space<vmem_shared>>
        %dma_wait3A_521 = arith.constant 0 : i32
        %dma_wait3A_522 = tpu.memref_slice %arg2[%add3A_514, %dma_wait3A_521] : memref<100000x128xf32, #tpu.memory_space<hbm>> -> memref<640x128xf32, #tpu.memory_space<hbm>>
        tpu.wait_dma2 semaphore(%run_scoped3A : memref<!tpu.dma_semaphore, #tpu.memory_space<semaphore_mem>>) src(%dma_wait3A_522 : memref<640x128xf32, #tpu.memory_space<hbm>>) dst(%dma_wait3A_520 : memref<640x128xf32, #tpu.memory_space<vmem_shared>>)
        tpu.yield
      }) : () -> ()
    } else {
    }
    %scan3A = arith.constant 0 : i32
    %scan3A_12 = arith.constant 0 : i32
    %scan3A_13 = arith.constant 98 : i32
    %scan3A_14 = arith.addi %scan3A_12, %scan3A_13 : i32
    %scan3A_15 = arith.constant 1 : i32
    %scan3A_16 = scf.for %scan3A_513 = %scan3A_12 to %scan3A_14 step %scan3A_15 iter_args(%scan3A_514 = %scan3A) -> (i32)  : i32 {
      %mul3A_515 = arith.constant 16 : i32
      %mul3A_516 = arith.muli %scan3A_513, %mul3A_515 : i32
      %get3A = arith.index_cast %mul3A_516 : i32 to index
      %get3A_517 = tpu.vector_load %arg8[%get3A] {strides = array<i32>} : memref<1568xi32, #tpu.memory_space<vmem>>, vector<16xi32>,
      %mul3A_518 = arith.constant 1568 : i32
      %mul3A_519 = arith.muli %arg1, %mul3A_518 : i32
      %mul3A_520 = arith.constant 16 : i32
      %mul3A_521 = arith.muli %scan3A_513, %mul3A_520 : i32
      %add3A_522 = arith.addi %mul3A_519, %mul3A_521 : i32
      %add3A_523 = vector.broadcast %add3A_522 : i32 to vector<16xi32>
      %add3A_524 = arith.addi %add3A_523, %iota3A : vector<16xi32>
      %ge3A_525 = vector.broadcast %mul3A_5 : i32 to vector<16xi32>
      %ge3A_526 = arith.cmpi sge, %get3A_517, %ge3A_525 : vector<16xi32>
      %add3A_527 = arith.constant 10000 : i32
      %add3A_528 = arith.addi %mul3A_5, %add3A_527 : i32
      %lt3A_529 = vector.broadcast %add3A_528 : i32 to vector<16xi32>
      %lt3A_530 = arith.cmpi slt, %get3A_517, %lt3A_529 : vector<16xi32>
      %and3A_531 = arith.andi %ge3A_526, %lt3A_530 : vector<16xi1>
      %lt3A_532 = arith.constant 25000 : i32
      %lt3A_533 = vector.broadcast %lt3A_532 : i32 to vector<16xi32>
      %lt3A_534 = arith.cmpi slt, %add3A_524, %lt3A_533 : vector<16xi32>
      %and3A_535 = arith.andi %and3A_531, %lt3A_534 : vector<16xi1>
      %jit3A_536 = arith.constant 1 : i32
      %jit3A_537 = arith.constant 0 : i32
      %broadcast_in_dim3A_538 = vector.broadcast %jit3A_536 : i32 to vector<16xi32>
      %broadcast_in_dim3A_539 = vector.broadcast %jit3A_537 : i32 to vector<16xi32>
      %select_n3A_540 = arith.select %and3A_535, %broadcast_in_dim3A_538, %broadcast_in_dim3A_539 : vector<16xi1>, vector<16xi32>
      %broadcast_in_dim3A_541 = arith.constant true
      %broadcast_in_dim3A_542 = vector.broadcast %broadcast_in_dim3A_541 : i1 to vector<16xi1>
      %masked_cumsum3A = tpu.scan <sum>, %select_n3A_540 masked %broadcast_in_dim3A_542 : vector<16xi32>, vector<16xi1> -> vector<16xi32>
      %add3A_543 = vector.broadcast %scan3A_514 : i32 to vector<16xi32>
      %add3A_544 = arith.addi %add3A_543, %masked_cumsum3A : vector<16xi32>
      %sub3A_545 = arith.constant 1 : i32
      %sub3A_546 = vector.broadcast %sub3A_545 : i32 to vector<16xi32>
      %sub3A_547 = arith.subi %add3A_544, %sub3A_546 : vector<16xi32>
      %sub3A_548 = vector.broadcast %mul3A_5 : i32 to vector<16xi32>
      %sub3A_549 = arith.subi %get3A_517, %sub3A_548 : vector<16xi32>
      tpu.vector_store_idx %arg10[%sub3A_547], %sub3A_549 masked %and3A_535 : memref<1600xi32, #tpu.memory_space<vmem>>[vector<16xi32>], vector<16xi32>, vector<16xi1>
      tpu.vector_store_idx %arg9[%sub3A_547], %add3A_524 masked %and3A_535 : memref<1600xi32, #tpu.memory_space<vmem>>[vector<16xi32>], vector<16xi32>, vector<16xi1>
      %slice3A = vector.extract_strided_slice %masked_cumsum3A {offsets = [15], sizes = [1], strides = [1]} : vector<16xi32> to vector<1xi32>
      %squeeze3A = vector.extract %slice3A[0] : i32 from vector<1xi32>
      %add3A_550 = arith.addi %scan3A_514, %squeeze3A : i32
      scf.yield %add3A_550 : i32
    }
    %scan3A_17 = arith.constant 98 : i32
    %broadcast_in_dim3A = arith.constant 10000 : i32
    %broadcast_in_dim3A_18 = vector.broadcast %broadcast_in_dim3A : i32 to vector<16xi32>
    %add3A_19 = arith.constant 0 : i32
    %add3A_20 = arith.addi %scan3A_16, %add3A_19 : i32
    %swap3A = arith.index_cast %add3A_20 : i32 to index
    %swap3A_21 = tpu.vector_load %arg10[%swap3A] {strides = array<i32>} : memref<1600xi32, #tpu.memory_space<vmem>>, vector<16xi32>,
    tpu.vector_store %arg10[%swap3A], %broadcast_in_dim3A_18 {strides = array<i32>} : memref<1600xi32, #tpu.memory_space<vmem>>, vector<16xi32>,
    %mul3A_22 = arith.constant 0 : i32
    %mul3A_23 = vector.broadcast %mul3A_22 : i32 to vector<16xi32>
    %mul3A_24 = arith.muli %iota3A, %mul3A_23 : vector<16xi32>
    %mul3A_25 = arith.constant 1568 : i32
    %mul3A_26 = arith.muli %arg1, %mul3A_25 : i32
    %add3A_27 = vector.broadcast %mul3A_26 : i32 to vector<16xi32>
    %add3A_28 = arith.addi %mul3A_24, %add3A_27 : vector<16xi32>
    %add3A_29 = arith.constant 0 : i32
    %add3A_30 = arith.addi %scan3A_16, %add3A_29 : i32
    %swap3A_31 = arith.index_cast %add3A_30 : i32 to index
    %swap3A_32 = tpu.vector_load %arg9[%swap3A_31] {strides = array<i32>} : memref<1600xi32, #tpu.memory_space<vmem>>, vector<16xi32>,
    tpu.vector_store %arg9[%swap3A_31], %add3A_28 {strides = array<i32>} : memref<1600xi32, #tpu.memory_space<vmem>>, vector<16xi32>,
    %broadcast_in_dim3A_33 = arith.constant 10000 : i32
    %broadcast_in_dim3A_34 = vector.broadcast %broadcast_in_dim3A_33 : i32 to vector<16xi32>
    %add3A_35 = arith.constant 16 : i32
    %add3A_36 = arith.addi %scan3A_16, %add3A_35 : i32
    %swap3A_37 = arith.index_cast %add3A_36 : i32 to index
    %swap3A_38 = tpu.vector_load %arg10[%swap3A_37] {strides = array<i32>} : memref<1600xi32, #tpu.memory_space<vmem>>, vector<16xi32>,
    tpu.vector_store %arg10[%swap3A_37], %broadcast_in_dim3A_34 {strides = array<i32>} : memref<1600xi32, #tpu.memory_space<vmem>>, vector<16xi32>,
    %mul3A_39 = arith.constant 0 : i32
    %mul3A_40 = vector.broadcast %mul3A_39 : i32 to vector<16xi32>
    %mul3A_41 = arith.muli %iota3A, %mul3A_40 : vector<16xi32>
    %mul3A_42 = arith.constant 1568 : i32
    %mul3A_43 = arith.muli %arg1, %mul3A_42 : i32
    %add3A_44 = vector.broadcast %mul3A_43 : i32 to vector<16xi32>
    %add3A_45 = arith.addi %mul3A_41, %add3A_44 : vector<16xi32>
    %add3A_46 = arith.constant 16 : i32
    %add3A_47 = arith.addi %scan3A_16, %add3A_46 : i32
    %swap3A_48 = arith.index_cast %add3A_47 : i32 to index
    %swap3A_49 = tpu.vector_load %arg9[%swap3A_48] {strides = array<i32>} : memref<1600xi32, #tpu.memory_space<vmem>>, vector<16xi32>,
    tpu.vector_store %arg9[%swap3A_48], %add3A_45 {strides = array<i32>} : memref<1600xi32, #tpu.memory_space<vmem>>, vector<16xi32>,
    %barrier3A = arith.constant 0 : index
    tpu.barrier barrier_id(%barrier3A)
    %add3A_50 = arith.constant 15 : i32
    %add3A_51 = arith.addi %scan3A_16, %add3A_50 : i32
    %jit3A = arith.constant 16 : i32
    %div3A = arith.divsi %add3A_51, %jit3A : i32
    %sign3A = arith.constant 0 : i32
    %sign3A_52 = arith.cmpi sgt, %add3A_51, %sign3A : i32
    %sign3A_53 = arith.extui %sign3A_52 : i1 to i32
    %sign3A_54 = arith.constant 0 : i32
    %sign3A_55 = arith.cmpi slt, %add3A_51, %sign3A_54 : i32
    %sign3A_56 = arith.extui %sign3A_55 : i1 to i32
    %sign3A_57 = arith.subi %sign3A_53, %sign3A_56 : i32
    %sign3A_58 = arith.constant 0 : i32
    %sign3A_59 = arith.cmpi sgt, %jit3A, %sign3A_58 : i32
    %sign3A_60 = arith.extui %sign3A_59 : i1 to i32
    %sign3A_61 = arith.constant 0 : i32
    %sign3A_62 = arith.cmpi slt, %jit3A, %sign3A_61 : i32
    %sign3A_63 = arith.extui %sign3A_62 : i1 to i32
    %sign3A_64 = arith.subi %sign3A_60, %sign3A_63 : i32
    %ne3A = arith.cmpi ne, %sign3A_57, %sign3A_64 : i32
    %rem3A = arith.remsi %add3A_51, %jit3A : i32
    %ne3A_65 = arith.constant 0 : i32
    %ne3A_66 = arith.cmpi ne, %rem3A, %ne3A_65 : i32
    %and3A = arith.andi %ne3A, %ne3A_66 : i1
    %sub3A = arith.constant 1 : i32
    %sub3A_67 = arith.subi %div3A, %sub3A : i32
    %select_n3A = arith.select %and3A, %sub3A_67, %div3A : i32
    %lt3A_68 = arith.constant 8 : i32
    %lt3A_69 = arith.cmpi slt, %arg1, %lt3A_68 : i32
    %convert_element_type3A_70 = arith.extui %lt3A_69 : i1 to i32
    %cond3A_71 = arith.constant 0 : i32
    %cond3A_72 = arith.cmpi ne, %convert_element_type3A_70, %cond3A_71 : i32
    scf.if %cond3A_72 {
      %while3A = arith.constant 0 : i32
      %while3A_513 = arith.constant 0 : i32
      %while3A_514 = arith.subi %select_n3A, %while3A_513 : i32
      %while3A_515 = arith.addi %while3A_513, %while3A_514 : i32
      %while3A_516 = arith.constant 1 : i32
      %while3A_517 = arith.divsi %while3A_514, %while3A_516 : i32
      %while3A_518 = arith.muli %while3A_517, %while3A_516 : i32
      %while3A_519 = arith.addi %while3A_513, %while3A_518 : i32
      %while3A_520 = arith.constant 1 : i32
      scf.for %while3A_522 = %while3A_513 to %while3A_519 step %while3A_520  : i32 {
        %mul3A_523 = arith.constant 16 : i32
        %mul3A_524 = arith.muli %while3A_522, %mul3A_523 : i32
        %get3A = arith.index_cast %mul3A_524 : i32 to index
        %get3A_525 = tpu.vector_load %arg9[%get3A] {strides = array<i32>} : memref<1600xi32, #tpu.memory_space<vmem>>, vector<16xi32>,
        %sub3A_526 = arith.constant 0 : i32
        %sub3A_527 = vector.broadcast %sub3A_526 : i32 to vector<16xi32>
        %sub3A_528 = arith.subi %get3A_525, %sub3A_527 : vector<16xi32>
        %dma_start3A = arith.constant 0 : i32
        %dma_start3A_529 = arith.constant 0 : i32
        %dma_start3A_530 = tpu.memref_slice %arg4[%dma_start3A, %dma_start3A_529] : memref<12544x128xf32, #tpu.memory_space<hbm>> -> memref<12544x128xf32, #tpu.memory_space<hbm>>
        tpu.enqueue_indirect_dma source(%dma_start3A_530 : memref<12544x128xf32, #tpu.memory_space<hbm>>) target(%arg11 : memref<16x128xf32, #tpu.memory_space<vmem>>) offsets(%sub3A_528 : vector<16xi32>) semaphore(%arg13 : memref<!tpu.dma_semaphore, #tpu.memory_space<semaphore_mem>>)
        %dma_wait3A = arith.constant 0 : i32
        %dma_wait3A_531 = arith.constant 0 : i32
        %dma_wait3A_532 = tpu.memref_slice %arg4[%dma_wait3A, %dma_wait3A_531] : memref<12544x128xf32, #tpu.memory_space<hbm>> -> memref<12544x128xf32, #tpu.memory_space<hbm>>
        tpu.wait_indirect_dma semaphore(%arg13 : memref<!tpu.dma_semaphore, #tpu.memory_space<semaphore_mem>>) src(%dma_wait3A_532 : memref<12544x128xf32, #tpu.memory_space<hbm>>) dst(%arg11 : memref<16x128xf32, #tpu.memory_space<vmem>>)
        %mul3A_533 = arith.constant 16 : i32
        %mul3A_534 = arith.muli %while3A_522, %mul3A_533 : i32
        %get3A_535 = arith.index_cast %mul3A_534 : i32 to index
        %get3A_536 = tpu.vector_load %arg10[%get3A_535] {strides = array<i32>} : memref<1600xi32, #tpu.memory_space<vmem>>, vector<16xi32>,
        "tpu.region"() ({
          %run_scoped3A = tpu.sem_alloc : memref<!tpu.dma_semaphore, #tpu.memory_space<semaphore_mem>>
          %dma_start3A_537 = arith.constant 0 : i32
          %dma_start3A_538 = arith.constant 0 : i32
          %dma_start3A_539 = tpu.memref_slice %arg7[%dma_start3A_537, %dma_start3A_538] : memref<10016x128xf32, #tpu.memory_space<vmem_shared>> -> memref<10016x128xf32, #tpu.memory_space<vmem_shared>>
          tpu.enqueue_indirect_dma source(%arg11 : memref<16x128xf32, #tpu.memory_space<vmem>>) target(%dma_start3A_539 : memref<10016x128xf32, #tpu.memory_space<vmem_shared>>) offsets(%get3A_536 : vector<16xi32>) semaphore(%run_scoped3A : memref<!tpu.dma_semaphore, #tpu.memory_space<semaphore_mem>>) {add = true}
          %dma_wait3A_540 = arith.constant 0 : i32
          %dma_wait3A_541 = arith.constant 0 : i32
          %dma_wait3A_542 = tpu.memref_slice %arg7[%dma_wait3A_540, %dma_wait3A_541] : memref<10016x128xf32, #tpu.memory_space<vmem_shared>> -> memref<10016x128xf32, #tpu.memory_space<vmem_shared>>
          tpu.wait_indirect_dma semaphore(%run_scoped3A : memref<!tpu.dma_semaphore, #tpu.memory_space<semaphore_mem>>) src(%arg11 : memref<16x128xf32, #tpu.memory_space<vmem>>) dst(%dma_wait3A_542 : memref<10016x128xf32, #tpu.memory_space<vmem_shared>>)
          tpu.yield
        }) : () -> ()
      }
      %while3A_521 = arith.constant 1 : i32
      scf.for %while3A_522 = %while3A_519 to %while3A_515 step %while3A_521  : i32 {
        %mul3A_523 = arith.constant 16 : i32
        %mul3A_524 = arith.muli %while3A_522, %mul3A_523 : i32
        %get3A = arith.index_cast %mul3A_524 : i32 to index
        %get3A_525 = tpu.vector_load %arg9[%get3A] {strides = array<i32>} : memref<1600xi32, #tpu.memory_space<vmem>>, vector<16xi32>,
        %sub3A_526 = arith.constant 0 : i32
        %sub3A_527 = vector.broadcast %sub3A_526 : i32 to vector<16xi32>
        %sub3A_528 = arith.subi %get3A_525, %sub3A_527 : vector<16xi32>
        %dma_start3A = arith.constant 0 : i32
        %dma_start3A_529 = arith.constant 0 : i32
        %dma_start3A_530 = tpu.memref_slice %arg4[%dma_start3A, %dma_start3A_529] : memref<12544x128xf32, #tpu.memory_space<hbm>> -> memref<12544x128xf32, #tpu.memory_space<hbm>>
        tpu.enqueue_indirect_dma source(%dma_start3A_530 : memref<12544x128xf32, #tpu.memory_space<hbm>>) target(%arg11 : memref<16x128xf32, #tpu.memory_space<vmem>>) offsets(%sub3A_528 : vector<16xi32>) semaphore(%arg13 : memref<!tpu.dma_semaphore, #tpu.memory_space<semaphore_mem>>)
        %dma_wait3A = arith.constant 0 : i32
        %dma_wait3A_531 = arith.constant 0 : i32
        %dma_wait3A_532 = tpu.memref_slice %arg4[%dma_wait3A, %dma_wait3A_531] : memref<12544x128xf32, #tpu.memory_space<hbm>> -> memref<12544x128xf32, #tpu.memory_space<hbm>>
        tpu.wait_indirect_dma semaphore(%arg13 : memref<!tpu.dma_semaphore, #tpu.memory_space<semaphore_mem>>) src(%dma_wait3A_532 : memref<12544x128xf32, #tpu.memory_space<hbm>>) dst(%arg11 : memref<16x128xf32, #tpu.memory_space<vmem>>)
        %mul3A_533 = arith.constant 16 : i32
        %mul3A_534 = arith.muli %while3A_522, %mul3A_533 : i32
        %get3A_535 = arith.index_cast %mul3A_534 : i32 to index
        %get3A_536 = tpu.vector_load %arg10[%get3A_535] {strides = array<i32>} : memref<1600xi32, #tpu.memory_space<vmem>>, vector<16xi32>,
        "tpu.region"() ({
          %run_scoped3A = tpu.sem_alloc : memref<!tpu.dma_semaphore, #tpu.memory_space<semaphore_mem>>
          %dma_start3A_537 = arith.constant 0 : i32
          %dma_start3A_538 = arith.constant 0 : i32
          %dma_start3A_539 = tpu.memref_slice %arg7[%dma_start3A_537, %dma_start3A_538] : memref<10016x128xf32, #tpu.memory_space<vmem_shared>> -> memref<10016x128xf32, #tpu.memory_space<vmem_shared>>
          tpu.enqueue_indirect_dma source(%arg11 : memref<16x128xf32, #tpu.memory_space<vmem>>) target(%dma_start3A_539 : memref<10016x128xf32, #tpu.memory_space<vmem_shared>>) offsets(%get3A_536 : vector<16xi32>) semaphore(%run_scoped3A : memref<!tpu.dma_semaphore, #tpu.memory_space<semaphore_mem>>) {add = true}
          %dma_wait3A_540 = arith.constant 0 : i32
          %dma_wait3A_541 = arith.constant 0 : i32
          %dma_wait3A_542 = tpu.memref_slice %arg7[%dma_wait3A_540, %dma_wait3A_541] : memref<10016x128xf32, #tpu.memory_space<vmem_shared>> -> memref<10016x128xf32, #tpu.memory_space<vmem_shared>>
          tpu.wait_indirect_dma semaphore(%run_scoped3A : memref<!tpu.dma_semaphore, #tpu.memory_space<semaphore_mem>>) src(%arg11 : memref<16x128xf32, #tpu.memory_space<vmem>>) dst(%dma_wait3A_542 : memref<10016x128xf32, #tpu.memory_space<vmem_shared>>)
          tpu.yield
        }) : () -> ()
      }
    } else {
    }
    %ge3A = arith.constant 8 : i32
    %ge3A_73 = arith.cmpi sge, %arg1, %ge3A : i32
    %convert_element_type3A_74 = arith.extui %ge3A_73 : i1 to i32
    %cond3A_75 = arith.constant 0 : i32
    %cond3A_76 = arith.cmpi ne, %convert_element_type3A_74, %cond3A_75 : i32
    scf.if %cond3A_76 {
      %while3A = arith.constant 0 : i32
      %while3A_513 = arith.constant 0 : i32
      %while3A_514 = arith.subi %select_n3A, %while3A_513 : i32
      %while3A_515 = arith.addi %while3A_513, %while3A_514 : i32
      %while3A_516 = arith.constant 1 : i32
      %while3A_517 = arith.divsi %while3A_514, %while3A_516 : i32
      %while3A_518 = arith.muli %while3A_517, %while3A_516 : i32
      %while3A_519 = arith.addi %while3A_513, %while3A_518 : i32
      %while3A_520 = arith.constant 1 : i32
      scf.for %while3A_522 = %while3A_513 to %while3A_519 step %while3A_520  : i32 {
        %mul3A_523 = arith.constant 16 : i32
        %mul3A_524 = arith.muli %while3A_522, %mul3A_523 : i32
        %get3A = arith.index_cast %mul3A_524 : i32 to index
        %get3A_525 = tpu.vector_load %arg9[%get3A] {strides = array<i32>} : memref<1600xi32, #tpu.memory_space<vmem>>, vector<16xi32>,
        %sub3A_526 = arith.constant 12544 : i32
        %sub3A_527 = vector.broadcast %sub3A_526 : i32 to vector<16xi32>
        %sub3A_528 = arith.subi %get3A_525, %sub3A_527 : vector<16xi32>
        %dma_start3A = arith.constant 0 : i32
        %dma_start3A_529 = arith.constant 0 : i32
        %dma_start3A_530 = tpu.memref_slice %arg5[%dma_start3A, %dma_start3A_529] : memref<12544x128xf32, #tpu.memory_space<hbm>> -> memref<12544x128xf32, #tpu.memory_space<hbm>>
        tpu.enqueue_indirect_dma source(%dma_start3A_530 : memref<12544x128xf32, #tpu.memory_space<hbm>>) target(%arg11 : memref<16x128xf32, #tpu.memory_space<vmem>>) offsets(%sub3A_528 : vector<16xi32>) semaphore(%arg13 : memref<!tpu.dma_semaphore, #tpu.memory_space<semaphore_mem>>)
        %dma_wait3A = arith.constant 0 : i32
        %dma_wait3A_531 = arith.constant 0 : i32
        %dma_wait3A_532 = tpu.memref_slice %arg5[%dma_wait3A, %dma_wait3A_531] : memref<12544x128xf32, #tpu.memory_space<hbm>> -> memref<12544x128xf32, #tpu.memory_space<hbm>>
        tpu.wait_indirect_dma semaphore(%arg13 : memref<!tpu.dma_semaphore, #tpu.memory_space<semaphore_mem>>) src(%dma_wait3A_532 : memref<12544x128xf32, #tpu.memory_space<hbm>>) dst(%arg11 : memref<16x128xf32, #tpu.memory_space<vmem>>)
        %mul3A_533 = arith.constant 16 : i32
        %mul3A_534 = arith.muli %while3A_522, %mul3A_533 : i32
        %get3A_535 = arith.index_cast %mul3A_534 : i32 to index
        %get3A_536 = tpu.vector_load %arg10[%get3A_535] {strides = array<i32>} : memref<1600xi32, #tpu.memory_space<vmem>>, vector<16xi32>,
        "tpu.region"() ({
          %run_scoped3A = tpu.sem_alloc : memref<!tpu.dma_semaphore, #tpu.memory_space<semaphore_mem>>
          %dma_start3A_537 = arith.constant 0 : i32
          %dma_start3A_538 = arith.constant 0 : i32
          %dma_start3A_539 = tpu.memref_slice %arg7[%dma_start3A_537, %dma_start3A_538] : memref<10016x128xf32, #tpu.memory_space<vmem_shared>> -> memref<10016x128xf32, #tpu.memory_space<vmem_shared>>
          tpu.enqueue_indirect_dma source(%arg11 : memref<16x128xf32, #tpu.memory_space<vmem>>) target(%dma_start3A_539 : memref<10016x128xf32, #tpu.memory_space<vmem_shared>>) offsets(%get3A_536 : vector<16xi32>) semaphore(%run_scoped3A : memref<!tpu.dma_semaphore, #tpu.memory_space<semaphore_mem>>) {add = true}
          %dma_wait3A_540 = arith.constant 0 : i32
          %dma_wait3A_541 = arith.constant 0 : i32
          %dma_wait3A_542 = tpu.memref_slice %arg7[%dma_wait3A_540, %dma_wait3A_541] : memref<10016x128xf32, #tpu.memory_space<vmem_shared>> -> memref<10016x128xf32, #tpu.memory_space<vmem_shared>>
          tpu.wait_indirect_dma semaphore(%run_scoped3A : memref<!tpu.dma_semaphore, #tpu.memory_space<semaphore_mem>>) src(%arg11 : memref<16x128xf32, #tpu.memory_space<vmem>>) dst(%dma_wait3A_542 : memref<10016x128xf32, #tpu.memory_space<vmem_shared>>)
          tpu.yield
        }) : () -> ()
      }
      %while3A_521 = arith.constant 1 : i32
      scf.for %while3A_522 = %while3A_519 to %while3A_515 step %while3A_521  : i32 {
        %mul3A_523 = arith.constant 16 : i32
        %mul3A_524 = arith.muli %while3A_522, %mul3A_523 : i32
        %get3A = arith.index_cast %mul3A_524 : i32 to index
        %get3A_525 = tpu.vector_load %arg9[%get3A] {strides = array<i32>} : memref<1600xi32, #tpu.memory_space<vmem>>, vector<16xi32>,
        %sub3A_526 = arith.constant 12544 : i32
        %sub3A_527 = vector.broadcast %sub3A_526 : i32 to vector<16xi32>
        %sub3A_528 = arith.subi %get3A_525, %sub3A_527 : vector<16xi32>
        %dma_start3A = arith.constant 0 : i32
        %dma_start3A_529 = arith.constant 0 : i32
        %dma_start3A_530 = tpu.memref_slice %arg5[%dma_start3A, %dma_start3A_529] : memref<12544x128xf32, #tpu.memory_space<hbm>> -> memref<12544x128xf32, #tpu.memory_space<hbm>>
        tpu.enqueue_indirect_dma source(%dma_start3A_530 : memref<12544x128xf32, #tpu.memory_space<hbm>>) target(%arg11 : memref<16x128xf32, #tpu.memory_space<vmem>>) offsets(%sub3A_528 : vector<16xi32>) semaphore(%arg13 : memref<!tpu.dma_semaphore, #tpu.memory_space<semaphore_mem>>)
        %dma_wait3A = arith.constant 0 : i32
        %dma_wait3A_531 = arith.constant 0 : i32
        %dma_wait3A_532 = tpu.memref_slice %arg5[%dma_wait3A, %dma_wait3A_531] : memref<12544x128xf32, #tpu.memory_space<hbm>> -> memref<12544x128xf32, #tpu.memory_space<hbm>>
        tpu.wait_indirect_dma semaphore(%arg13 : memref<!tpu.dma_semaphore, #tpu.memory_space<semaphore_mem>>) src(%dma_wait3A_532 : memref<12544x128xf32, #tpu.memory_space<hbm>>) dst(%arg11 : memref<16x128xf32, #tpu.memory_space<vmem>>)
        %mul3A_533 = arith.constant 16 : i32
        %mul3A_534 = arith.muli %while3A_522, %mul3A_533 : i32
        %get3A_535 = arith.index_cast %mul3A_534 : i32 to index
        %get3A_536 = tpu.vector_load %arg10[%get3A_535] {strides = array<i32>} : memref<1600xi32, #tpu.memory_space<vmem>>, vector<16xi32>,
        "tpu.region"() ({
          %run_scoped3A = tpu.sem_alloc : memref<!tpu.dma_semaphore, #tpu.memory_space<semaphore_mem>>
          %dma_start3A_537 = arith.constant 0 : i32
          %dma_start3A_538 = arith.constant 0 : i32
          %dma_start3A_539 = tpu.memref_slice %arg7[%dma_start3A_537, %dma_start3A_538] : memref<10016x128xf32, #tpu.memory_space<vmem_shared>> -> memref<10016x128xf32, #tpu.memory_space<vmem_shared>>
          tpu.enqueue_indirect_dma source(%arg11 : memref<16x128xf32, #tpu.memory_space<vmem>>) target(%dma_start3A_539 : memref<10016x128xf32, #tpu.memory_space<vmem_shared>>) offsets(%get3A_536 : vector<16xi32>) semaphore(%run_scoped3A : memref<!tpu.dma_semaphore, #tpu.memory_space<semaphore_mem>>) {add = true}
          %dma_wait3A_540 = arith.constant 0 : i32
          %dma_wait3A_541 = arith.constant 0 : i32
          %dma_wait3A_542 = tpu.memref_slice %arg7[%dma_wait3A_540, %dma_wait3A_541] : memref<10016x128xf32, #tpu.memory_space<vmem_shared>> -> memref<10016x128xf32, #tpu.memory_space<vmem_shared>>
          tpu.wait_indirect_dma semaphore(%run_scoped3A : memref<!tpu.dma_semaphore, #tpu.memory_space<semaphore_mem>>) src(%arg11 : memref<16x128xf32, #tpu.memory_space<vmem>>) dst(%dma_wait3A_542 : memref<10016x128xf32, #tpu.memory_space<vmem_shared>>)
          tpu.yield
        }) : () -> ()
      }
    } else {
    }
    %barrier3A_77 = arith.constant 0 : index
    tpu.barrier barrier_id(%barrier3A_77)
    %lt3A_78 = arith.constant 15 : i32
    %lt3A_79 = arith.cmpi slt, %arg1, %lt3A_78 : i32
    %convert_element_type3A_80 = arith.extui %lt3A_79 : i1 to i32
    %cond3A_81 = arith.constant 0 : i32
    %cond3A_82 = arith.cmpi ne, %convert_element_type3A_80, %cond3A_81 : i32
    scf.if %cond3A_82 {
      %mul3A_513 = arith.constant 624 : i32
      %mul3A_514 = arith.muli %arg1, %mul3A_513 : i32
      %mul3A_515 = arith.constant 624 : i32
      %mul3A_516 = arith.muli %arg1, %mul3A_515 : i32
      %add3A_517 = arith.addi %mul3A_5, %mul3A_516 : i32
      "tpu.region"() ({
        %run_scoped3A = tpu.sem_alloc : memref<!tpu.dma_semaphore, #tpu.memory_space<semaphore_mem>>
        %dma_start3A = arith.constant 0 : i32
        %dma_start3A_518 = tpu.memref_slice %arg6[%add3A_517, %dma_start3A] : memref<100000x128xf32, #tpu.memory_space<hbm>> -> memref<624x128xf32, #tpu.memory_space<hbm>>
        %dma_start3A_519 = arith.constant 0 : i32
        %dma_start3A_520 = tpu.memref_slice %arg7[%mul3A_514, %dma_start3A_519] : memref<10016x128xf32, #tpu.memory_space<vmem_shared>> -> memref<624x128xf32, #tpu.memory_space<vmem_shared>>
        tpu.enqueue_dma source(%dma_start3A_520 : memref<624x128xf32, #tpu.memory_space<vmem_shared>>) target(%dma_start3A_518 : memref<624x128xf32, #tpu.memory_space<hbm>>) target_semaphore(%run_scoped3A : memref<!tpu.dma_semaphore, #tpu.memory_space<semaphore_mem>>)
        %dma_wait3A = arith.constant 0 : i32
        %dma_wait3A_521 = tpu.memref_slice %arg6[%add3A_517, %dma_wait3A] : memref<100000x128xf32, #tpu.memory_space<hbm>> -> memref<624x128xf32, #tpu.memory_space<hbm>>
        %dma_wait3A_522 = arith.constant 0 : i32
        %dma_wait3A_523 = tpu.memref_slice %arg7[%mul3A_514, %dma_wait3A_522] : memref<10016x128xf32, #tpu.memory_space<vmem_shared>> -> memref<624x128xf32, #tpu.memory_space<vmem_shared>>
        tpu.wait_dma2 semaphore(%run_scoped3A : memref<!tpu.dma_semaphore, #tpu.memory_space<semaphore_mem>>) src(%dma_wait3A_523 : memref<624x128xf32, #tpu.memory_space<vmem_shared>>) dst(%dma_wait3A_521 : memref<624x128xf32, #tpu.memory_space<hbm>>)
        tpu.yield
      }) : () -> ()
    } else {
    }
    %eq3A_83 = arith.constant 15 : i32
    %eq3A_84 = arith.cmpi eq, %arg1, %eq3A_83 : i32
    %convert_element_type3A_85 = arith.extui %eq3A_84 : i1 to i32
    %cond3A_86 = arith.constant 0 : i32
    %cond3A_87 = arith.cmpi ne, %convert_element_type3A_85, %cond3A_86 : i32
    scf.if %cond3A_87 {
      %add3A_513 = arith.constant 9360 : i32
      %add3A_514 = arith.addi %mul3A_5, %add3A_513 : i32
      "tpu.region"() ({
        %run_scoped3A = tpu.sem_alloc : memref<!tpu.dma_semaphore, #tpu.memory_space<semaphore_mem>>
        %dma_start3A = arith.constant 0 : i32
        %dma_start3A_515 = tpu.memref_slice %arg6[%add3A_514, %dma_start3A] : memref<100000x128xf32, #tpu.memory_space<hbm>> -> memref<640x128xf32, #tpu.memory_space<hbm>>
        %dma_start3A_516 = arith.constant 9360 : i32
        %dma_start3A_517 = arith.constant 0 : i32
        %dma_start3A_518 = tpu.memref_slice %arg7[%dma_start3A_516, %dma_start3A_517] : memref<10016x128xf32, #tpu.memory_space<vmem_shared>> -> memref<640x128xf32, #tpu.memory_space<vmem_shared>>
        tpu.enqueue_dma source(%dma_start3A_518 : memref<640x128xf32, #tpu.memory_space<vmem_shared>>) target(%dma_start3A_515 : memref<640x128xf32, #tpu.memory_space<hbm>>) target_semaphore(%run_scoped3A : memref<!tpu.dma_semaphore, #tpu.memory_space<semaphore_mem>>)
        %dma_wait3A = arith.constant 0 : i32
        %dma_wait3A_519 = tpu.memref_slice %arg6[%add3A_514, %dma_wait3A] : memref<100000x128xf32, #tpu.memory_space<hbm>> -> memref<640x128xf32, #tpu.memory_space<hbm>>
        %dma_wait3A_520 = arith.constant 9360 : i32
        %dma_wait3A_521 = arith.constant 0 : i32
        %dma_wait3A_522 = tpu.memref_slice %arg7[%dma_wait3A_520, %dma_wait3A_521] : memref<10016x128xf32, #tpu.memory_space<vmem_shared>> -> memref<640x128xf32, #tpu.memory_space<vmem_shared>>
        tpu.wait_dma2 semaphore(%run_scoped3A : memref<!tpu.dma_semaphore, #tpu.memory_space<semaphore_mem>>) src(%dma_wait3A_522 : memref<640x128xf32, #tpu.memory_space<vmem_shared>>) dst(%dma_wait3A_519 : memref<640x128xf32, #tpu.memory_space<hbm>>)
        tpu.yield
      }) : () -> ()
    } else {
    }
    %barrier3A_88 = arith.constant 0 : index
    tpu.barrier barrier_id(%barrier3A_88)
    %mul3A_89 = arith.constant 5 : i32
    %mul3A_90 = arith.muli %arg0, %mul3A_89 : i32
    %add3A_91 = arith.constant 1 : i32
    %add3A_92 = arith.addi %mul3A_90, %add3A_91 : i32
    %mul3A_93 = arith.constant 10000 : i32
    %mul3A_94 = arith.muli %add3A_92, %mul3A_93 : i32
    %lt3A_95 = arith.constant 15 : i32
    %lt3A_96 = arith.cmpi slt, %arg1, %lt3A_95 : i32
    %convert_element_type3A_97 = arith.extui %lt3A_96 : i1 to i32
    %cond3A_98 = arith.constant 0 : i32
    %cond3A_99 = arith.cmpi ne, %convert_element_type3A_97, %cond3A_98 : i32
    scf.if %cond3A_99 {
      %mul3A_513 = arith.constant 624 : i32
      %mul3A_514 = arith.muli %arg1, %mul3A_513 : i32
      %add3A_515 = arith.addi %mul3A_94, %mul3A_514 : i32
      %mul3A_516 = arith.constant 624 : i32
      %mul3A_517 = arith.muli %arg1, %mul3A_516 : i32
      "tpu.region"() ({
        %run_scoped3A = tpu.sem_alloc : memref<!tpu.dma_semaphore, #tpu.memory_space<semaphore_mem>>
        %dma_start3A = arith.constant 0 : i32
        %dma_start3A_518 = tpu.memref_slice %arg7[%mul3A_517, %dma_start3A] : memref<10016x128xf32, #tpu.memory_space<vmem_shared>> -> memref<624x128xf32, #tpu.memory_space<vmem_shared>>
        %dma_start3A_519 = arith.constant 0 : i32
        %dma_start3A_520 = tpu.memref_slice %arg2[%add3A_515, %dma_start3A_519] : memref<100000x128xf32, #tpu.memory_space<hbm>> -> memref<624x128xf32, #tpu.memory_space<hbm>>
        tpu.enqueue_dma source(%dma_start3A_520 : memref<624x128xf32, #tpu.memory_space<hbm>>) target(%dma_start3A_518 : memref<624x128xf32, #tpu.memory_space<vmem_shared>>) target_semaphore(%run_scoped3A : memref<!tpu.dma_semaphore, #tpu.memory_space<semaphore_mem>>)
        %dma_wait3A = arith.constant 0 : i32
        %dma_wait3A_521 = tpu.memref_slice %arg7[%mul3A_517, %dma_wait3A] : memref<10016x128xf32, #tpu.memory_space<vmem_shared>> -> memref<624x128xf32, #tpu.memory_space<vmem_shared>>
        %dma_wait3A_522 = arith.constant 0 : i32
        %dma_wait3A_523 = tpu.memref_slice %arg2[%add3A_515, %dma_wait3A_522] : memref<100000x128xf32, #tpu.memory_space<hbm>> -> memref<624x128xf32, #tpu.memory_space<hbm>>
        tpu.wait_dma2 semaphore(%run_scoped3A : memref<!tpu.dma_semaphore, #tpu.memory_space<semaphore_mem>>) src(%dma_wait3A_523 : memref<624x128xf32, #tpu.memory_space<hbm>>) dst(%dma_wait3A_521 : memref<624x128xf32, #tpu.memory_space<vmem_shared>>)
        tpu.yield
      }) : () -> ()
    } else {
    }
    %eq3A_100 = arith.constant 15 : i32
    %eq3A_101 = arith.cmpi eq, %arg1, %eq3A_100 : i32
    %convert_element_type3A_102 = arith.extui %eq3A_101 : i1 to i32
    %cond3A_103 = arith.constant 0 : i32
    %cond3A_104 = arith.cmpi ne, %convert_element_type3A_102, %cond3A_103 : i32
    scf.if %cond3A_104 {
      %add3A_513 = arith.constant 9360 : i32
      %add3A_514 = arith.addi %mul3A_94, %add3A_513 : i32
      "tpu.region"() ({
        %run_scoped3A = tpu.sem_alloc : memref<!tpu.dma_semaphore, #tpu.memory_space<semaphore_mem>>
        %dma_start3A = arith.constant 9360 : i32
        %dma_start3A_515 = arith.constant 0 : i32
        %dma_start3A_516 = tpu.memref_slice %arg7[%dma_start3A, %dma_start3A_515] : memref<10016x128xf32, #tpu.memory_space<vmem_shared>> -> memref<640x128xf32, #tpu.memory_space<vmem_shared>>
        %dma_start3A_517 = arith.constant 0 : i32
        %dma_start3A_518 = tpu.memref_slice %arg2[%add3A_514, %dma_start3A_517] : memref<100000x128xf32, #tpu.memory_space<hbm>> -> memref<640x128xf32, #tpu.memory_space<hbm>>
        tpu.enqueue_dma source(%dma_start3A_518 : memref<640x128xf32, #tpu.memory_space<hbm>>) target(%dma_start3A_516 : memref<640x128xf32, #tpu.memory_space<vmem_shared>>) target_semaphore(%run_scoped3A : memref<!tpu.dma_semaphore, #tpu.memory_space<semaphore_mem>>)
        %dma_wait3A = arith.constant 9360 : i32
        %dma_wait3A_519 = arith.constant 0 : i32
        %dma_wait3A_520 = tpu.memref_slice %arg7[%dma_wait3A, %dma_wait3A_519] : memref<10016x128xf32, #tpu.memory_space<vmem_shared>> -> memref<640x128xf32, #tpu.memory_space<vmem_shared>>
        %dma_wait3A_521 = arith.constant 0 : i32
        %dma_wait3A_522 = tpu.memref_slice %arg2[%add3A_514, %dma_wait3A_521] : memref<100000x128xf32, #tpu.memory_space<hbm>> -> memref<640x128xf32, #tpu.memory_space<hbm>>
        tpu.wait_dma2 semaphore(%run_scoped3A : memref<!tpu.dma_semaphore, #tpu.memory_space<semaphore_mem>>) src(%dma_wait3A_522 : memref<640x128xf32, #tpu.memory_space<hbm>>) dst(%dma_wait3A_520 : memref<640x128xf32, #tpu.memory_space<vmem_shared>>)
        tpu.yield
      }) : () -> ()
    } else {
    }
    %scan3A_105 = arith.constant 0 : i32
    %scan3A_106 = arith.constant 0 : i32
    %scan3A_107 = arith.constant 98 : i32
    %scan3A_108 = arith.addi %scan3A_106, %scan3A_107 : i32
    %scan3A_109 = arith.constant 1 : i32
    %scan3A_110 = scf.for %scan3A_513 = %scan3A_106 to %scan3A_108 step %scan3A_109 iter_args(%scan3A_514 = %scan3A_105) -> (i32)  : i32 {
      %mul3A_515 = arith.constant 16 : i32
      %mul3A_516 = arith.muli %scan3A_513, %mul3A_515 : i32
      %get3A = arith.index_cast %mul3A_516 : i32 to index
      %get3A_517 = tpu.vector_load %arg8[%get3A] {strides = array<i32>} : memref<1568xi32, #tpu.memory_space<vmem>>, vector<16xi32>,
      %mul3A_518 = arith.constant 1568 : i32
      %mul3A_519 = arith.muli %arg1, %mul3A_518 : i32
      %mul3A_520 = arith.constant 16 : i32
      %mul3A_521 = arith.muli %scan3A_513, %mul3A_520 : i32
      %add3A_522 = arith.addi %mul3A_519, %mul3A_521 : i32
      %add3A_523 = vector.broadcast %add3A_522 : i32 to vector<16xi32>
      %add3A_524 = arith.addi %add3A_523, %iota3A : vector<16xi32>
      %ge3A_525 = vector.broadcast %mul3A_94 : i32 to vector<16xi32>
      %ge3A_526 = arith.cmpi sge, %get3A_517, %ge3A_525 : vector<16xi32>
      %add3A_527 = arith.constant 10000 : i32
      %add3A_528 = arith.addi %mul3A_94, %add3A_527 : i32
      %lt3A_529 = vector.broadcast %add3A_528 : i32 to vector<16xi32>
      %lt3A_530 = arith.cmpi slt, %get3A_517, %lt3A_529 : vector<16xi32>
      %and3A_531 = arith.andi %ge3A_526, %lt3A_530 : vector<16xi1>
      %lt3A_532 = arith.constant 25000 : i32
      %lt3A_533 = vector.broadcast %lt3A_532 : i32 to vector<16xi32>
      %lt3A_534 = arith.cmpi slt, %add3A_524, %lt3A_533 : vector<16xi32>
      %and3A_535 = arith.andi %and3A_531, %lt3A_534 : vector<16xi1>
      %jit3A_536 = arith.constant 1 : i32
      %jit3A_537 = arith.constant 0 : i32
      %broadcast_in_dim3A_538 = vector.broadcast %jit3A_536 : i32 to vector<16xi32>
      %broadcast_in_dim3A_539 = vector.broadcast %jit3A_537 : i32 to vector<16xi32>
      %select_n3A_540 = arith.select %and3A_535, %broadcast_in_dim3A_538, %broadcast_in_dim3A_539 : vector<16xi1>, vector<16xi32>
      %broadcast_in_dim3A_541 = arith.constant true
      %broadcast_in_dim3A_542 = vector.broadcast %broadcast_in_dim3A_541 : i1 to vector<16xi1>
      %masked_cumsum3A = tpu.scan <sum>, %select_n3A_540 masked %broadcast_in_dim3A_542 : vector<16xi32>, vector<16xi1> -> vector<16xi32>
      %add3A_543 = vector.broadcast %scan3A_514 : i32 to vector<16xi32>
      %add3A_544 = arith.addi %add3A_543, %masked_cumsum3A : vector<16xi32>
      %sub3A_545 = arith.constant 1 : i32
      %sub3A_546 = vector.broadcast %sub3A_545 : i32 to vector<16xi32>
      %sub3A_547 = arith.subi %add3A_544, %sub3A_546 : vector<16xi32>
      %sub3A_548 = vector.broadcast %mul3A_94 : i32 to vector<16xi32>
      %sub3A_549 = arith.subi %get3A_517, %sub3A_548 : vector<16xi32>
      tpu.vector_store_idx %arg10[%sub3A_547], %sub3A_549 masked %and3A_535 : memref<1600xi32, #tpu.memory_space<vmem>>[vector<16xi32>], vector<16xi32>, vector<16xi1>
      tpu.vector_store_idx %arg9[%sub3A_547], %add3A_524 masked %and3A_535 : memref<1600xi32, #tpu.memory_space<vmem>>[vector<16xi32>], vector<16xi32>, vector<16xi1>
      %slice3A = vector.extract_strided_slice %masked_cumsum3A {offsets = [15], sizes = [1], strides = [1]} : vector<16xi32> to vector<1xi32>
      %squeeze3A = vector.extract %slice3A[0] : i32 from vector<1xi32>
      %add3A_550 = arith.addi %scan3A_514, %squeeze3A : i32
      scf.yield %add3A_550 : i32
    }
    %scan3A_111 = arith.constant 98 : i32
    %broadcast_in_dim3A_112 = arith.constant 10000 : i32
    %broadcast_in_dim3A_113 = vector.broadcast %broadcast_in_dim3A_112 : i32 to vector<16xi32>
    %add3A_114 = arith.constant 0 : i32
    %add3A_115 = arith.addi %scan3A_110, %add3A_114 : i32
    %swap3A_116 = arith.index_cast %add3A_115 : i32 to index
    %swap3A_117 = tpu.vector_load %arg10[%swap3A_116] {strides = array<i32>} : memref<1600xi32, #tpu.memory_space<vmem>>, vector<16xi32>,
    tpu.vector_store %arg10[%swap3A_116], %broadcast_in_dim3A_113 {strides = array<i32>} : memref<1600xi32, #tpu.memory_space<vmem>>, vector<16xi32>,
    %mul3A_118 = arith.constant 0 : i32
    %mul3A_119 = vector.broadcast %mul3A_118 : i32 to vector<16xi32>
    %mul3A_120 = arith.muli %iota3A, %mul3A_119 : vector<16xi32>
    %mul3A_121 = arith.constant 1568 : i32
    %mul3A_122 = arith.muli %arg1, %mul3A_121 : i32
    %add3A_123 = vector.broadcast %mul3A_122 : i32 to vector<16xi32>
    %add3A_124 = arith.addi %mul3A_120, %add3A_123 : vector<16xi32>
    %add3A_125 = arith.constant 0 : i32
    %add3A_126 = arith.addi %scan3A_110, %add3A_125 : i32
    %swap3A_127 = arith.index_cast %add3A_126 : i32 to index
    %swap3A_128 = tpu.vector_load %arg9[%swap3A_127] {strides = array<i32>} : memref<1600xi32, #tpu.memory_space<vmem>>, vector<16xi32>,
    tpu.vector_store %arg9[%swap3A_127], %add3A_124 {strides = array<i32>} : memref<1600xi32, #tpu.memory_space<vmem>>, vector<16xi32>,
    %broadcast_in_dim3A_129 = arith.constant 10000 : i32
    %broadcast_in_dim3A_130 = vector.broadcast %broadcast_in_dim3A_129 : i32 to vector<16xi32>
    %add3A_131 = arith.constant 16 : i32
    %add3A_132 = arith.addi %scan3A_110, %add3A_131 : i32
    %swap3A_133 = arith.index_cast %add3A_132 : i32 to index
    %swap3A_134 = tpu.vector_load %arg10[%swap3A_133] {strides = array<i32>} : memref<1600xi32, #tpu.memory_space<vmem>>, vector<16xi32>,
    tpu.vector_store %arg10[%swap3A_133], %broadcast_in_dim3A_130 {strides = array<i32>} : memref<1600xi32, #tpu.memory_space<vmem>>, vector<16xi32>,
    %mul3A_135 = arith.constant 0 : i32
    %mul3A_136 = vector.broadcast %mul3A_135 : i32 to vector<16xi32>
    %mul3A_137 = arith.muli %iota3A, %mul3A_136 : vector<16xi32>
    %mul3A_138 = arith.constant 1568 : i32
    %mul3A_139 = arith.muli %arg1, %mul3A_138 : i32
    %add3A_140 = vector.broadcast %mul3A_139 : i32 to vector<16xi32>
    %add3A_141 = arith.addi %mul3A_137, %add3A_140 : vector<16xi32>
    %add3A_142 = arith.constant 16 : i32
    %add3A_143 = arith.addi %scan3A_110, %add3A_142 : i32
    %swap3A_144 = arith.index_cast %add3A_143 : i32 to index
    %swap3A_145 = tpu.vector_load %arg9[%swap3A_144] {strides = array<i32>} : memref<1600xi32, #tpu.memory_space<vmem>>, vector<16xi32>,
    tpu.vector_store %arg9[%swap3A_144], %add3A_141 {strides = array<i32>} : memref<1600xi32, #tpu.memory_space<vmem>>, vector<16xi32>,
    %barrier3A_146 = arith.constant 0 : index
    tpu.barrier barrier_id(%barrier3A_146)
    %add3A_147 = arith.constant 15 : i32
    %add3A_148 = arith.addi %scan3A_110, %add3A_147 : i32
    %jit3A_149 = arith.constant 16 : i32
    %div3A_150 = arith.divsi %add3A_148, %jit3A_149 : i32
    %sign3A_151 = arith.constant 0 : i32
    %sign3A_152 = arith.cmpi sgt, %add3A_148, %sign3A_151 : i32
    %sign3A_153 = arith.extui %sign3A_152 : i1 to i32
    %sign3A_154 = arith.constant 0 : i32
    %sign3A_155 = arith.cmpi slt, %add3A_148, %sign3A_154 : i32
    %sign3A_156 = arith.extui %sign3A_155 : i1 to i32
    %sign3A_157 = arith.subi %sign3A_153, %sign3A_156 : i32
    %sign3A_158 = arith.constant 0 : i32
    %sign3A_159 = arith.cmpi sgt, %jit3A_149, %sign3A_158 : i32
    %sign3A_160 = arith.extui %sign3A_159 : i1 to i32
    %sign3A_161 = arith.constant 0 : i32
    %sign3A_162 = arith.cmpi slt, %jit3A_149, %sign3A_161 : i32
    %sign3A_163 = arith.extui %sign3A_162 : i1 to i32
    %sign3A_164 = arith.subi %sign3A_160, %sign3A_163 : i32
    %ne3A_165 = arith.cmpi ne, %sign3A_157, %sign3A_164 : i32
    %rem3A_166 = arith.remsi %add3A_148, %jit3A_149 : i32
    %ne3A_167 = arith.constant 0 : i32
    %ne3A_168 = arith.cmpi ne, %rem3A_166, %ne3A_167 : i32
    %and3A_169 = arith.andi %ne3A_165, %ne3A_168 : i1
    %sub3A_170 = arith.constant 1 : i32
    %sub3A_171 = arith.subi %div3A_150, %sub3A_170 : i32
    %select_n3A_172 = arith.select %and3A_169, %sub3A_171, %div3A_150 : i32
    %lt3A_173 = arith.constant 8 : i32
    %lt3A_174 = arith.cmpi slt, %arg1, %lt3A_173 : i32
    %convert_element_type3A_175 = arith.extui %lt3A_174 : i1 to i32
    %cond3A_176 = arith.constant 0 : i32
    %cond3A_177 = arith.cmpi ne, %convert_element_type3A_175, %cond3A_176 : i32
    scf.if %cond3A_177 {
      %while3A = arith.constant 0 : i32
      %while3A_513 = arith.constant 0 : i32
      %while3A_514 = arith.subi %select_n3A_172, %while3A_513 : i32
      %while3A_515 = arith.addi %while3A_513, %while3A_514 : i32
      %while3A_516 = arith.constant 1 : i32
      %while3A_517 = arith.divsi %while3A_514, %while3A_516 : i32
      %while3A_518 = arith.muli %while3A_517, %while3A_516 : i32
      %while3A_519 = arith.addi %while3A_513, %while3A_518 : i32
      %while3A_520 = arith.constant 1 : i32
      scf.for %while3A_522 = %while3A_513 to %while3A_519 step %while3A_520  : i32 {
        %mul3A_523 = arith.constant 16 : i32
        %mul3A_524 = arith.muli %while3A_522, %mul3A_523 : i32
        %get3A = arith.index_cast %mul3A_524 : i32 to index
        %get3A_525 = tpu.vector_load %arg9[%get3A] {strides = array<i32>} : memref<1600xi32, #tpu.memory_space<vmem>>, vector<16xi32>,
        %sub3A_526 = arith.constant 0 : i32
        %sub3A_527 = vector.broadcast %sub3A_526 : i32 to vector<16xi32>
        %sub3A_528 = arith.subi %get3A_525, %sub3A_527 : vector<16xi32>
        %dma_start3A = arith.constant 0 : i32
        %dma_start3A_529 = arith.constant 0 : i32
        %dma_start3A_530 = tpu.memref_slice %arg4[%dma_start3A, %dma_start3A_529] : memref<12544x128xf32, #tpu.memory_space<hbm>> -> memref<12544x128xf32, #tpu.memory_space<hbm>>
        tpu.enqueue_indirect_dma source(%dma_start3A_530 : memref<12544x128xf32, #tpu.memory_space<hbm>>) target(%arg11 : memref<16x128xf32, #tpu.memory_space<vmem>>) offsets(%sub3A_528 : vector<16xi32>) semaphore(%arg13 : memref<!tpu.dma_semaphore, #tpu.memory_space<semaphore_mem>>)
        %dma_wait3A = arith.constant 0 : i32
        %dma_wait3A_531 = arith.constant 0 : i32
        %dma_wait3A_532 = tpu.memref_slice %arg4[%dma_wait3A, %dma_wait3A_531] : memref<12544x128xf32, #tpu.memory_space<hbm>> -> memref<12544x128xf32, #tpu.memory_space<hbm>>
        tpu.wait_indirect_dma semaphore(%arg13 : memref<!tpu.dma_semaphore, #tpu.memory_space<semaphore_mem>>) src(%dma_wait3A_532 : memref<12544x128xf32, #tpu.memory_space<hbm>>) dst(%arg11 : memref<16x128xf32, #tpu.memory_space<vmem>>)
        %mul3A_533 = arith.constant 16 : i32
        %mul3A_534 = arith.muli %while3A_522, %mul3A_533 : i32
        %get3A_535 = arith.index_cast %mul3A_534 : i32 to index
        %get3A_536 = tpu.vector_load %arg10[%get3A_535] {strides = array<i32>} : memref<1600xi32, #tpu.memory_space<vmem>>, vector<16xi32>,
        "tpu.region"() ({
          %run_scoped3A = tpu.sem_alloc : memref<!tpu.dma_semaphore, #tpu.memory_space<semaphore_mem>>
          %dma_start3A_537 = arith.constant 0 : i32
          %dma_start3A_538 = arith.constant 0 : i32
          %dma_start3A_539 = tpu.memref_slice %arg7[%dma_start3A_537, %dma_start3A_538] : memref<10016x128xf32, #tpu.memory_space<vmem_shared>> -> memref<10016x128xf32, #tpu.memory_space<vmem_shared>>
          tpu.enqueue_indirect_dma source(%arg11 : memref<16x128xf32, #tpu.memory_space<vmem>>) target(%dma_start3A_539 : memref<10016x128xf32, #tpu.memory_space<vmem_shared>>) offsets(%get3A_536 : vector<16xi32>) semaphore(%run_scoped3A : memref<!tpu.dma_semaphore, #tpu.memory_space<semaphore_mem>>) {add = true}
          %dma_wait3A_540 = arith.constant 0 : i32
          %dma_wait3A_541 = arith.constant 0 : i32
          %dma_wait3A_542 = tpu.memref_slice %arg7[%dma_wait3A_540, %dma_wait3A_541] : memref<10016x128xf32, #tpu.memory_space<vmem_shared>> -> memref<10016x128xf32, #tpu.memory_space<vmem_shared>>
          tpu.wait_indirect_dma semaphore(%run_scoped3A : memref<!tpu.dma_semaphore, #tpu.memory_space<semaphore_mem>>) src(%arg11 : memref<16x128xf32, #tpu.memory_space<vmem>>) dst(%dma_wait3A_542 : memref<10016x128xf32, #tpu.memory_space<vmem_shared>>)
          tpu.yield
        }) : () -> ()
      }
      %while3A_521 = arith.constant 1 : i32
      scf.for %while3A_522 = %while3A_519 to %while3A_515 step %while3A_521  : i32 {
        %mul3A_523 = arith.constant 16 : i32
        %mul3A_524 = arith.muli %while3A_522, %mul3A_523 : i32
        %get3A = arith.index_cast %mul3A_524 : i32 to index
        %get3A_525 = tpu.vector_load %arg9[%get3A] {strides = array<i32>} : memref<1600xi32, #tpu.memory_space<vmem>>, vector<16xi32>,
        %sub3A_526 = arith.constant 0 : i32
        %sub3A_527 = vector.broadcast %sub3A_526 : i32 to vector<16xi32>
        %sub3A_528 = arith.subi %get3A_525, %sub3A_527 : vector<16xi32>
        %dma_start3A = arith.constant 0 : i32
        %dma_start3A_529 = arith.constant 0 : i32
        %dma_start3A_530 = tpu.memref_slice %arg4[%dma_start3A, %dma_start3A_529] : memref<12544x128xf32, #tpu.memory_space<hbm>> -> memref<12544x128xf32, #tpu.memory_space<hbm>>
        tpu.enqueue_indirect_dma source(%dma_start3A_530 : memref<12544x128xf32, #tpu.memory_space<hbm>>) target(%arg11 : memref<16x128xf32, #tpu.memory_space<vmem>>) offsets(%sub3A_528 : vector<16xi32>) semaphore(%arg13 : memref<!tpu.dma_semaphore, #tpu.memory_space<semaphore_mem>>)
        %dma_wait3A = arith.constant 0 : i32
        %dma_wait3A_531 = arith.constant 0 : i32
        %dma_wait3A_532 = tpu.memref_slice %arg4[%dma_wait3A, %dma_wait3A_531] : memref<12544x128xf32, #tpu.memory_space<hbm>> -> memref<12544x128xf32, #tpu.memory_space<hbm>>
        tpu.wait_indirect_dma semaphore(%arg13 : memref<!tpu.dma_semaphore, #tpu.memory_space<semaphore_mem>>) src(%dma_wait3A_532 : memref<12544x128xf32, #tpu.memory_space<hbm>>) dst(%arg11 : memref<16x128xf32, #tpu.memory_space<vmem>>)
        %mul3A_533 = arith.constant 16 : i32
        %mul3A_534 = arith.muli %while3A_522, %mul3A_533 : i32
        %get3A_535 = arith.index_cast %mul3A_534 : i32 to index
        %get3A_536 = tpu.vector_load %arg10[%get3A_535] {strides = array<i32>} : memref<1600xi32, #tpu.memory_space<vmem>>, vector<16xi32>,
        "tpu.region"() ({
          %run_scoped3A = tpu.sem_alloc : memref<!tpu.dma_semaphore, #tpu.memory_space<semaphore_mem>>
          %dma_start3A_537 = arith.constant 0 : i32
          %dma_start3A_538 = arith.constant 0 : i32
          %dma_start3A_539 = tpu.memref_slice %arg7[%dma_start3A_537, %dma_start3A_538] : memref<10016x128xf32, #tpu.memory_space<vmem_shared>> -> memref<10016x128xf32, #tpu.memory_space<vmem_shared>>
          tpu.enqueue_indirect_dma source(%arg11 : memref<16x128xf32, #tpu.memory_space<vmem>>) target(%dma_start3A_539 : memref<10016x128xf32, #tpu.memory_space<vmem_shared>>) offsets(%get3A_536 : vector<16xi32>) semaphore(%run_scoped3A : memref<!tpu.dma_semaphore, #tpu.memory_space<semaphore_mem>>) {add = true}
          %dma_wait3A_540 = arith.constant 0 : i32
          %dma_wait3A_541 = arith.constant 0 : i32
          %dma_wait3A_542 = tpu.memref_slice %arg7[%dma_wait3A_540, %dma_wait3A_541] : memref<10016x128xf32, #tpu.memory_space<vmem_shared>> -> memref<10016x128xf32, #tpu.memory_space<vmem_shared>>
          tpu.wait_indirect_dma semaphore(%run_scoped3A : memref<!tpu.dma_semaphore, #tpu.memory_space<semaphore_mem>>) src(%arg11 : memref<16x128xf32, #tpu.memory_space<vmem>>) dst(%dma_wait3A_542 : memref<10016x128xf32, #tpu.memory_space<vmem_shared>>)
          tpu.yield
        }) : () -> ()
      }
    } else {
    }
    %ge3A_178 = arith.constant 8 : i32
    %ge3A_179 = arith.cmpi sge, %arg1, %ge3A_178 : i32
    %convert_element_type3A_180 = arith.extui %ge3A_179 : i1 to i32
    %cond3A_181 = arith.constant 0 : i32
    %cond3A_182 = arith.cmpi ne, %convert_element_type3A_180, %cond3A_181 : i32
    scf.if %cond3A_182 {
      %while3A = arith.constant 0 : i32
      %while3A_513 = arith.constant 0 : i32
      %while3A_514 = arith.subi %select_n3A_172, %while3A_513 : i32
      %while3A_515 = arith.addi %while3A_513, %while3A_514 : i32
      %while3A_516 = arith.constant 1 : i32
      %while3A_517 = arith.divsi %while3A_514, %while3A_516 : i32
      %while3A_518 = arith.muli %while3A_517, %while3A_516 : i32
      %while3A_519 = arith.addi %while3A_513, %while3A_518 : i32
      %while3A_520 = arith.constant 1 : i32
      scf.for %while3A_522 = %while3A_513 to %while3A_519 step %while3A_520  : i32 {
        %mul3A_523 = arith.constant 16 : i32
        %mul3A_524 = arith.muli %while3A_522, %mul3A_523 : i32
        %get3A = arith.index_cast %mul3A_524 : i32 to index
        %get3A_525 = tpu.vector_load %arg9[%get3A] {strides = array<i32>} : memref<1600xi32, #tpu.memory_space<vmem>>, vector<16xi32>,
        %sub3A_526 = arith.constant 12544 : i32
        %sub3A_527 = vector.broadcast %sub3A_526 : i32 to vector<16xi32>
        %sub3A_528 = arith.subi %get3A_525, %sub3A_527 : vector<16xi32>
        %dma_start3A = arith.constant 0 : i32
        %dma_start3A_529 = arith.constant 0 : i32
        %dma_start3A_530 = tpu.memref_slice %arg5[%dma_start3A, %dma_start3A_529] : memref<12544x128xf32, #tpu.memory_space<hbm>> -> memref<12544x128xf32, #tpu.memory_space<hbm>>
        tpu.enqueue_indirect_dma source(%dma_start3A_530 : memref<12544x128xf32, #tpu.memory_space<hbm>>) target(%arg11 : memref<16x128xf32, #tpu.memory_space<vmem>>) offsets(%sub3A_528 : vector<16xi32>) semaphore(%arg13 : memref<!tpu.dma_semaphore, #tpu.memory_space<semaphore_mem>>)
        %dma_wait3A = arith.constant 0 : i32
        %dma_wait3A_531 = arith.constant 0 : i32
        %dma_wait3A_532 = tpu.memref_slice %arg5[%dma_wait3A, %dma_wait3A_531] : memref<12544x128xf32, #tpu.memory_space<hbm>> -> memref<12544x128xf32, #tpu.memory_space<hbm>>
        tpu.wait_indirect_dma semaphore(%arg13 : memref<!tpu.dma_semaphore, #tpu.memory_space<semaphore_mem>>) src(%dma_wait3A_532 : memref<12544x128xf32, #tpu.memory_space<hbm>>) dst(%arg11 : memref<16x128xf32, #tpu.memory_space<vmem>>)
        %mul3A_533 = arith.constant 16 : i32
        %mul3A_534 = arith.muli %while3A_522, %mul3A_533 : i32
        %get3A_535 = arith.index_cast %mul3A_534 : i32 to index
        %get3A_536 = tpu.vector_load %arg10[%get3A_535] {strides = array<i32>} : memref<1600xi32, #tpu.memory_space<vmem>>, vector<16xi32>,
        "tpu.region"() ({
          %run_scoped3A = tpu.sem_alloc : memref<!tpu.dma_semaphore, #tpu.memory_space<semaphore_mem>>
          %dma_start3A_537 = arith.constant 0 : i32
          %dma_start3A_538 = arith.constant 0 : i32
          %dma_start3A_539 = tpu.memref_slice %arg7[%dma_start3A_537, %dma_start3A_538] : memref<10016x128xf32, #tpu.memory_space<vmem_shared>> -> memref<10016x128xf32, #tpu.memory_space<vmem_shared>>
          tpu.enqueue_indirect_dma source(%arg11 : memref<16x128xf32, #tpu.memory_space<vmem>>) target(%dma_start3A_539 : memref<10016x128xf32, #tpu.memory_space<vmem_shared>>) offsets(%get3A_536 : vector<16xi32>) semaphore(%run_scoped3A : memref<!tpu.dma_semaphore, #tpu.memory_space<semaphore_mem>>) {add = true}
          %dma_wait3A_540 = arith.constant 0 : i32
          %dma_wait3A_541 = arith.constant 0 : i32
          %dma_wait3A_542 = tpu.memref_slice %arg7[%dma_wait3A_540, %dma_wait3A_541] : memref<10016x128xf32, #tpu.memory_space<vmem_shared>> -> memref<10016x128xf32, #tpu.memory_space<vmem_shared>>
          tpu.wait_indirect_dma semaphore(%run_scoped3A : memref<!tpu.dma_semaphore, #tpu.memory_space<semaphore_mem>>) src(%arg11 : memref<16x128xf32, #tpu.memory_space<vmem>>) dst(%dma_wait3A_542 : memref<10016x128xf32, #tpu.memory_space<vmem_shared>>)
          tpu.yield
        }) : () -> ()
      }
      %while3A_521 = arith.constant 1 : i32
      scf.for %while3A_522 = %while3A_519 to %while3A_515 step %while3A_521  : i32 {
        %mul3A_523 = arith.constant 16 : i32
        %mul3A_524 = arith.muli %while3A_522, %mul3A_523 : i32
        %get3A = arith.index_cast %mul3A_524 : i32 to index
        %get3A_525 = tpu.vector_load %arg9[%get3A] {strides = array<i32>} : memref<1600xi32, #tpu.memory_space<vmem>>, vector<16xi32>,
        %sub3A_526 = arith.constant 12544 : i32
        %sub3A_527 = vector.broadcast %sub3A_526 : i32 to vector<16xi32>
        %sub3A_528 = arith.subi %get3A_525, %sub3A_527 : vector<16xi32>
        %dma_start3A = arith.constant 0 : i32
        %dma_start3A_529 = arith.constant 0 : i32
        %dma_start3A_530 = tpu.memref_slice %arg5[%dma_start3A, %dma_start3A_529] : memref<12544x128xf32, #tpu.memory_space<hbm>> -> memref<12544x128xf32, #tpu.memory_space<hbm>>
        tpu.enqueue_indirect_dma source(%dma_start3A_530 : memref<12544x128xf32, #tpu.memory_space<hbm>>) target(%arg11 : memref<16x128xf32, #tpu.memory_space<vmem>>) offsets(%sub3A_528 : vector<16xi32>) semaphore(%arg13 : memref<!tpu.dma_semaphore, #tpu.memory_space<semaphore_mem>>)
        %dma_wait3A = arith.constant 0 : i32
        %dma_wait3A_531 = arith.constant 0 : i32
        %dma_wait3A_532 = tpu.memref_slice %arg5[%dma_wait3A, %dma_wait3A_531] : memref<12544x128xf32, #tpu.memory_space<hbm>> -> memref<12544x128xf32, #tpu.memory_space<hbm>>
        tpu.wait_indirect_dma semaphore(%arg13 : memref<!tpu.dma_semaphore, #tpu.memory_space<semaphore_mem>>) src(%dma_wait3A_532 : memref<12544x128xf32, #tpu.memory_space<hbm>>) dst(%arg11 : memref<16x128xf32, #tpu.memory_space<vmem>>)
        %mul3A_533 = arith.constant 16 : i32
        %mul3A_534 = arith.muli %while3A_522, %mul3A_533 : i32
        %get3A_535 = arith.index_cast %mul3A_534 : i32 to index
        %get3A_536 = tpu.vector_load %arg10[%get3A_535] {strides = array<i32>} : memref<1600xi32, #tpu.memory_space<vmem>>, vector<16xi32>,
        "tpu.region"() ({
          %run_scoped3A = tpu.sem_alloc : memref<!tpu.dma_semaphore, #tpu.memory_space<semaphore_mem>>
          %dma_start3A_537 = arith.constant 0 : i32
          %dma_start3A_538 = arith.constant 0 : i32
          %dma_start3A_539 = tpu.memref_slice %arg7[%dma_start3A_537, %dma_start3A_538] : memref<10016x128xf32, #tpu.memory_space<vmem_shared>> -> memref<10016x128xf32, #tpu.memory_space<vmem_shared>>
          tpu.enqueue_indirect_dma source(%arg11 : memref<16x128xf32, #tpu.memory_space<vmem>>) target(%dma_start3A_539 : memref<10016x128xf32, #tpu.memory_space<vmem_shared>>) offsets(%get3A_536 : vector<16xi32>) semaphore(%run_scoped3A : memref<!tpu.dma_semaphore, #tpu.memory_space<semaphore_mem>>) {add = true}
          %dma_wait3A_540 = arith.constant 0 : i32
          %dma_wait3A_541 = arith.constant 0 : i32
          %dma_wait3A_542 = tpu.memref_slice %arg7[%dma_wait3A_540, %dma_wait3A_541] : memref<10016x128xf32, #tpu.memory_space<vmem_shared>> -> memref<10016x128xf32, #tpu.memory_space<vmem_shared>>
          tpu.wait_indirect_dma semaphore(%run_scoped3A : memref<!tpu.dma_semaphore, #tpu.memory_space<semaphore_mem>>) src(%arg11 : memref<16x128xf32, #tpu.memory_space<vmem>>) dst(%dma_wait3A_542 : memref<10016x128xf32, #tpu.memory_space<vmem_shared>>)
          tpu.yield
        }) : () -> ()
      }
    } else {
    }
    %barrier3A_183 = arith.constant 0 : index
    tpu.barrier barrier_id(%barrier3A_183)
    %lt3A_184 = arith.constant 15 : i32
    %lt3A_185 = arith.cmpi slt, %arg1, %lt3A_184 : i32
    %convert_element_type3A_186 = arith.extui %lt3A_185 : i1 to i32
    %cond3A_187 = arith.constant 0 : i32
    %cond3A_188 = arith.cmpi ne, %convert_element_type3A_186, %cond3A_187 : i32
    scf.if %cond3A_188 {
      %mul3A_513 = arith.constant 624 : i32
      %mul3A_514 = arith.muli %arg1, %mul3A_513 : i32
      %mul3A_515 = arith.constant 624 : i32
      %mul3A_516 = arith.muli %arg1, %mul3A_515 : i32
      %add3A_517 = arith.addi %mul3A_94, %mul3A_516 : i32
      "tpu.region"() ({
        %run_scoped3A = tpu.sem_alloc : memref<!tpu.dma_semaphore, #tpu.memory_space<semaphore_mem>>
        %dma_start3A = arith.constant 0 : i32
        %dma_start3A_518 = tpu.memref_slice %arg6[%add3A_517, %dma_start3A] : memref<100000x128xf32, #tpu.memory_space<hbm>> -> memref<624x128xf32, #tpu.memory_space<hbm>>
        %dma_start3A_519 = arith.constant 0 : i32
        %dma_start3A_520 = tpu.memref_slice %arg7[%mul3A_514, %dma_start3A_519] : memref<10016x128xf32, #tpu.memory_space<vmem_shared>> -> memref<624x128xf32, #tpu.memory_space<vmem_shared>>
        tpu.enqueue_dma source(%dma_start3A_520 : memref<624x128xf32, #tpu.memory_space<vmem_shared>>) target(%dma_start3A_518 : memref<624x128xf32, #tpu.memory_space<hbm>>) target_semaphore(%run_scoped3A : memref<!tpu.dma_semaphore, #tpu.memory_space<semaphore_mem>>)
        %dma_wait3A = arith.constant 0 : i32
        %dma_wait3A_521 = tpu.memref_slice %arg6[%add3A_517, %dma_wait3A] : memref<100000x128xf32, #tpu.memory_space<hbm>> -> memref<624x128xf32, #tpu.memory_space<hbm>>
        %dma_wait3A_522 = arith.constant 0 : i32
        %dma_wait3A_523 = tpu.memref_slice %arg7[%mul3A_514, %dma_wait3A_522] : memref<10016x128xf32, #tpu.memory_space<vmem_shared>> -> memref<624x128xf32, #tpu.memory_space<vmem_shared>>
        tpu.wait_dma2 semaphore(%run_scoped3A : memref<!tpu.dma_semaphore, #tpu.memory_space<semaphore_mem>>) src(%dma_wait3A_523 : memref<624x128xf32, #tpu.memory_space<vmem_shared>>) dst(%dma_wait3A_521 : memref<624x128xf32, #tpu.memory_space<hbm>>)
        tpu.yield
      }) : () -> ()
    } else {
    }
    %eq3A_189 = arith.constant 15 : i32
    %eq3A_190 = arith.cmpi eq, %arg1, %eq3A_189 : i32
    %convert_element_type3A_191 = arith.extui %eq3A_190 : i1 to i32
    %cond3A_192 = arith.constant 0 : i32
    %cond3A_193 = arith.cmpi ne, %convert_element_type3A_191, %cond3A_192 : i32
    scf.if %cond3A_193 {
      %add3A_513 = arith.constant 9360 : i32
      %add3A_514 = arith.addi %mul3A_94, %add3A_513 : i32
      "tpu.region"() ({
        %run_scoped3A = tpu.sem_alloc : memref<!tpu.dma_semaphore, #tpu.memory_space<semaphore_mem>>
        %dma_start3A = arith.constant 0 : i32
        %dma_start3A_515 = tpu.memref_slice %arg6[%add3A_514, %dma_start3A] : memref<100000x128xf32, #tpu.memory_space<hbm>> -> memref<640x128xf32, #tpu.memory_space<hbm>>
        %dma_start3A_516 = arith.constant 9360 : i32
        %dma_start3A_517 = arith.constant 0 : i32
        %dma_start3A_518 = tpu.memref_slice %arg7[%dma_start3A_516, %dma_start3A_517] : memref<10016x128xf32, #tpu.memory_space<vmem_shared>> -> memref<640x128xf32, #tpu.memory_space<vmem_shared>>
        tpu.enqueue_dma source(%dma_start3A_518 : memref<640x128xf32, #tpu.memory_space<vmem_shared>>) target(%dma_start3A_515 : memref<640x128xf32, #tpu.memory_space<hbm>>) target_semaphore(%run_scoped3A : memref<!tpu.dma_semaphore, #tpu.memory_space<semaphore_mem>>)
        %dma_wait3A = arith.constant 0 : i32
        %dma_wait3A_519 = tpu.memref_slice %arg6[%add3A_514, %dma_wait3A] : memref<100000x128xf32, #tpu.memory_space<hbm>> -> memref<640x128xf32, #tpu.memory_space<hbm>>
        %dma_wait3A_520 = arith.constant 9360 : i32
        %dma_wait3A_521 = arith.constant 0 : i32
        %dma_wait3A_522 = tpu.memref_slice %arg7[%dma_wait3A_520, %dma_wait3A_521] : memref<10016x128xf32, #tpu.memory_space<vmem_shared>> -> memref<640x128xf32, #tpu.memory_space<vmem_shared>>
        tpu.wait_dma2 semaphore(%run_scoped3A : memref<!tpu.dma_semaphore, #tpu.memory_space<semaphore_mem>>) src(%dma_wait3A_522 : memref<640x128xf32, #tpu.memory_space<vmem_shared>>) dst(%dma_wait3A_519 : memref<640x128xf32, #tpu.memory_space<hbm>>)
        tpu.yield
      }) : () -> ()
    } else {
    }
    %barrier3A_194 = arith.constant 0 : index
    tpu.barrier barrier_id(%barrier3A_194)
    %mul3A_195 = arith.constant 5 : i32
    %mul3A_196 = arith.muli %arg0, %mul3A_195 : i32
    %add3A_197 = arith.constant 2 : i32
    %add3A_198 = arith.addi %mul3A_196, %add3A_197 : i32
    %mul3A_199 = arith.constant 10000 : i32
    %mul3A_200 = arith.muli %add3A_198, %mul3A_199 : i32
    %lt3A_201 = arith.constant 15 : i32
    %lt3A_202 = arith.cmpi slt, %arg1, %lt3A_201 : i32
    %convert_element_type3A_203 = arith.extui %lt3A_202 : i1 to i32
    %cond3A_204 = arith.constant 0 : i32
    %cond3A_205 = arith.cmpi ne, %convert_element_type3A_203, %cond3A_204 : i32
    scf.if %cond3A_205 {
      %mul3A_513 = arith.constant 624 : i32
      %mul3A_514 = arith.muli %arg1, %mul3A_513 : i32
      %add3A_515 = arith.addi %mul3A_200, %mul3A_514 : i32
      %mul3A_516 = arith.constant 624 : i32
      %mul3A_517 = arith.muli %arg1, %mul3A_516 : i32
      "tpu.region"() ({
        %run_scoped3A = tpu.sem_alloc : memref<!tpu.dma_semaphore, #tpu.memory_space<semaphore_mem>>
        %dma_start3A = arith.constant 0 : i32
        %dma_start3A_518 = tpu.memref_slice %arg7[%mul3A_517, %dma_start3A] : memref<10016x128xf32, #tpu.memory_space<vmem_shared>> -> memref<624x128xf32, #tpu.memory_space<vmem_shared>>
        %dma_start3A_519 = arith.constant 0 : i32
        %dma_start3A_520 = tpu.memref_slice %arg2[%add3A_515, %dma_start3A_519] : memref<100000x128xf32, #tpu.memory_space<hbm>> -> memref<624x128xf32, #tpu.memory_space<hbm>>
        tpu.enqueue_dma source(%dma_start3A_520 : memref<624x128xf32, #tpu.memory_space<hbm>>) target(%dma_start3A_518 : memref<624x128xf32, #tpu.memory_space<vmem_shared>>) target_semaphore(%run_scoped3A : memref<!tpu.dma_semaphore, #tpu.memory_space<semaphore_mem>>)
        %dma_wait3A = arith.constant 0 : i32
        %dma_wait3A_521 = tpu.memref_slice %arg7[%mul3A_517, %dma_wait3A] : memref<10016x128xf32, #tpu.memory_space<vmem_shared>> -> memref<624x128xf32, #tpu.memory_space<vmem_shared>>
        %dma_wait3A_522 = arith.constant 0 : i32
        %dma_wait3A_523 = tpu.memref_slice %arg2[%add3A_515, %dma_wait3A_522] : memref<100000x128xf32, #tpu.memory_space<hbm>> -> memref<624x128xf32, #tpu.memory_space<hbm>>
        tpu.wait_dma2 semaphore(%run_scoped3A : memref<!tpu.dma_semaphore, #tpu.memory_space<semaphore_mem>>) src(%dma_wait3A_523 : memref<624x128xf32, #tpu.memory_space<hbm>>) dst(%dma_wait3A_521 : memref<624x128xf32, #tpu.memory_space<vmem_shared>>)
        tpu.yield
      }) : () -> ()
    } else {
    }
    %eq3A_206 = arith.constant 15 : i32
    %eq3A_207 = arith.cmpi eq, %arg1, %eq3A_206 : i32
    %convert_element_type3A_208 = arith.extui %eq3A_207 : i1 to i32
    %cond3A_209 = arith.constant 0 : i32
    %cond3A_210 = arith.cmpi ne, %convert_element_type3A_208, %cond3A_209 : i32
    scf.if %cond3A_210 {
      %add3A_513 = arith.constant 9360 : i32
      %add3A_514 = arith.addi %mul3A_200, %add3A_513 : i32
      "tpu.region"() ({
        %run_scoped3A = tpu.sem_alloc : memref<!tpu.dma_semaphore, #tpu.memory_space<semaphore_mem>>
        %dma_start3A = arith.constant 9360 : i32
        %dma_start3A_515 = arith.constant 0 : i32
        %dma_start3A_516 = tpu.memref_slice %arg7[%dma_start3A, %dma_start3A_515] : memref<10016x128xf32, #tpu.memory_space<vmem_shared>> -> memref<640x128xf32, #tpu.memory_space<vmem_shared>>
        %dma_start3A_517 = arith.constant 0 : i32
        %dma_start3A_518 = tpu.memref_slice %arg2[%add3A_514, %dma_start3A_517] : memref<100000x128xf32, #tpu.memory_space<hbm>> -> memref<640x128xf32, #tpu.memory_space<hbm>>
        tpu.enqueue_dma source(%dma_start3A_518 : memref<640x128xf32, #tpu.memory_space<hbm>>) target(%dma_start3A_516 : memref<640x128xf32, #tpu.memory_space<vmem_shared>>) target_semaphore(%run_scoped3A : memref<!tpu.dma_semaphore, #tpu.memory_space<semaphore_mem>>)
        %dma_wait3A = arith.constant 9360 : i32
        %dma_wait3A_519 = arith.constant 0 : i32
        %dma_wait3A_520 = tpu.memref_slice %arg7[%dma_wait3A, %dma_wait3A_519] : memref<10016x128xf32, #tpu.memory_space<vmem_shared>> -> memref<640x128xf32, #tpu.memory_space<vmem_shared>>
        %dma_wait3A_521 = arith.constant 0 : i32
        %dma_wait3A_522 = tpu.memref_slice %arg2[%add3A_514, %dma_wait3A_521] : memref<100000x128xf32, #tpu.memory_space<hbm>> -> memref<640x128xf32, #tpu.memory_space<hbm>>
        tpu.wait_dma2 semaphore(%run_scoped3A : memref<!tpu.dma_semaphore, #tpu.memory_space<semaphore_mem>>) src(%dma_wait3A_522 : memref<640x128xf32, #tpu.memory_space<hbm>>) dst(%dma_wait3A_520 : memref<640x128xf32, #tpu.memory_space<vmem_shared>>)
        tpu.yield
      }) : () -> ()
    } else {
    }
    %scan3A_211 = arith.constant 0 : i32
    %scan3A_212 = arith.constant 0 : i32
    %scan3A_213 = arith.constant 98 : i32
    %scan3A_214 = arith.addi %scan3A_212, %scan3A_213 : i32
    %scan3A_215 = arith.constant 1 : i32
    %scan3A_216 = scf.for %scan3A_513 = %scan3A_212 to %scan3A_214 step %scan3A_215 iter_args(%scan3A_514 = %scan3A_211) -> (i32)  : i32 {
      %mul3A_515 = arith.constant 16 : i32
      %mul3A_516 = arith.muli %scan3A_513, %mul3A_515 : i32
      %get3A = arith.index_cast %mul3A_516 : i32 to index
      %get3A_517 = tpu.vector_load %arg8[%get3A] {strides = array<i32>} : memref<1568xi32, #tpu.memory_space<vmem>>, vector<16xi32>,
      %mul3A_518 = arith.constant 1568 : i32
      %mul3A_519 = arith.muli %arg1, %mul3A_518 : i32
      %mul3A_520 = arith.constant 16 : i32
      %mul3A_521 = arith.muli %scan3A_513, %mul3A_520 : i32
      %add3A_522 = arith.addi %mul3A_519, %mul3A_521 : i32
      %add3A_523 = vector.broadcast %add3A_522 : i32 to vector<16xi32>
      %add3A_524 = arith.addi %add3A_523, %iota3A : vector<16xi32>
      %ge3A_525 = vector.broadcast %mul3A_200 : i32 to vector<16xi32>
      %ge3A_526 = arith.cmpi sge, %get3A_517, %ge3A_525 : vector<16xi32>
      %add3A_527 = arith.constant 10000 : i32
      %add3A_528 = arith.addi %mul3A_200, %add3A_527 : i32
      %lt3A_529 = vector.broadcast %add3A_528 : i32 to vector<16xi32>
      %lt3A_530 = arith.cmpi slt, %get3A_517, %lt3A_529 : vector<16xi32>
      %and3A_531 = arith.andi %ge3A_526, %lt3A_530 : vector<16xi1>
      %lt3A_532 = arith.constant 25000 : i32
      %lt3A_533 = vector.broadcast %lt3A_532 : i32 to vector<16xi32>
      %lt3A_534 = arith.cmpi slt, %add3A_524, %lt3A_533 : vector<16xi32>
      %and3A_535 = arith.andi %and3A_531, %lt3A_534 : vector<16xi1>
      %jit3A_536 = arith.constant 1 : i32
      %jit3A_537 = arith.constant 0 : i32
      %broadcast_in_dim3A_538 = vector.broadcast %jit3A_536 : i32 to vector<16xi32>
      %broadcast_in_dim3A_539 = vector.broadcast %jit3A_537 : i32 to vector<16xi32>
      %select_n3A_540 = arith.select %and3A_535, %broadcast_in_dim3A_538, %broadcast_in_dim3A_539 : vector<16xi1>, vector<16xi32>
      %broadcast_in_dim3A_541 = arith.constant true
      %broadcast_in_dim3A_542 = vector.broadcast %broadcast_in_dim3A_541 : i1 to vector<16xi1>
      %masked_cumsum3A = tpu.scan <sum>, %select_n3A_540 masked %broadcast_in_dim3A_542 : vector<16xi32>, vector<16xi1> -> vector<16xi32>
      %add3A_543 = vector.broadcast %scan3A_514 : i32 to vector<16xi32>
      %add3A_544 = arith.addi %add3A_543, %masked_cumsum3A : vector<16xi32>
      %sub3A_545 = arith.constant 1 : i32
      %sub3A_546 = vector.broadcast %sub3A_545 : i32 to vector<16xi32>
      %sub3A_547 = arith.subi %add3A_544, %sub3A_546 : vector<16xi32>
      %sub3A_548 = vector.broadcast %mul3A_200 : i32 to vector<16xi32>
      %sub3A_549 = arith.subi %get3A_517, %sub3A_548 : vector<16xi32>
      tpu.vector_store_idx %arg10[%sub3A_547], %sub3A_549 masked %and3A_535 : memref<1600xi32, #tpu.memory_space<vmem>>[vector<16xi32>], vector<16xi32>, vector<16xi1>
      tpu.vector_store_idx %arg9[%sub3A_547], %add3A_524 masked %and3A_535 : memref<1600xi32, #tpu.memory_space<vmem>>[vector<16xi32>], vector<16xi32>, vector<16xi1>
      %slice3A = vector.extract_strided_slice %masked_cumsum3A {offsets = [15], sizes = [1], strides = [1]} : vector<16xi32> to vector<1xi32>
      %squeeze3A = vector.extract %slice3A[0] : i32 from vector<1xi32>
      %add3A_550 = arith.addi %scan3A_514, %squeeze3A : i32
      scf.yield %add3A_550 : i32
    }
    %scan3A_217 = arith.constant 98 : i32
    %broadcast_in_dim3A_218 = arith.constant 10000 : i32
    %broadcast_in_dim3A_219 = vector.broadcast %broadcast_in_dim3A_218 : i32 to vector<16xi32>
    %add3A_220 = arith.constant 0 : i32
    %add3A_221 = arith.addi %scan3A_216, %add3A_220 : i32
    %swap3A_222 = arith.index_cast %add3A_221 : i32 to index
    %swap3A_223 = tpu.vector_load %arg10[%swap3A_222] {strides = array<i32>} : memref<1600xi32, #tpu.memory_space<vmem>>, vector<16xi32>,
    tpu.vector_store %arg10[%swap3A_222], %broadcast_in_dim3A_219 {strides = array<i32>} : memref<1600xi32, #tpu.memory_space<vmem>>, vector<16xi32>,
    %mul3A_224 = arith.constant 0 : i32
    %mul3A_225 = vector.broadcast %mul3A_224 : i32 to vector<16xi32>
    %mul3A_226 = arith.muli %iota3A, %mul3A_225 : vector<16xi32>
    %mul3A_227 = arith.constant 1568 : i32
    %mul3A_228 = arith.muli %arg1, %mul3A_227 : i32
    %add3A_229 = vector.broadcast %mul3A_228 : i32 to vector<16xi32>
    %add3A_230 = arith.addi %mul3A_226, %add3A_229 : vector<16xi32>
    %add3A_231 = arith.constant 0 : i32
    %add3A_232 = arith.addi %scan3A_216, %add3A_231 : i32
    %swap3A_233 = arith.index_cast %add3A_232 : i32 to index
    %swap3A_234 = tpu.vector_load %arg9[%swap3A_233] {strides = array<i32>} : memref<1600xi32, #tpu.memory_space<vmem>>, vector<16xi32>,
    tpu.vector_store %arg9[%swap3A_233], %add3A_230 {strides = array<i32>} : memref<1600xi32, #tpu.memory_space<vmem>>, vector<16xi32>,
    %broadcast_in_dim3A_235 = arith.constant 10000 : i32
    %broadcast_in_dim3A_236 = vector.broadcast %broadcast_in_dim3A_235 : i32 to vector<16xi32>
    %add3A_237 = arith.constant 16 : i32
    %add3A_238 = arith.addi %scan3A_216, %add3A_237 : i32
    %swap3A_239 = arith.index_cast %add3A_238 : i32 to index
    %swap3A_240 = tpu.vector_load %arg10[%swap3A_239] {strides = array<i32>} : memref<1600xi32, #tpu.memory_space<vmem>>, vector<16xi32>,
    tpu.vector_store %arg10[%swap3A_239], %broadcast_in_dim3A_236 {strides = array<i32>} : memref<1600xi32, #tpu.memory_space<vmem>>, vector<16xi32>,
    %mul3A_241 = arith.constant 0 : i32
    %mul3A_242 = vector.broadcast %mul3A_241 : i32 to vector<16xi32>
    %mul3A_243 = arith.muli %iota3A, %mul3A_242 : vector<16xi32>
    %mul3A_244 = arith.constant 1568 : i32
    %mul3A_245 = arith.muli %arg1, %mul3A_244 : i32
    %add3A_246 = vector.broadcast %mul3A_245 : i32 to vector<16xi32>
    %add3A_247 = arith.addi %mul3A_243, %add3A_246 : vector<16xi32>
    %add3A_248 = arith.constant 16 : i32
    %add3A_249 = arith.addi %scan3A_216, %add3A_248 : i32
    %swap3A_250 = arith.index_cast %add3A_249 : i32 to index
    %swap3A_251 = tpu.vector_load %arg9[%swap3A_250] {strides = array<i32>} : memref<1600xi32, #tpu.memory_space<vmem>>, vector<16xi32>,
    tpu.vector_store %arg9[%swap3A_250], %add3A_247 {strides = array<i32>} : memref<1600xi32, #tpu.memory_space<vmem>>, vector<16xi32>,
    %barrier3A_252 = arith.constant 0 : index
    tpu.barrier barrier_id(%barrier3A_252)
    %add3A_253 = arith.constant 15 : i32
    %add3A_254 = arith.addi %scan3A_216, %add3A_253 : i32
    %jit3A_255 = arith.constant 16 : i32
    %div3A_256 = arith.divsi %add3A_254, %jit3A_255 : i32
    %sign3A_257 = arith.constant 0 : i32
    %sign3A_258 = arith.cmpi sgt, %add3A_254, %sign3A_257 : i32
    %sign3A_259 = arith.extui %sign3A_258 : i1 to i32
    %sign3A_260 = arith.constant 0 : i32
    %sign3A_261 = arith.cmpi slt, %add3A_254, %sign3A_260 : i32
    %sign3A_262 = arith.extui %sign3A_261 : i1 to i32
    %sign3A_263 = arith.subi %sign3A_259, %sign3A_262 : i32
    %sign3A_264 = arith.constant 0 : i32
    %sign3A_265 = arith.cmpi sgt, %jit3A_255, %sign3A_264 : i32
    %sign3A_266 = arith.extui %sign3A_265 : i1 to i32
    %sign3A_267 = arith.constant 0 : i32
    %sign3A_268 = arith.cmpi slt, %jit3A_255, %sign3A_267 : i32
    %sign3A_269 = arith.extui %sign3A_268 : i1 to i32
    %sign3A_270 = arith.subi %sign3A_266, %sign3A_269 : i32
    %ne3A_271 = arith.cmpi ne, %sign3A_263, %sign3A_270 : i32
    %rem3A_272 = arith.remsi %add3A_254, %jit3A_255 : i32
    %ne3A_273 = arith.constant 0 : i32
    %ne3A_274 = arith.cmpi ne, %rem3A_272, %ne3A_273 : i32
    %and3A_275 = arith.andi %ne3A_271, %ne3A_274 : i1
    %sub3A_276 = arith.constant 1 : i32
    %sub3A_277 = arith.subi %div3A_256, %sub3A_276 : i32
    %select_n3A_278 = arith.select %and3A_275, %sub3A_277, %div3A_256 : i32
    %lt3A_279 = arith.constant 8 : i32
    %lt3A_280 = arith.cmpi slt, %arg1, %lt3A_279 : i32
    %convert_element_type3A_281 = arith.extui %lt3A_280 : i1 to i32
    %cond3A_282 = arith.constant 0 : i32
    %cond3A_283 = arith.cmpi ne, %convert_element_type3A_281, %cond3A_282 : i32
    scf.if %cond3A_283 {
      %while3A = arith.constant 0 : i32
      %while3A_513 = arith.constant 0 : i32
      %while3A_514 = arith.subi %select_n3A_278, %while3A_513 : i32
      %while3A_515 = arith.addi %while3A_513, %while3A_514 : i32
      %while3A_516 = arith.constant 1 : i32
      %while3A_517 = arith.divsi %while3A_514, %while3A_516 : i32
      %while3A_518 = arith.muli %while3A_517, %while3A_516 : i32
      %while3A_519 = arith.addi %while3A_513, %while3A_518 : i32
      %while3A_520 = arith.constant 1 : i32
      scf.for %while3A_522 = %while3A_513 to %while3A_519 step %while3A_520  : i32 {
        %mul3A_523 = arith.constant 16 : i32
        %mul3A_524 = arith.muli %while3A_522, %mul3A_523 : i32
        %get3A = arith.index_cast %mul3A_524 : i32 to index
        %get3A_525 = tpu.vector_load %arg9[%get3A] {strides = array<i32>} : memref<1600xi32, #tpu.memory_space<vmem>>, vector<16xi32>,
        %sub3A_526 = arith.constant 0 : i32
        %sub3A_527 = vector.broadcast %sub3A_526 : i32 to vector<16xi32>
        %sub3A_528 = arith.subi %get3A_525, %sub3A_527 : vector<16xi32>
        %dma_start3A = arith.constant 0 : i32
        %dma_start3A_529 = arith.constant 0 : i32
        %dma_start3A_530 = tpu.memref_slice %arg4[%dma_start3A, %dma_start3A_529] : memref<12544x128xf32, #tpu.memory_space<hbm>> -> memref<12544x128xf32, #tpu.memory_space<hbm>>
        tpu.enqueue_indirect_dma source(%dma_start3A_530 : memref<12544x128xf32, #tpu.memory_space<hbm>>) target(%arg11 : memref<16x128xf32, #tpu.memory_space<vmem>>) offsets(%sub3A_528 : vector<16xi32>) semaphore(%arg13 : memref<!tpu.dma_semaphore, #tpu.memory_space<semaphore_mem>>)
        %dma_wait3A = arith.constant 0 : i32
        %dma_wait3A_531 = arith.constant 0 : i32
        %dma_wait3A_532 = tpu.memref_slice %arg4[%dma_wait3A, %dma_wait3A_531] : memref<12544x128xf32, #tpu.memory_space<hbm>> -> memref<12544x128xf32, #tpu.memory_space<hbm>>
        tpu.wait_indirect_dma semaphore(%arg13 : memref<!tpu.dma_semaphore, #tpu.memory_space<semaphore_mem>>) src(%dma_wait3A_532 : memref<12544x128xf32, #tpu.memory_space<hbm>>) dst(%arg11 : memref<16x128xf32, #tpu.memory_space<vmem>>)
        %mul3A_533 = arith.constant 16 : i32
        %mul3A_534 = arith.muli %while3A_522, %mul3A_533 : i32
        %get3A_535 = arith.index_cast %mul3A_534 : i32 to index
        %get3A_536 = tpu.vector_load %arg10[%get3A_535] {strides = array<i32>} : memref<1600xi32, #tpu.memory_space<vmem>>, vector<16xi32>,
        "tpu.region"() ({
          %run_scoped3A = tpu.sem_alloc : memref<!tpu.dma_semaphore, #tpu.memory_space<semaphore_mem>>
          %dma_start3A_537 = arith.constant 0 : i32
          %dma_start3A_538 = arith.constant 0 : i32
          %dma_start3A_539 = tpu.memref_slice %arg7[%dma_start3A_537, %dma_start3A_538] : memref<10016x128xf32, #tpu.memory_space<vmem_shared>> -> memref<10016x128xf32, #tpu.memory_space<vmem_shared>>
          tpu.enqueue_indirect_dma source(%arg11 : memref<16x128xf32, #tpu.memory_space<vmem>>) target(%dma_start3A_539 : memref<10016x128xf32, #tpu.memory_space<vmem_shared>>) offsets(%get3A_536 : vector<16xi32>) semaphore(%run_scoped3A : memref<!tpu.dma_semaphore, #tpu.memory_space<semaphore_mem>>) {add = true}
          %dma_wait3A_540 = arith.constant 0 : i32
          %dma_wait3A_541 = arith.constant 0 : i32
          %dma_wait3A_542 = tpu.memref_slice %arg7[%dma_wait3A_540, %dma_wait3A_541] : memref<10016x128xf32, #tpu.memory_space<vmem_shared>> -> memref<10016x128xf32, #tpu.memory_space<vmem_shared>>
          tpu.wait_indirect_dma semaphore(%run_scoped3A : memref<!tpu.dma_semaphore, #tpu.memory_space<semaphore_mem>>) src(%arg11 : memref<16x128xf32, #tpu.memory_space<vmem>>) dst(%dma_wait3A_542 : memref<10016x128xf32, #tpu.memory_space<vmem_shared>>)
          tpu.yield
        }) : () -> ()
      }
      %while3A_521 = arith.constant 1 : i32
      scf.for %while3A_522 = %while3A_519 to %while3A_515 step %while3A_521  : i32 {
        %mul3A_523 = arith.constant 16 : i32
        %mul3A_524 = arith.muli %while3A_522, %mul3A_523 : i32
        %get3A = arith.index_cast %mul3A_524 : i32 to index
        %get3A_525 = tpu.vector_load %arg9[%get3A] {strides = array<i32>} : memref<1600xi32, #tpu.memory_space<vmem>>, vector<16xi32>,
        %sub3A_526 = arith.constant 0 : i32
        %sub3A_527 = vector.broadcast %sub3A_526 : i32 to vector<16xi32>
        %sub3A_528 = arith.subi %get3A_525, %sub3A_527 : vector<16xi32>
        %dma_start3A = arith.constant 0 : i32
        %dma_start3A_529 = arith.constant 0 : i32
        %dma_start3A_530 = tpu.memref_slice %arg4[%dma_start3A, %dma_start3A_529] : memref<12544x128xf32, #tpu.memory_space<hbm>> -> memref<12544x128xf32, #tpu.memory_space<hbm>>
        tpu.enqueue_indirect_dma source(%dma_start3A_530 : memref<12544x128xf32, #tpu.memory_space<hbm>>) target(%arg11 : memref<16x128xf32, #tpu.memory_space<vmem>>) offsets(%sub3A_528 : vector<16xi32>) semaphore(%arg13 : memref<!tpu.dma_semaphore, #tpu.memory_space<semaphore_mem>>)
        %dma_wait3A = arith.constant 0 : i32
        %dma_wait3A_531 = arith.constant 0 : i32
        %dma_wait3A_532 = tpu.memref_slice %arg4[%dma_wait3A, %dma_wait3A_531] : memref<12544x128xf32, #tpu.memory_space<hbm>> -> memref<12544x128xf32, #tpu.memory_space<hbm>>
        tpu.wait_indirect_dma semaphore(%arg13 : memref<!tpu.dma_semaphore, #tpu.memory_space<semaphore_mem>>) src(%dma_wait3A_532 : memref<12544x128xf32, #tpu.memory_space<hbm>>) dst(%arg11 : memref<16x128xf32, #tpu.memory_space<vmem>>)
        %mul3A_533 = arith.constant 16 : i32
        %mul3A_534 = arith.muli %while3A_522, %mul3A_533 : i32
        %get3A_535 = arith.index_cast %mul3A_534 : i32 to index
        %get3A_536 = tpu.vector_load %arg10[%get3A_535] {strides = array<i32>} : memref<1600xi32, #tpu.memory_space<vmem>>, vector<16xi32>,
        "tpu.region"() ({
          %run_scoped3A = tpu.sem_alloc : memref<!tpu.dma_semaphore, #tpu.memory_space<semaphore_mem>>
          %dma_start3A_537 = arith.constant 0 : i32
          %dma_start3A_538 = arith.constant 0 : i32
          %dma_start3A_539 = tpu.memref_slice %arg7[%dma_start3A_537, %dma_start3A_538] : memref<10016x128xf32, #tpu.memory_space<vmem_shared>> -> memref<10016x128xf32, #tpu.memory_space<vmem_shared>>
          tpu.enqueue_indirect_dma source(%arg11 : memref<16x128xf32, #tpu.memory_space<vmem>>) target(%dma_start3A_539 : memref<10016x128xf32, #tpu.memory_space<vmem_shared>>) offsets(%get3A_536 : vector<16xi32>) semaphore(%run_scoped3A : memref<!tpu.dma_semaphore, #tpu.memory_space<semaphore_mem>>) {add = true}
          %dma_wait3A_540 = arith.constant 0 : i32
          %dma_wait3A_541 = arith.constant 0 : i32
          %dma_wait3A_542 = tpu.memref_slice %arg7[%dma_wait3A_540, %dma_wait3A_541] : memref<10016x128xf32, #tpu.memory_space<vmem_shared>> -> memref<10016x128xf32, #tpu.memory_space<vmem_shared>>
          tpu.wait_indirect_dma semaphore(%run_scoped3A : memref<!tpu.dma_semaphore, #tpu.memory_space<semaphore_mem>>) src(%arg11 : memref<16x128xf32, #tpu.memory_space<vmem>>) dst(%dma_wait3A_542 : memref<10016x128xf32, #tpu.memory_space<vmem_shared>>)
          tpu.yield
        }) : () -> ()
      }
    } else {
    }
    %ge3A_284 = arith.constant 8 : i32
    %ge3A_285 = arith.cmpi sge, %arg1, %ge3A_284 : i32
    %convert_element_type3A_286 = arith.extui %ge3A_285 : i1 to i32
    %cond3A_287 = arith.constant 0 : i32
    %cond3A_288 = arith.cmpi ne, %convert_element_type3A_286, %cond3A_287 : i32
    scf.if %cond3A_288 {
      %while3A = arith.constant 0 : i32
      %while3A_513 = arith.constant 0 : i32
      %while3A_514 = arith.subi %select_n3A_278, %while3A_513 : i32
      %while3A_515 = arith.addi %while3A_513, %while3A_514 : i32
      %while3A_516 = arith.constant 1 : i32
      %while3A_517 = arith.divsi %while3A_514, %while3A_516 : i32
      %while3A_518 = arith.muli %while3A_517, %while3A_516 : i32
      %while3A_519 = arith.addi %while3A_513, %while3A_518 : i32
      %while3A_520 = arith.constant 1 : i32
      scf.for %while3A_522 = %while3A_513 to %while3A_519 step %while3A_520  : i32 {
        %mul3A_523 = arith.constant 16 : i32
        %mul3A_524 = arith.muli %while3A_522, %mul3A_523 : i32
        %get3A = arith.index_cast %mul3A_524 : i32 to index
        %get3A_525 = tpu.vector_load %arg9[%get3A] {strides = array<i32>} : memref<1600xi32, #tpu.memory_space<vmem>>, vector<16xi32>,
        %sub3A_526 = arith.constant 12544 : i32
        %sub3A_527 = vector.broadcast %sub3A_526 : i32 to vector<16xi32>
        %sub3A_528 = arith.subi %get3A_525, %sub3A_527 : vector<16xi32>
        %dma_start3A = arith.constant 0 : i32
        %dma_start3A_529 = arith.constant 0 : i32
        %dma_start3A_530 = tpu.memref_slice %arg5[%dma_start3A, %dma_start3A_529] : memref<12544x128xf32, #tpu.memory_space<hbm>> -> memref<12544x128xf32, #tpu.memory_space<hbm>>
        tpu.enqueue_indirect_dma source(%dma_start3A_530 : memref<12544x128xf32, #tpu.memory_space<hbm>>) target(%arg11 : memref<16x128xf32, #tpu.memory_space<vmem>>) offsets(%sub3A_528 : vector<16xi32>) semaphore(%arg13 : memref<!tpu.dma_semaphore, #tpu.memory_space<semaphore_mem>>)
        %dma_wait3A = arith.constant 0 : i32
        %dma_wait3A_531 = arith.constant 0 : i32
        %dma_wait3A_532 = tpu.memref_slice %arg5[%dma_wait3A, %dma_wait3A_531] : memref<12544x128xf32, #tpu.memory_space<hbm>> -> memref<12544x128xf32, #tpu.memory_space<hbm>>
        tpu.wait_indirect_dma semaphore(%arg13 : memref<!tpu.dma_semaphore, #tpu.memory_space<semaphore_mem>>) src(%dma_wait3A_532 : memref<12544x128xf32, #tpu.memory_space<hbm>>) dst(%arg11 : memref<16x128xf32, #tpu.memory_space<vmem>>)
        %mul3A_533 = arith.constant 16 : i32
        %mul3A_534 = arith.muli %while3A_522, %mul3A_533 : i32
        %get3A_535 = arith.index_cast %mul3A_534 : i32 to index
        %get3A_536 = tpu.vector_load %arg10[%get3A_535] {strides = array<i32>} : memref<1600xi32, #tpu.memory_space<vmem>>, vector<16xi32>,
        "tpu.region"() ({
          %run_scoped3A = tpu.sem_alloc : memref<!tpu.dma_semaphore, #tpu.memory_space<semaphore_mem>>
          %dma_start3A_537 = arith.constant 0 : i32
          %dma_start3A_538 = arith.constant 0 : i32
          %dma_start3A_539 = tpu.memref_slice %arg7[%dma_start3A_537, %dma_start3A_538] : memref<10016x128xf32, #tpu.memory_space<vmem_shared>> -> memref<10016x128xf32, #tpu.memory_space<vmem_shared>>
          tpu.enqueue_indirect_dma source(%arg11 : memref<16x128xf32, #tpu.memory_space<vmem>>) target(%dma_start3A_539 : memref<10016x128xf32, #tpu.memory_space<vmem_shared>>) offsets(%get3A_536 : vector<16xi32>) semaphore(%run_scoped3A : memref<!tpu.dma_semaphore, #tpu.memory_space<semaphore_mem>>) {add = true}
          %dma_wait3A_540 = arith.constant 0 : i32
          %dma_wait3A_541 = arith.constant 0 : i32
          %dma_wait3A_542 = tpu.memref_slice %arg7[%dma_wait3A_540, %dma_wait3A_541] : memref<10016x128xf32, #tpu.memory_space<vmem_shared>> -> memref<10016x128xf32, #tpu.memory_space<vmem_shared>>
          tpu.wait_indirect_dma semaphore(%run_scoped3A : memref<!tpu.dma_semaphore, #tpu.memory_space<semaphore_mem>>) src(%arg11 : memref<16x128xf32, #tpu.memory_space<vmem>>) dst(%dma_wait3A_542 : memref<10016x128xf32, #tpu.memory_space<vmem_shared>>)
          tpu.yield
        }) : () -> ()
      }
      %while3A_521 = arith.constant 1 : i32
      scf.for %while3A_522 = %while3A_519 to %while3A_515 step %while3A_521  : i32 {
        %mul3A_523 = arith.constant 16 : i32
        %mul3A_524 = arith.muli %while3A_522, %mul3A_523 : i32
        %get3A = arith.index_cast %mul3A_524 : i32 to index
        %get3A_525 = tpu.vector_load %arg9[%get3A] {strides = array<i32>} : memref<1600xi32, #tpu.memory_space<vmem>>, vector<16xi32>,
        %sub3A_526 = arith.constant 12544 : i32
        %sub3A_527 = vector.broadcast %sub3A_526 : i32 to vector<16xi32>
        %sub3A_528 = arith.subi %get3A_525, %sub3A_527 : vector<16xi32>
        %dma_start3A = arith.constant 0 : i32
        %dma_start3A_529 = arith.constant 0 : i32
        %dma_start3A_530 = tpu.memref_slice %arg5[%dma_start3A, %dma_start3A_529] : memref<12544x128xf32, #tpu.memory_space<hbm>> -> memref<12544x128xf32, #tpu.memory_space<hbm>>
        tpu.enqueue_indirect_dma source(%dma_start3A_530 : memref<12544x128xf32, #tpu.memory_space<hbm>>) target(%arg11 : memref<16x128xf32, #tpu.memory_space<vmem>>) offsets(%sub3A_528 : vector<16xi32>) semaphore(%arg13 : memref<!tpu.dma_semaphore, #tpu.memory_space<semaphore_mem>>)
        %dma_wait3A = arith.constant 0 : i32
        %dma_wait3A_531 = arith.constant 0 : i32
        %dma_wait3A_532 = tpu.memref_slice %arg5[%dma_wait3A, %dma_wait3A_531] : memref<12544x128xf32, #tpu.memory_space<hbm>> -> memref<12544x128xf32, #tpu.memory_space<hbm>>
        tpu.wait_indirect_dma semaphore(%arg13 : memref<!tpu.dma_semaphore, #tpu.memory_space<semaphore_mem>>) src(%dma_wait3A_532 : memref<12544x128xf32, #tpu.memory_space<hbm>>) dst(%arg11 : memref<16x128xf32, #tpu.memory_space<vmem>>)
        %mul3A_533 = arith.constant 16 : i32
        %mul3A_534 = arith.muli %while3A_522, %mul3A_533 : i32
        %get3A_535 = arith.index_cast %mul3A_534 : i32 to index
        %get3A_536 = tpu.vector_load %arg10[%get3A_535] {strides = array<i32>} : memref<1600xi32, #tpu.memory_space<vmem>>, vector<16xi32>,
        "tpu.region"() ({
          %run_scoped3A = tpu.sem_alloc : memref<!tpu.dma_semaphore, #tpu.memory_space<semaphore_mem>>
          %dma_start3A_537 = arith.constant 0 : i32
          %dma_start3A_538 = arith.constant 0 : i32
          %dma_start3A_539 = tpu.memref_slice %arg7[%dma_start3A_537, %dma_start3A_538] : memref<10016x128xf32, #tpu.memory_space<vmem_shared>> -> memref<10016x128xf32, #tpu.memory_space<vmem_shared>>
          tpu.enqueue_indirect_dma source(%arg11 : memref<16x128xf32, #tpu.memory_space<vmem>>) target(%dma_start3A_539 : memref<10016x128xf32, #tpu.memory_space<vmem_shared>>) offsets(%get3A_536 : vector<16xi32>) semaphore(%run_scoped3A : memref<!tpu.dma_semaphore, #tpu.memory_space<semaphore_mem>>) {add = true}
          %dma_wait3A_540 = arith.constant 0 : i32
          %dma_wait3A_541 = arith.constant 0 : i32
          %dma_wait3A_542 = tpu.memref_slice %arg7[%dma_wait3A_540, %dma_wait3A_541] : memref<10016x128xf32, #tpu.memory_space<vmem_shared>> -> memref<10016x128xf32, #tpu.memory_space<vmem_shared>>
          tpu.wait_indirect_dma semaphore(%run_scoped3A : memref<!tpu.dma_semaphore, #tpu.memory_space<semaphore_mem>>) src(%arg11 : memref<16x128xf32, #tpu.memory_space<vmem>>) dst(%dma_wait3A_542 : memref<10016x128xf32, #tpu.memory_space<vmem_shared>>)
          tpu.yield
        }) : () -> ()
      }
    } else {
    }
    %barrier3A_289 = arith.constant 0 : index
    tpu.barrier barrier_id(%barrier3A_289)
    %lt3A_290 = arith.constant 15 : i32
    %lt3A_291 = arith.cmpi slt, %arg1, %lt3A_290 : i32
    %convert_element_type3A_292 = arith.extui %lt3A_291 : i1 to i32
    %cond3A_293 = arith.constant 0 : i32
    %cond3A_294 = arith.cmpi ne, %convert_element_type3A_292, %cond3A_293 : i32
    scf.if %cond3A_294 {
      %mul3A_513 = arith.constant 624 : i32
      %mul3A_514 = arith.muli %arg1, %mul3A_513 : i32
      %mul3A_515 = arith.constant 624 : i32
      %mul3A_516 = arith.muli %arg1, %mul3A_515 : i32
      %add3A_517 = arith.addi %mul3A_200, %mul3A_516 : i32
      "tpu.region"() ({
        %run_scoped3A = tpu.sem_alloc : memref<!tpu.dma_semaphore, #tpu.memory_space<semaphore_mem>>
        %dma_start3A = arith.constant 0 : i32
        %dma_start3A_518 = tpu.memref_slice %arg6[%add3A_517, %dma_start3A] : memref<100000x128xf32, #tpu.memory_space<hbm>> -> memref<624x128xf32, #tpu.memory_space<hbm>>
        %dma_start3A_519 = arith.constant 0 : i32
        %dma_start3A_520 = tpu.memref_slice %arg7[%mul3A_514, %dma_start3A_519] : memref<10016x128xf32, #tpu.memory_space<vmem_shared>> -> memref<624x128xf32, #tpu.memory_space<vmem_shared>>
        tpu.enqueue_dma source(%dma_start3A_520 : memref<624x128xf32, #tpu.memory_space<vmem_shared>>) target(%dma_start3A_518 : memref<624x128xf32, #tpu.memory_space<hbm>>) target_semaphore(%run_scoped3A : memref<!tpu.dma_semaphore, #tpu.memory_space<semaphore_mem>>)
        %dma_wait3A = arith.constant 0 : i32
        %dma_wait3A_521 = tpu.memref_slice %arg6[%add3A_517, %dma_wait3A] : memref<100000x128xf32, #tpu.memory_space<hbm>> -> memref<624x128xf32, #tpu.memory_space<hbm>>
        %dma_wait3A_522 = arith.constant 0 : i32
        %dma_wait3A_523 = tpu.memref_slice %arg7[%mul3A_514, %dma_wait3A_522] : memref<10016x128xf32, #tpu.memory_space<vmem_shared>> -> memref<624x128xf32, #tpu.memory_space<vmem_shared>>
        tpu.wait_dma2 semaphore(%run_scoped3A : memref<!tpu.dma_semaphore, #tpu.memory_space<semaphore_mem>>) src(%dma_wait3A_523 : memref<624x128xf32, #tpu.memory_space<vmem_shared>>) dst(%dma_wait3A_521 : memref<624x128xf32, #tpu.memory_space<hbm>>)
        tpu.yield
      }) : () -> ()
    } else {
    }
    %eq3A_295 = arith.constant 15 : i32
    %eq3A_296 = arith.cmpi eq, %arg1, %eq3A_295 : i32
    %convert_element_type3A_297 = arith.extui %eq3A_296 : i1 to i32
    %cond3A_298 = arith.constant 0 : i32
    %cond3A_299 = arith.cmpi ne, %convert_element_type3A_297, %cond3A_298 : i32
    scf.if %cond3A_299 {
      %add3A_513 = arith.constant 9360 : i32
      %add3A_514 = arith.addi %mul3A_200, %add3A_513 : i32
      "tpu.region"() ({
        %run_scoped3A = tpu.sem_alloc : memref<!tpu.dma_semaphore, #tpu.memory_space<semaphore_mem>>
        %dma_start3A = arith.constant 0 : i32
        %dma_start3A_515 = tpu.memref_slice %arg6[%add3A_514, %dma_start3A] : memref<100000x128xf32, #tpu.memory_space<hbm>> -> memref<640x128xf32, #tpu.memory_space<hbm>>
        %dma_start3A_516 = arith.constant 9360 : i32
        %dma_start3A_517 = arith.constant 0 : i32
        %dma_start3A_518 = tpu.memref_slice %arg7[%dma_start3A_516, %dma_start3A_517] : memref<10016x128xf32, #tpu.memory_space<vmem_shared>> -> memref<640x128xf32, #tpu.memory_space<vmem_shared>>
        tpu.enqueue_dma source(%dma_start3A_518 : memref<640x128xf32, #tpu.memory_space<vmem_shared>>) target(%dma_start3A_515 : memref<640x128xf32, #tpu.memory_space<hbm>>) target_semaphore(%run_scoped3A : memref<!tpu.dma_semaphore, #tpu.memory_space<semaphore_mem>>)
        %dma_wait3A = arith.constant 0 : i32
        %dma_wait3A_519 = tpu.memref_slice %arg6[%add3A_514, %dma_wait3A] : memref<100000x128xf32, #tpu.memory_space<hbm>> -> memref<640x128xf32, #tpu.memory_space<hbm>>
        %dma_wait3A_520 = arith.constant 9360 : i32
        %dma_wait3A_521 = arith.constant 0 : i32
        %dma_wait3A_522 = tpu.memref_slice %arg7[%dma_wait3A_520, %dma_wait3A_521] : memref<10016x128xf32, #tpu.memory_space<vmem_shared>> -> memref<640x128xf32, #tpu.memory_space<vmem_shared>>
        tpu.wait_dma2 semaphore(%run_scoped3A : memref<!tpu.dma_semaphore, #tpu.memory_space<semaphore_mem>>) src(%dma_wait3A_522 : memref<640x128xf32, #tpu.memory_space<vmem_shared>>) dst(%dma_wait3A_519 : memref<640x128xf32, #tpu.memory_space<hbm>>)
        tpu.yield
      }) : () -> ()
    } else {
    }
    %barrier3A_300 = arith.constant 0 : index
    tpu.barrier barrier_id(%barrier3A_300)
    %mul3A_301 = arith.constant 5 : i32
    %mul3A_302 = arith.muli %arg0, %mul3A_301 : i32
    %add3A_303 = arith.constant 3 : i32
    %add3A_304 = arith.addi %mul3A_302, %add3A_303 : i32
    %mul3A_305 = arith.constant 10000 : i32
    %mul3A_306 = arith.muli %add3A_304, %mul3A_305 : i32
    %lt3A_307 = arith.constant 15 : i32
    %lt3A_308 = arith.cmpi slt, %arg1, %lt3A_307 : i32
    %convert_element_type3A_309 = arith.extui %lt3A_308 : i1 to i32
    %cond3A_310 = arith.constant 0 : i32
    %cond3A_311 = arith.cmpi ne, %convert_element_type3A_309, %cond3A_310 : i32
    scf.if %cond3A_311 {
      %mul3A_513 = arith.constant 624 : i32
      %mul3A_514 = arith.muli %arg1, %mul3A_513 : i32
      %add3A_515 = arith.addi %mul3A_306, %mul3A_514 : i32
      %mul3A_516 = arith.constant 624 : i32
      %mul3A_517 = arith.muli %arg1, %mul3A_516 : i32
      "tpu.region"() ({
        %run_scoped3A = tpu.sem_alloc : memref<!tpu.dma_semaphore, #tpu.memory_space<semaphore_mem>>
        %dma_start3A = arith.constant 0 : i32
        %dma_start3A_518 = tpu.memref_slice %arg7[%mul3A_517, %dma_start3A] : memref<10016x128xf32, #tpu.memory_space<vmem_shared>> -> memref<624x128xf32, #tpu.memory_space<vmem_shared>>
        %dma_start3A_519 = arith.constant 0 : i32
        %dma_start3A_520 = tpu.memref_slice %arg2[%add3A_515, %dma_start3A_519] : memref<100000x128xf32, #tpu.memory_space<hbm>> -> memref<624x128xf32, #tpu.memory_space<hbm>>
        tpu.enqueue_dma source(%dma_start3A_520 : memref<624x128xf32, #tpu.memory_space<hbm>>) target(%dma_start3A_518 : memref<624x128xf32, #tpu.memory_space<vmem_shared>>) target_semaphore(%run_scoped3A : memref<!tpu.dma_semaphore, #tpu.memory_space<semaphore_mem>>)
        %dma_wait3A = arith.constant 0 : i32
        %dma_wait3A_521 = tpu.memref_slice %arg7[%mul3A_517, %dma_wait3A] : memref<10016x128xf32, #tpu.memory_space<vmem_shared>> -> memref<624x128xf32, #tpu.memory_space<vmem_shared>>
        %dma_wait3A_522 = arith.constant 0 : i32
        %dma_wait3A_523 = tpu.memref_slice %arg2[%add3A_515, %dma_wait3A_522] : memref<100000x128xf32, #tpu.memory_space<hbm>> -> memref<624x128xf32, #tpu.memory_space<hbm>>
        tpu.wait_dma2 semaphore(%run_scoped3A : memref<!tpu.dma_semaphore, #tpu.memory_space<semaphore_mem>>) src(%dma_wait3A_523 : memref<624x128xf32, #tpu.memory_space<hbm>>) dst(%dma_wait3A_521 : memref<624x128xf32, #tpu.memory_space<vmem_shared>>)
        tpu.yield
      }) : () -> ()
    } else {
    }
    %eq3A_312 = arith.constant 15 : i32
    %eq3A_313 = arith.cmpi eq, %arg1, %eq3A_312 : i32
    %convert_element_type3A_314 = arith.extui %eq3A_313 : i1 to i32
    %cond3A_315 = arith.constant 0 : i32
    %cond3A_316 = arith.cmpi ne, %convert_element_type3A_314, %cond3A_315 : i32
    scf.if %cond3A_316 {
      %add3A_513 = arith.constant 9360 : i32
      %add3A_514 = arith.addi %mul3A_306, %add3A_513 : i32
      "tpu.region"() ({
        %run_scoped3A = tpu.sem_alloc : memref<!tpu.dma_semaphore, #tpu.memory_space<semaphore_mem>>
        %dma_start3A = arith.constant 9360 : i32
        %dma_start3A_515 = arith.constant 0 : i32
        %dma_start3A_516 = tpu.memref_slice %arg7[%dma_start3A, %dma_start3A_515] : memref<10016x128xf32, #tpu.memory_space<vmem_shared>> -> memref<640x128xf32, #tpu.memory_space<vmem_shared>>
        %dma_start3A_517 = arith.constant 0 : i32
        %dma_start3A_518 = tpu.memref_slice %arg2[%add3A_514, %dma_start3A_517] : memref<100000x128xf32, #tpu.memory_space<hbm>> -> memref<640x128xf32, #tpu.memory_space<hbm>>
        tpu.enqueue_dma source(%dma_start3A_518 : memref<640x128xf32, #tpu.memory_space<hbm>>) target(%dma_start3A_516 : memref<640x128xf32, #tpu.memory_space<vmem_shared>>) target_semaphore(%run_scoped3A : memref<!tpu.dma_semaphore, #tpu.memory_space<semaphore_mem>>)
        %dma_wait3A = arith.constant 9360 : i32
        %dma_wait3A_519 = arith.constant 0 : i32
        %dma_wait3A_520 = tpu.memref_slice %arg7[%dma_wait3A, %dma_wait3A_519] : memref<10016x128xf32, #tpu.memory_space<vmem_shared>> -> memref<640x128xf32, #tpu.memory_space<vmem_shared>>
        %dma_wait3A_521 = arith.constant 0 : i32
        %dma_wait3A_522 = tpu.memref_slice %arg2[%add3A_514, %dma_wait3A_521] : memref<100000x128xf32, #tpu.memory_space<hbm>> -> memref<640x128xf32, #tpu.memory_space<hbm>>
        tpu.wait_dma2 semaphore(%run_scoped3A : memref<!tpu.dma_semaphore, #tpu.memory_space<semaphore_mem>>) src(%dma_wait3A_522 : memref<640x128xf32, #tpu.memory_space<hbm>>) dst(%dma_wait3A_520 : memref<640x128xf32, #tpu.memory_space<vmem_shared>>)
        tpu.yield
      }) : () -> ()
    } else {
    }
    %scan3A_317 = arith.constant 0 : i32
    %scan3A_318 = arith.constant 0 : i32
    %scan3A_319 = arith.constant 98 : i32
    %scan3A_320 = arith.addi %scan3A_318, %scan3A_319 : i32
    %scan3A_321 = arith.constant 1 : i32
    %scan3A_322 = scf.for %scan3A_513 = %scan3A_318 to %scan3A_320 step %scan3A_321 iter_args(%scan3A_514 = %scan3A_317) -> (i32)  : i32 {
      %mul3A_515 = arith.constant 16 : i32
      %mul3A_516 = arith.muli %scan3A_513, %mul3A_515 : i32
      %get3A = arith.index_cast %mul3A_516 : i32 to index
      %get3A_517 = tpu.vector_load %arg8[%get3A] {strides = array<i32>} : memref<1568xi32, #tpu.memory_space<vmem>>, vector<16xi32>,
      %mul3A_518 = arith.constant 1568 : i32
      %mul3A_519 = arith.muli %arg1, %mul3A_518 : i32
      %mul3A_520 = arith.constant 16 : i32
      %mul3A_521 = arith.muli %scan3A_513, %mul3A_520 : i32
      %add3A_522 = arith.addi %mul3A_519, %mul3A_521 : i32
      %add3A_523 = vector.broadcast %add3A_522 : i32 to vector<16xi32>
      %add3A_524 = arith.addi %add3A_523, %iota3A : vector<16xi32>
      %ge3A_525 = vector.broadcast %mul3A_306 : i32 to vector<16xi32>
      %ge3A_526 = arith.cmpi sge, %get3A_517, %ge3A_525 : vector<16xi32>
      %add3A_527 = arith.constant 10000 : i32
      %add3A_528 = arith.addi %mul3A_306, %add3A_527 : i32
      %lt3A_529 = vector.broadcast %add3A_528 : i32 to vector<16xi32>
      %lt3A_530 = arith.cmpi slt, %get3A_517, %lt3A_529 : vector<16xi32>
      %and3A_531 = arith.andi %ge3A_526, %lt3A_530 : vector<16xi1>
      %lt3A_532 = arith.constant 25000 : i32
      %lt3A_533 = vector.broadcast %lt3A_532 : i32 to vector<16xi32>
      %lt3A_534 = arith.cmpi slt, %add3A_524, %lt3A_533 : vector<16xi32>
      %and3A_535 = arith.andi %and3A_531, %lt3A_534 : vector<16xi1>
      %jit3A_536 = arith.constant 1 : i32
      %jit3A_537 = arith.constant 0 : i32
      %broadcast_in_dim3A_538 = vector.broadcast %jit3A_536 : i32 to vector<16xi32>
      %broadcast_in_dim3A_539 = vector.broadcast %jit3A_537 : i32 to vector<16xi32>
      %select_n3A_540 = arith.select %and3A_535, %broadcast_in_dim3A_538, %broadcast_in_dim3A_539 : vector<16xi1>, vector<16xi32>
      %broadcast_in_dim3A_541 = arith.constant true
      %broadcast_in_dim3A_542 = vector.broadcast %broadcast_in_dim3A_541 : i1 to vector<16xi1>
      %masked_cumsum3A = tpu.scan <sum>, %select_n3A_540 masked %broadcast_in_dim3A_542 : vector<16xi32>, vector<16xi1> -> vector<16xi32>
      %add3A_543 = vector.broadcast %scan3A_514 : i32 to vector<16xi32>
      %add3A_544 = arith.addi %add3A_543, %masked_cumsum3A : vector<16xi32>
      %sub3A_545 = arith.constant 1 : i32
      %sub3A_546 = vector.broadcast %sub3A_545 : i32 to vector<16xi32>
      %sub3A_547 = arith.subi %add3A_544, %sub3A_546 : vector<16xi32>
      %sub3A_548 = vector.broadcast %mul3A_306 : i32 to vector<16xi32>
      %sub3A_549 = arith.subi %get3A_517, %sub3A_548 : vector<16xi32>
      tpu.vector_store_idx %arg10[%sub3A_547], %sub3A_549 masked %and3A_535 : memref<1600xi32, #tpu.memory_space<vmem>>[vector<16xi32>], vector<16xi32>, vector<16xi1>
      tpu.vector_store_idx %arg9[%sub3A_547], %add3A_524 masked %and3A_535 : memref<1600xi32, #tpu.memory_space<vmem>>[vector<16xi32>], vector<16xi32>, vector<16xi1>
      %slice3A = vector.extract_strided_slice %masked_cumsum3A {offsets = [15], sizes = [1], strides = [1]} : vector<16xi32> to vector<1xi32>
      %squeeze3A = vector.extract %slice3A[0] : i32 from vector<1xi32>
      %add3A_550 = arith.addi %scan3A_514, %squeeze3A : i32
      scf.yield %add3A_550 : i32
    }
    %scan3A_323 = arith.constant 98 : i32
    %broadcast_in_dim3A_324 = arith.constant 10000 : i32
    %broadcast_in_dim3A_325 = vector.broadcast %broadcast_in_dim3A_324 : i32 to vector<16xi32>
    %add3A_326 = arith.constant 0 : i32
    %add3A_327 = arith.addi %scan3A_322, %add3A_326 : i32
    %swap3A_328 = arith.index_cast %add3A_327 : i32 to index
    %swap3A_329 = tpu.vector_load %arg10[%swap3A_328] {strides = array<i32>} : memref<1600xi32, #tpu.memory_space<vmem>>, vector<16xi32>,
    tpu.vector_store %arg10[%swap3A_328], %broadcast_in_dim3A_325 {strides = array<i32>} : memref<1600xi32, #tpu.memory_space<vmem>>, vector<16xi32>,
    %mul3A_330 = arith.constant 0 : i32
    %mul3A_331 = vector.broadcast %mul3A_330 : i32 to vector<16xi32>
    %mul3A_332 = arith.muli %iota3A, %mul3A_331 : vector<16xi32>
    %mul3A_333 = arith.constant 1568 : i32
    %mul3A_334 = arith.muli %arg1, %mul3A_333 : i32
    %add3A_335 = vector.broadcast %mul3A_334 : i32 to vector<16xi32>
    %add3A_336 = arith.addi %mul3A_332, %add3A_335 : vector<16xi32>
    %add3A_337 = arith.constant 0 : i32
    %add3A_338 = arith.addi %scan3A_322, %add3A_337 : i32
    %swap3A_339 = arith.index_cast %add3A_338 : i32 to index
    %swap3A_340 = tpu.vector_load %arg9[%swap3A_339] {strides = array<i32>} : memref<1600xi32, #tpu.memory_space<vmem>>, vector<16xi32>,
    tpu.vector_store %arg9[%swap3A_339], %add3A_336 {strides = array<i32>} : memref<1600xi32, #tpu.memory_space<vmem>>, vector<16xi32>,
    %broadcast_in_dim3A_341 = arith.constant 10000 : i32
    %broadcast_in_dim3A_342 = vector.broadcast %broadcast_in_dim3A_341 : i32 to vector<16xi32>
    %add3A_343 = arith.constant 16 : i32
    %add3A_344 = arith.addi %scan3A_322, %add3A_343 : i32
    %swap3A_345 = arith.index_cast %add3A_344 : i32 to index
    %swap3A_346 = tpu.vector_load %arg10[%swap3A_345] {strides = array<i32>} : memref<1600xi32, #tpu.memory_space<vmem>>, vector<16xi32>,
    tpu.vector_store %arg10[%swap3A_345], %broadcast_in_dim3A_342 {strides = array<i32>} : memref<1600xi32, #tpu.memory_space<vmem>>, vector<16xi32>,
    %mul3A_347 = arith.constant 0 : i32
    %mul3A_348 = vector.broadcast %mul3A_347 : i32 to vector<16xi32>
    %mul3A_349 = arith.muli %iota3A, %mul3A_348 : vector<16xi32>
    %mul3A_350 = arith.constant 1568 : i32
    %mul3A_351 = arith.muli %arg1, %mul3A_350 : i32
    %add3A_352 = vector.broadcast %mul3A_351 : i32 to vector<16xi32>
    %add3A_353 = arith.addi %mul3A_349, %add3A_352 : vector<16xi32>
    %add3A_354 = arith.constant 16 : i32
    %add3A_355 = arith.addi %scan3A_322, %add3A_354 : i32
    %swap3A_356 = arith.index_cast %add3A_355 : i32 to index
    %swap3A_357 = tpu.vector_load %arg9[%swap3A_356] {strides = array<i32>} : memref<1600xi32, #tpu.memory_space<vmem>>, vector<16xi32>,
    tpu.vector_store %arg9[%swap3A_356], %add3A_353 {strides = array<i32>} : memref<1600xi32, #tpu.memory_space<vmem>>, vector<16xi32>,
    %barrier3A_358 = arith.constant 0 : index
    tpu.barrier barrier_id(%barrier3A_358)
    %add3A_359 = arith.constant 15 : i32
    %add3A_360 = arith.addi %scan3A_322, %add3A_359 : i32
    %jit3A_361 = arith.constant 16 : i32
    %div3A_362 = arith.divsi %add3A_360, %jit3A_361 : i32
    %sign3A_363 = arith.constant 0 : i32
    %sign3A_364 = arith.cmpi sgt, %add3A_360, %sign3A_363 : i32
    %sign3A_365 = arith.extui %sign3A_364 : i1 to i32
    %sign3A_366 = arith.constant 0 : i32
    %sign3A_367 = arith.cmpi slt, %add3A_360, %sign3A_366 : i32
    %sign3A_368 = arith.extui %sign3A_367 : i1 to i32
    %sign3A_369 = arith.subi %sign3A_365, %sign3A_368 : i32
    %sign3A_370 = arith.constant 0 : i32
    %sign3A_371 = arith.cmpi sgt, %jit3A_361, %sign3A_370 : i32
    %sign3A_372 = arith.extui %sign3A_371 : i1 to i32
    %sign3A_373 = arith.constant 0 : i32
    %sign3A_374 = arith.cmpi slt, %jit3A_361, %sign3A_373 : i32
    %sign3A_375 = arith.extui %sign3A_374 : i1 to i32
    %sign3A_376 = arith.subi %sign3A_372, %sign3A_375 : i32
    %ne3A_377 = arith.cmpi ne, %sign3A_369, %sign3A_376 : i32
    %rem3A_378 = arith.remsi %add3A_360, %jit3A_361 : i32
    %ne3A_379 = arith.constant 0 : i32
    %ne3A_380 = arith.cmpi ne, %rem3A_378, %ne3A_379 : i32
    %and3A_381 = arith.andi %ne3A_377, %ne3A_380 : i1
    %sub3A_382 = arith.constant 1 : i32
    %sub3A_383 = arith.subi %div3A_362, %sub3A_382 : i32
    %select_n3A_384 = arith.select %and3A_381, %sub3A_383, %div3A_362 : i32
    %lt3A_385 = arith.constant 8 : i32
    %lt3A_386 = arith.cmpi slt, %arg1, %lt3A_385 : i32
    %convert_element_type3A_387 = arith.extui %lt3A_386 : i1 to i32
    %cond3A_388 = arith.constant 0 : i32
    %cond3A_389 = arith.cmpi ne, %convert_element_type3A_387, %cond3A_388 : i32
    scf.if %cond3A_389 {
      %while3A = arith.constant 0 : i32
      %while3A_513 = arith.constant 0 : i32
      %while3A_514 = arith.subi %select_n3A_384, %while3A_513 : i32
      %while3A_515 = arith.addi %while3A_513, %while3A_514 : i32
      %while3A_516 = arith.constant 1 : i32
      %while3A_517 = arith.divsi %while3A_514, %while3A_516 : i32
      %while3A_518 = arith.muli %while3A_517, %while3A_516 : i32
      %while3A_519 = arith.addi %while3A_513, %while3A_518 : i32
      %while3A_520 = arith.constant 1 : i32
      scf.for %while3A_522 = %while3A_513 to %while3A_519 step %while3A_520  : i32 {
        %mul3A_523 = arith.constant 16 : i32
        %mul3A_524 = arith.muli %while3A_522, %mul3A_523 : i32
        %get3A = arith.index_cast %mul3A_524 : i32 to index
        %get3A_525 = tpu.vector_load %arg9[%get3A] {strides = array<i32>} : memref<1600xi32, #tpu.memory_space<vmem>>, vector<16xi32>,
        %sub3A_526 = arith.constant 0 : i32
        %sub3A_527 = vector.broadcast %sub3A_526 : i32 to vector<16xi32>
        %sub3A_528 = arith.subi %get3A_525, %sub3A_527 : vector<16xi32>
        %dma_start3A = arith.constant 0 : i32
        %dma_start3A_529 = arith.constant 0 : i32
        %dma_start3A_530 = tpu.memref_slice %arg4[%dma_start3A, %dma_start3A_529] : memref<12544x128xf32, #tpu.memory_space<hbm>> -> memref<12544x128xf32, #tpu.memory_space<hbm>>
        tpu.enqueue_indirect_dma source(%dma_start3A_530 : memref<12544x128xf32, #tpu.memory_space<hbm>>) target(%arg11 : memref<16x128xf32, #tpu.memory_space<vmem>>) offsets(%sub3A_528 : vector<16xi32>) semaphore(%arg13 : memref<!tpu.dma_semaphore, #tpu.memory_space<semaphore_mem>>)
        %dma_wait3A = arith.constant 0 : i32
        %dma_wait3A_531 = arith.constant 0 : i32
        %dma_wait3A_532 = tpu.memref_slice %arg4[%dma_wait3A, %dma_wait3A_531] : memref<12544x128xf32, #tpu.memory_space<hbm>> -> memref<12544x128xf32, #tpu.memory_space<hbm>>
        tpu.wait_indirect_dma semaphore(%arg13 : memref<!tpu.dma_semaphore, #tpu.memory_space<semaphore_mem>>) src(%dma_wait3A_532 : memref<12544x128xf32, #tpu.memory_space<hbm>>) dst(%arg11 : memref<16x128xf32, #tpu.memory_space<vmem>>)
        %mul3A_533 = arith.constant 16 : i32
        %mul3A_534 = arith.muli %while3A_522, %mul3A_533 : i32
        %get3A_535 = arith.index_cast %mul3A_534 : i32 to index
        %get3A_536 = tpu.vector_load %arg10[%get3A_535] {strides = array<i32>} : memref<1600xi32, #tpu.memory_space<vmem>>, vector<16xi32>,
        "tpu.region"() ({
          %run_scoped3A = tpu.sem_alloc : memref<!tpu.dma_semaphore, #tpu.memory_space<semaphore_mem>>
          %dma_start3A_537 = arith.constant 0 : i32
          %dma_start3A_538 = arith.constant 0 : i32
          %dma_start3A_539 = tpu.memref_slice %arg7[%dma_start3A_537, %dma_start3A_538] : memref<10016x128xf32, #tpu.memory_space<vmem_shared>> -> memref<10016x128xf32, #tpu.memory_space<vmem_shared>>
          tpu.enqueue_indirect_dma source(%arg11 : memref<16x128xf32, #tpu.memory_space<vmem>>) target(%dma_start3A_539 : memref<10016x128xf32, #tpu.memory_space<vmem_shared>>) offsets(%get3A_536 : vector<16xi32>) semaphore(%run_scoped3A : memref<!tpu.dma_semaphore, #tpu.memory_space<semaphore_mem>>) {add = true}
          %dma_wait3A_540 = arith.constant 0 : i32
          %dma_wait3A_541 = arith.constant 0 : i32
          %dma_wait3A_542 = tpu.memref_slice %arg7[%dma_wait3A_540, %dma_wait3A_541] : memref<10016x128xf32, #tpu.memory_space<vmem_shared>> -> memref<10016x128xf32, #tpu.memory_space<vmem_shared>>
          tpu.wait_indirect_dma semaphore(%run_scoped3A : memref<!tpu.dma_semaphore, #tpu.memory_space<semaphore_mem>>) src(%arg11 : memref<16x128xf32, #tpu.memory_space<vmem>>) dst(%dma_wait3A_542 : memref<10016x128xf32, #tpu.memory_space<vmem_shared>>)
          tpu.yield
        }) : () -> ()
      }
      %while3A_521 = arith.constant 1 : i32
      scf.for %while3A_522 = %while3A_519 to %while3A_515 step %while3A_521  : i32 {
        %mul3A_523 = arith.constant 16 : i32
        %mul3A_524 = arith.muli %while3A_522, %mul3A_523 : i32
        %get3A = arith.index_cast %mul3A_524 : i32 to index
        %get3A_525 = tpu.vector_load %arg9[%get3A] {strides = array<i32>} : memref<1600xi32, #tpu.memory_space<vmem>>, vector<16xi32>,
        %sub3A_526 = arith.constant 0 : i32
        %sub3A_527 = vector.broadcast %sub3A_526 : i32 to vector<16xi32>
        %sub3A_528 = arith.subi %get3A_525, %sub3A_527 : vector<16xi32>
        %dma_start3A = arith.constant 0 : i32
        %dma_start3A_529 = arith.constant 0 : i32
        %dma_start3A_530 = tpu.memref_slice %arg4[%dma_start3A, %dma_start3A_529] : memref<12544x128xf32, #tpu.memory_space<hbm>> -> memref<12544x128xf32, #tpu.memory_space<hbm>>
        tpu.enqueue_indirect_dma source(%dma_start3A_530 : memref<12544x128xf32, #tpu.memory_space<hbm>>) target(%arg11 : memref<16x128xf32, #tpu.memory_space<vmem>>) offsets(%sub3A_528 : vector<16xi32>) semaphore(%arg13 : memref<!tpu.dma_semaphore, #tpu.memory_space<semaphore_mem>>)
        %dma_wait3A = arith.constant 0 : i32
        %dma_wait3A_531 = arith.constant 0 : i32
        %dma_wait3A_532 = tpu.memref_slice %arg4[%dma_wait3A, %dma_wait3A_531] : memref<12544x128xf32, #tpu.memory_space<hbm>> -> memref<12544x128xf32, #tpu.memory_space<hbm>>
        tpu.wait_indirect_dma semaphore(%arg13 : memref<!tpu.dma_semaphore, #tpu.memory_space<semaphore_mem>>) src(%dma_wait3A_532 : memref<12544x128xf32, #tpu.memory_space<hbm>>) dst(%arg11 : memref<16x128xf32, #tpu.memory_space<vmem>>)
        %mul3A_533 = arith.constant 16 : i32
        %mul3A_534 = arith.muli %while3A_522, %mul3A_533 : i32
        %get3A_535 = arith.index_cast %mul3A_534 : i32 to index
        %get3A_536 = tpu.vector_load %arg10[%get3A_535] {strides = array<i32>} : memref<1600xi32, #tpu.memory_space<vmem>>, vector<16xi32>,
        "tpu.region"() ({
          %run_scoped3A = tpu.sem_alloc : memref<!tpu.dma_semaphore, #tpu.memory_space<semaphore_mem>>
          %dma_start3A_537 = arith.constant 0 : i32
          %dma_start3A_538 = arith.constant 0 : i32
          %dma_start3A_539 = tpu.memref_slice %arg7[%dma_start3A_537, %dma_start3A_538] : memref<10016x128xf32, #tpu.memory_space<vmem_shared>> -> memref<10016x128xf32, #tpu.memory_space<vmem_shared>>
          tpu.enqueue_indirect_dma source(%arg11 : memref<16x128xf32, #tpu.memory_space<vmem>>) target(%dma_start3A_539 : memref<10016x128xf32, #tpu.memory_space<vmem_shared>>) offsets(%get3A_536 : vector<16xi32>) semaphore(%run_scoped3A : memref<!tpu.dma_semaphore, #tpu.memory_space<semaphore_mem>>) {add = true}
          %dma_wait3A_540 = arith.constant 0 : i32
          %dma_wait3A_541 = arith.constant 0 : i32
          %dma_wait3A_542 = tpu.memref_slice %arg7[%dma_wait3A_540, %dma_wait3A_541] : memref<10016x128xf32, #tpu.memory_space<vmem_shared>> -> memref<10016x128xf32, #tpu.memory_space<vmem_shared>>
          tpu.wait_indirect_dma semaphore(%run_scoped3A : memref<!tpu.dma_semaphore, #tpu.memory_space<semaphore_mem>>) src(%arg11 : memref<16x128xf32, #tpu.memory_space<vmem>>) dst(%dma_wait3A_542 : memref<10016x128xf32, #tpu.memory_space<vmem_shared>>)
          tpu.yield
        }) : () -> ()
      }
    } else {
    }
    %ge3A_390 = arith.constant 8 : i32
    %ge3A_391 = arith.cmpi sge, %arg1, %ge3A_390 : i32
    %convert_element_type3A_392 = arith.extui %ge3A_391 : i1 to i32
    %cond3A_393 = arith.constant 0 : i32
    %cond3A_394 = arith.cmpi ne, %convert_element_type3A_392, %cond3A_393 : i32
    scf.if %cond3A_394 {
      %while3A = arith.constant 0 : i32
      %while3A_513 = arith.constant 0 : i32
      %while3A_514 = arith.subi %select_n3A_384, %while3A_513 : i32
      %while3A_515 = arith.addi %while3A_513, %while3A_514 : i32
      %while3A_516 = arith.constant 1 : i32
      %while3A_517 = arith.divsi %while3A_514, %while3A_516 : i32
      %while3A_518 = arith.muli %while3A_517, %while3A_516 : i32
      %while3A_519 = arith.addi %while3A_513, %while3A_518 : i32
      %while3A_520 = arith.constant 1 : i32
      scf.for %while3A_522 = %while3A_513 to %while3A_519 step %while3A_520  : i32 {
        %mul3A_523 = arith.constant 16 : i32
        %mul3A_524 = arith.muli %while3A_522, %mul3A_523 : i32
        %get3A = arith.index_cast %mul3A_524 : i32 to index
        %get3A_525 = tpu.vector_load %arg9[%get3A] {strides = array<i32>} : memref<1600xi32, #tpu.memory_space<vmem>>, vector<16xi32>,
        %sub3A_526 = arith.constant 12544 : i32
        %sub3A_527 = vector.broadcast %sub3A_526 : i32 to vector<16xi32>
        %sub3A_528 = arith.subi %get3A_525, %sub3A_527 : vector<16xi32>
        %dma_start3A = arith.constant 0 : i32
        %dma_start3A_529 = arith.constant 0 : i32
        %dma_start3A_530 = tpu.memref_slice %arg5[%dma_start3A, %dma_start3A_529] : memref<12544x128xf32, #tpu.memory_space<hbm>> -> memref<12544x128xf32, #tpu.memory_space<hbm>>
        tpu.enqueue_indirect_dma source(%dma_start3A_530 : memref<12544x128xf32, #tpu.memory_space<hbm>>) target(%arg11 : memref<16x128xf32, #tpu.memory_space<vmem>>) offsets(%sub3A_528 : vector<16xi32>) semaphore(%arg13 : memref<!tpu.dma_semaphore, #tpu.memory_space<semaphore_mem>>)
        %dma_wait3A = arith.constant 0 : i32
        %dma_wait3A_531 = arith.constant 0 : i32
        %dma_wait3A_532 = tpu.memref_slice %arg5[%dma_wait3A, %dma_wait3A_531] : memref<12544x128xf32, #tpu.memory_space<hbm>> -> memref<12544x128xf32, #tpu.memory_space<hbm>>
        tpu.wait_indirect_dma semaphore(%arg13 : memref<!tpu.dma_semaphore, #tpu.memory_space<semaphore_mem>>) src(%dma_wait3A_532 : memref<12544x128xf32, #tpu.memory_space<hbm>>) dst(%arg11 : memref<16x128xf32, #tpu.memory_space<vmem>>)
        %mul3A_533 = arith.constant 16 : i32
        %mul3A_534 = arith.muli %while3A_522, %mul3A_533 : i32
        %get3A_535 = arith.index_cast %mul3A_534 : i32 to index
        %get3A_536 = tpu.vector_load %arg10[%get3A_535] {strides = array<i32>} : memref<1600xi32, #tpu.memory_space<vmem>>, vector<16xi32>,
        "tpu.region"() ({
          %run_scoped3A = tpu.sem_alloc : memref<!tpu.dma_semaphore, #tpu.memory_space<semaphore_mem>>
          %dma_start3A_537 = arith.constant 0 : i32
          %dma_start3A_538 = arith.constant 0 : i32
          %dma_start3A_539 = tpu.memref_slice %arg7[%dma_start3A_537, %dma_start3A_538] : memref<10016x128xf32, #tpu.memory_space<vmem_shared>> -> memref<10016x128xf32, #tpu.memory_space<vmem_shared>>
          tpu.enqueue_indirect_dma source(%arg11 : memref<16x128xf32, #tpu.memory_space<vmem>>) target(%dma_start3A_539 : memref<10016x128xf32, #tpu.memory_space<vmem_shared>>) offsets(%get3A_536 : vector<16xi32>) semaphore(%run_scoped3A : memref<!tpu.dma_semaphore, #tpu.memory_space<semaphore_mem>>) {add = true}
          %dma_wait3A_540 = arith.constant 0 : i32
          %dma_wait3A_541 = arith.constant 0 : i32
          %dma_wait3A_542 = tpu.memref_slice %arg7[%dma_wait3A_540, %dma_wait3A_541] : memref<10016x128xf32, #tpu.memory_space<vmem_shared>> -> memref<10016x128xf32, #tpu.memory_space<vmem_shared>>
          tpu.wait_indirect_dma semaphore(%run_scoped3A : memref<!tpu.dma_semaphore, #tpu.memory_space<semaphore_mem>>) src(%arg11 : memref<16x128xf32, #tpu.memory_space<vmem>>) dst(%dma_wait3A_542 : memref<10016x128xf32, #tpu.memory_space<vmem_shared>>)
          tpu.yield
        }) : () -> ()
      }
      %while3A_521 = arith.constant 1 : i32
      scf.for %while3A_522 = %while3A_519 to %while3A_515 step %while3A_521  : i32 {
        %mul3A_523 = arith.constant 16 : i32
        %mul3A_524 = arith.muli %while3A_522, %mul3A_523 : i32
        %get3A = arith.index_cast %mul3A_524 : i32 to index
        %get3A_525 = tpu.vector_load %arg9[%get3A] {strides = array<i32>} : memref<1600xi32, #tpu.memory_space<vmem>>, vector<16xi32>,
        %sub3A_526 = arith.constant 12544 : i32
        %sub3A_527 = vector.broadcast %sub3A_526 : i32 to vector<16xi32>
        %sub3A_528 = arith.subi %get3A_525, %sub3A_527 : vector<16xi32>
        %dma_start3A = arith.constant 0 : i32
        %dma_start3A_529 = arith.constant 0 : i32
        %dma_start3A_530 = tpu.memref_slice %arg5[%dma_start3A, %dma_start3A_529] : memref<12544x128xf32, #tpu.memory_space<hbm>> -> memref<12544x128xf32, #tpu.memory_space<hbm>>
        tpu.enqueue_indirect_dma source(%dma_start3A_530 : memref<12544x128xf32, #tpu.memory_space<hbm>>) target(%arg11 : memref<16x128xf32, #tpu.memory_space<vmem>>) offsets(%sub3A_528 : vector<16xi32>) semaphore(%arg13 : memref<!tpu.dma_semaphore, #tpu.memory_space<semaphore_mem>>)
        %dma_wait3A = arith.constant 0 : i32
        %dma_wait3A_531 = arith.constant 0 : i32
        %dma_wait3A_532 = tpu.memref_slice %arg5[%dma_wait3A, %dma_wait3A_531] : memref<12544x128xf32, #tpu.memory_space<hbm>> -> memref<12544x128xf32, #tpu.memory_space<hbm>>
        tpu.wait_indirect_dma semaphore(%arg13 : memref<!tpu.dma_semaphore, #tpu.memory_space<semaphore_mem>>) src(%dma_wait3A_532 : memref<12544x128xf32, #tpu.memory_space<hbm>>) dst(%arg11 : memref<16x128xf32, #tpu.memory_space<vmem>>)
        %mul3A_533 = arith.constant 16 : i32
        %mul3A_534 = arith.muli %while3A_522, %mul3A_533 : i32
        %get3A_535 = arith.index_cast %mul3A_534 : i32 to index
        %get3A_536 = tpu.vector_load %arg10[%get3A_535] {strides = array<i32>} : memref<1600xi32, #tpu.memory_space<vmem>>, vector<16xi32>,
        "tpu.region"() ({
          %run_scoped3A = tpu.sem_alloc : memref<!tpu.dma_semaphore, #tpu.memory_space<semaphore_mem>>
          %dma_start3A_537 = arith.constant 0 : i32
          %dma_start3A_538 = arith.constant 0 : i32
          %dma_start3A_539 = tpu.memref_slice %arg7[%dma_start3A_537, %dma_start3A_538] : memref<10016x128xf32, #tpu.memory_space<vmem_shared>> -> memref<10016x128xf32, #tpu.memory_space<vmem_shared>>
          tpu.enqueue_indirect_dma source(%arg11 : memref<16x128xf32, #tpu.memory_space<vmem>>) target(%dma_start3A_539 : memref<10016x128xf32, #tpu.memory_space<vmem_shared>>) offsets(%get3A_536 : vector<16xi32>) semaphore(%run_scoped3A : memref<!tpu.dma_semaphore, #tpu.memory_space<semaphore_mem>>) {add = true}
          %dma_wait3A_540 = arith.constant 0 : i32
          %dma_wait3A_541 = arith.constant 0 : i32
          %dma_wait3A_542 = tpu.memref_slice %arg7[%dma_wait3A_540, %dma_wait3A_541] : memref<10016x128xf32, #tpu.memory_space<vmem_shared>> -> memref<10016x128xf32, #tpu.memory_space<vmem_shared>>
          tpu.wait_indirect_dma semaphore(%run_scoped3A : memref<!tpu.dma_semaphore, #tpu.memory_space<semaphore_mem>>) src(%arg11 : memref<16x128xf32, #tpu.memory_space<vmem>>) dst(%dma_wait3A_542 : memref<10016x128xf32, #tpu.memory_space<vmem_shared>>)
          tpu.yield
        }) : () -> ()
      }
    } else {
    }
    %barrier3A_395 = arith.constant 0 : index
    tpu.barrier barrier_id(%barrier3A_395)
    %lt3A_396 = arith.constant 15 : i32
    %lt3A_397 = arith.cmpi slt, %arg1, %lt3A_396 : i32
    %convert_element_type3A_398 = arith.extui %lt3A_397 : i1 to i32
    %cond3A_399 = arith.constant 0 : i32
    %cond3A_400 = arith.cmpi ne, %convert_element_type3A_398, %cond3A_399 : i32
    scf.if %cond3A_400 {
      %mul3A_513 = arith.constant 624 : i32
      %mul3A_514 = arith.muli %arg1, %mul3A_513 : i32
      %mul3A_515 = arith.constant 624 : i32
      %mul3A_516 = arith.muli %arg1, %mul3A_515 : i32
      %add3A_517 = arith.addi %mul3A_306, %mul3A_516 : i32
      "tpu.region"() ({
        %run_scoped3A = tpu.sem_alloc : memref<!tpu.dma_semaphore, #tpu.memory_space<semaphore_mem>>
        %dma_start3A = arith.constant 0 : i32
        %dma_start3A_518 = tpu.memref_slice %arg6[%add3A_517, %dma_start3A] : memref<100000x128xf32, #tpu.memory_space<hbm>> -> memref<624x128xf32, #tpu.memory_space<hbm>>
        %dma_start3A_519 = arith.constant 0 : i32
        %dma_start3A_520 = tpu.memref_slice %arg7[%mul3A_514, %dma_start3A_519] : memref<10016x128xf32, #tpu.memory_space<vmem_shared>> -> memref<624x128xf32, #tpu.memory_space<vmem_shared>>
        tpu.enqueue_dma source(%dma_start3A_520 : memref<624x128xf32, #tpu.memory_space<vmem_shared>>) target(%dma_start3A_518 : memref<624x128xf32, #tpu.memory_space<hbm>>) target_semaphore(%run_scoped3A : memref<!tpu.dma_semaphore, #tpu.memory_space<semaphore_mem>>)
        %dma_wait3A = arith.constant 0 : i32
        %dma_wait3A_521 = tpu.memref_slice %arg6[%add3A_517, %dma_wait3A] : memref<100000x128xf32, #tpu.memory_space<hbm>> -> memref<624x128xf32, #tpu.memory_space<hbm>>
        %dma_wait3A_522 = arith.constant 0 : i32
        %dma_wait3A_523 = tpu.memref_slice %arg7[%mul3A_514, %dma_wait3A_522] : memref<10016x128xf32, #tpu.memory_space<vmem_shared>> -> memref<624x128xf32, #tpu.memory_space<vmem_shared>>
        tpu.wait_dma2 semaphore(%run_scoped3A : memref<!tpu.dma_semaphore, #tpu.memory_space<semaphore_mem>>) src(%dma_wait3A_523 : memref<624x128xf32, #tpu.memory_space<vmem_shared>>) dst(%dma_wait3A_521 : memref<624x128xf32, #tpu.memory_space<hbm>>)
        tpu.yield
      }) : () -> ()
    } else {
    }
    %eq3A_401 = arith.constant 15 : i32
    %eq3A_402 = arith.cmpi eq, %arg1, %eq3A_401 : i32
    %convert_element_type3A_403 = arith.extui %eq3A_402 : i1 to i32
    %cond3A_404 = arith.constant 0 : i32
    %cond3A_405 = arith.cmpi ne, %convert_element_type3A_403, %cond3A_404 : i32
    scf.if %cond3A_405 {
      %add3A_513 = arith.constant 9360 : i32
      %add3A_514 = arith.addi %mul3A_306, %add3A_513 : i32
      "tpu.region"() ({
        %run_scoped3A = tpu.sem_alloc : memref<!tpu.dma_semaphore, #tpu.memory_space<semaphore_mem>>
        %dma_start3A = arith.constant 0 : i32
        %dma_start3A_515 = tpu.memref_slice %arg6[%add3A_514, %dma_start3A] : memref<100000x128xf32, #tpu.memory_space<hbm>> -> memref<640x128xf32, #tpu.memory_space<hbm>>
        %dma_start3A_516 = arith.constant 9360 : i32
        %dma_start3A_517 = arith.constant 0 : i32
        %dma_start3A_518 = tpu.memref_slice %arg7[%dma_start3A_516, %dma_start3A_517] : memref<10016x128xf32, #tpu.memory_space<vmem_shared>> -> memref<640x128xf32, #tpu.memory_space<vmem_shared>>
        tpu.enqueue_dma source(%dma_start3A_518 : memref<640x128xf32, #tpu.memory_space<vmem_shared>>) target(%dma_start3A_515 : memref<640x128xf32, #tpu.memory_space<hbm>>) target_semaphore(%run_scoped3A : memref<!tpu.dma_semaphore, #tpu.memory_space<semaphore_mem>>)
        %dma_wait3A = arith.constant 0 : i32
        %dma_wait3A_519 = tpu.memref_slice %arg6[%add3A_514, %dma_wait3A] : memref<100000x128xf32, #tpu.memory_space<hbm>> -> memref<640x128xf32, #tpu.memory_space<hbm>>
        %dma_wait3A_520 = arith.constant 9360 : i32
        %dma_wait3A_521 = arith.constant 0 : i32
        %dma_wait3A_522 = tpu.memref_slice %arg7[%dma_wait3A_520, %dma_wait3A_521] : memref<10016x128xf32, #tpu.memory_space<vmem_shared>> -> memref<640x128xf32, #tpu.memory_space<vmem_shared>>
        tpu.wait_dma2 semaphore(%run_scoped3A : memref<!tpu.dma_semaphore, #tpu.memory_space<semaphore_mem>>) src(%dma_wait3A_522 : memref<640x128xf32, #tpu.memory_space<vmem_shared>>) dst(%dma_wait3A_519 : memref<640x128xf32, #tpu.memory_space<hbm>>)
        tpu.yield
      }) : () -> ()
    } else {
    }
    %barrier3A_406 = arith.constant 0 : index
    tpu.barrier barrier_id(%barrier3A_406)
    %mul3A_407 = arith.constant 5 : i32
    %mul3A_408 = arith.muli %arg0, %mul3A_407 : i32
    %add3A_409 = arith.constant 4 : i32
    %add3A_410 = arith.addi %mul3A_408, %add3A_409 : i32
    %mul3A_411 = arith.constant 10000 : i32
    %mul3A_412 = arith.muli %add3A_410, %mul3A_411 : i32
    %lt3A_413 = arith.constant 15 : i32
    %lt3A_414 = arith.cmpi slt, %arg1, %lt3A_413 : i32
    %convert_element_type3A_415 = arith.extui %lt3A_414 : i1 to i32
    %cond3A_416 = arith.constant 0 : i32
    %cond3A_417 = arith.cmpi ne, %convert_element_type3A_415, %cond3A_416 : i32
    scf.if %cond3A_417 {
      %mul3A_513 = arith.constant 624 : i32
      %mul3A_514 = arith.muli %arg1, %mul3A_513 : i32
      %add3A_515 = arith.addi %mul3A_412, %mul3A_514 : i32
      %mul3A_516 = arith.constant 624 : i32
      %mul3A_517 = arith.muli %arg1, %mul3A_516 : i32
      "tpu.region"() ({
        %run_scoped3A = tpu.sem_alloc : memref<!tpu.dma_semaphore, #tpu.memory_space<semaphore_mem>>
        %dma_start3A = arith.constant 0 : i32
        %dma_start3A_518 = tpu.memref_slice %arg7[%mul3A_517, %dma_start3A] : memref<10016x128xf32, #tpu.memory_space<vmem_shared>> -> memref<624x128xf32, #tpu.memory_space<vmem_shared>>
        %dma_start3A_519 = arith.constant 0 : i32
        %dma_start3A_520 = tpu.memref_slice %arg2[%add3A_515, %dma_start3A_519] : memref<100000x128xf32, #tpu.memory_space<hbm>> -> memref<624x128xf32, #tpu.memory_space<hbm>>
        tpu.enqueue_dma source(%dma_start3A_520 : memref<624x128xf32, #tpu.memory_space<hbm>>) target(%dma_start3A_518 : memref<624x128xf32, #tpu.memory_space<vmem_shared>>) target_semaphore(%run_scoped3A : memref<!tpu.dma_semaphore, #tpu.memory_space<semaphore_mem>>)
        %dma_wait3A = arith.constant 0 : i32
        %dma_wait3A_521 = tpu.memref_slice %arg7[%mul3A_517, %dma_wait3A] : memref<10016x128xf32, #tpu.memory_space<vmem_shared>> -> memref<624x128xf32, #tpu.memory_space<vmem_shared>>
        %dma_wait3A_522 = arith.constant 0 : i32
        %dma_wait3A_523 = tpu.memref_slice %arg2[%add3A_515, %dma_wait3A_522] : memref<100000x128xf32, #tpu.memory_space<hbm>> -> memref<624x128xf32, #tpu.memory_space<hbm>>
        tpu.wait_dma2 semaphore(%run_scoped3A : memref<!tpu.dma_semaphore, #tpu.memory_space<semaphore_mem>>) src(%dma_wait3A_523 : memref<624x128xf32, #tpu.memory_space<hbm>>) dst(%dma_wait3A_521 : memref<624x128xf32, #tpu.memory_space<vmem_shared>>)
        tpu.yield
      }) : () -> ()
    } else {
    }
    %eq3A_418 = arith.constant 15 : i32
    %eq3A_419 = arith.cmpi eq, %arg1, %eq3A_418 : i32
    %convert_element_type3A_420 = arith.extui %eq3A_419 : i1 to i32
    %cond3A_421 = arith.constant 0 : i32
    %cond3A_422 = arith.cmpi ne, %convert_element_type3A_420, %cond3A_421 : i32
    scf.if %cond3A_422 {
      %add3A_513 = arith.constant 9360 : i32
      %add3A_514 = arith.addi %mul3A_412, %add3A_513 : i32
      "tpu.region"() ({
        %run_scoped3A = tpu.sem_alloc : memref<!tpu.dma_semaphore, #tpu.memory_space<semaphore_mem>>
        %dma_start3A = arith.constant 9360 : i32
        %dma_start3A_515 = arith.constant 0 : i32
        %dma_start3A_516 = tpu.memref_slice %arg7[%dma_start3A, %dma_start3A_515] : memref<10016x128xf32, #tpu.memory_space<vmem_shared>> -> memref<640x128xf32, #tpu.memory_space<vmem_shared>>
        %dma_start3A_517 = arith.constant 0 : i32
        %dma_start3A_518 = tpu.memref_slice %arg2[%add3A_514, %dma_start3A_517] : memref<100000x128xf32, #tpu.memory_space<hbm>> -> memref<640x128xf32, #tpu.memory_space<hbm>>
        tpu.enqueue_dma source(%dma_start3A_518 : memref<640x128xf32, #tpu.memory_space<hbm>>) target(%dma_start3A_516 : memref<640x128xf32, #tpu.memory_space<vmem_shared>>) target_semaphore(%run_scoped3A : memref<!tpu.dma_semaphore, #tpu.memory_space<semaphore_mem>>)
        %dma_wait3A = arith.constant 9360 : i32
        %dma_wait3A_519 = arith.constant 0 : i32
        %dma_wait3A_520 = tpu.memref_slice %arg7[%dma_wait3A, %dma_wait3A_519] : memref<10016x128xf32, #tpu.memory_space<vmem_shared>> -> memref<640x128xf32, #tpu.memory_space<vmem_shared>>
        %dma_wait3A_521 = arith.constant 0 : i32
        %dma_wait3A_522 = tpu.memref_slice %arg2[%add3A_514, %dma_wait3A_521] : memref<100000x128xf32, #tpu.memory_space<hbm>> -> memref<640x128xf32, #tpu.memory_space<hbm>>
        tpu.wait_dma2 semaphore(%run_scoped3A : memref<!tpu.dma_semaphore, #tpu.memory_space<semaphore_mem>>) src(%dma_wait3A_522 : memref<640x128xf32, #tpu.memory_space<hbm>>) dst(%dma_wait3A_520 : memref<640x128xf32, #tpu.memory_space<vmem_shared>>)
        tpu.yield
      }) : () -> ()
    } else {
    }
    %scan3A_423 = arith.constant 0 : i32
    %scan3A_424 = arith.constant 0 : i32
    %scan3A_425 = arith.constant 98 : i32
    %scan3A_426 = arith.addi %scan3A_424, %scan3A_425 : i32
    %scan3A_427 = arith.constant 1 : i32
    %scan3A_428 = scf.for %scan3A_513 = %scan3A_424 to %scan3A_426 step %scan3A_427 iter_args(%scan3A_514 = %scan3A_423) -> (i32)  : i32 {
      %mul3A_515 = arith.constant 16 : i32
      %mul3A_516 = arith.muli %scan3A_513, %mul3A_515 : i32
      %get3A = arith.index_cast %mul3A_516 : i32 to index
      %get3A_517 = tpu.vector_load %arg8[%get3A] {strides = array<i32>} : memref<1568xi32, #tpu.memory_space<vmem>>, vector<16xi32>,
      %mul3A_518 = arith.constant 1568 : i32
      %mul3A_519 = arith.muli %arg1, %mul3A_518 : i32
      %mul3A_520 = arith.constant 16 : i32
      %mul3A_521 = arith.muli %scan3A_513, %mul3A_520 : i32
      %add3A_522 = arith.addi %mul3A_519, %mul3A_521 : i32
      %add3A_523 = vector.broadcast %add3A_522 : i32 to vector<16xi32>
      %add3A_524 = arith.addi %add3A_523, %iota3A : vector<16xi32>
      %ge3A_525 = vector.broadcast %mul3A_412 : i32 to vector<16xi32>
      %ge3A_526 = arith.cmpi sge, %get3A_517, %ge3A_525 : vector<16xi32>
      %add3A_527 = arith.constant 10000 : i32
      %add3A_528 = arith.addi %mul3A_412, %add3A_527 : i32
      %lt3A_529 = vector.broadcast %add3A_528 : i32 to vector<16xi32>
      %lt3A_530 = arith.cmpi slt, %get3A_517, %lt3A_529 : vector<16xi32>
      %and3A_531 = arith.andi %ge3A_526, %lt3A_530 : vector<16xi1>
      %lt3A_532 = arith.constant 25000 : i32
      %lt3A_533 = vector.broadcast %lt3A_532 : i32 to vector<16xi32>
      %lt3A_534 = arith.cmpi slt, %add3A_524, %lt3A_533 : vector<16xi32>
      %and3A_535 = arith.andi %and3A_531, %lt3A_534 : vector<16xi1>
      %jit3A_536 = arith.constant 1 : i32
      %jit3A_537 = arith.constant 0 : i32
      %broadcast_in_dim3A_538 = vector.broadcast %jit3A_536 : i32 to vector<16xi32>
      %broadcast_in_dim3A_539 = vector.broadcast %jit3A_537 : i32 to vector<16xi32>
      %select_n3A_540 = arith.select %and3A_535, %broadcast_in_dim3A_538, %broadcast_in_dim3A_539 : vector<16xi1>, vector<16xi32>
      %broadcast_in_dim3A_541 = arith.constant true
      %broadcast_in_dim3A_542 = vector.broadcast %broadcast_in_dim3A_541 : i1 to vector<16xi1>
      %masked_cumsum3A = tpu.scan <sum>, %select_n3A_540 masked %broadcast_in_dim3A_542 : vector<16xi32>, vector<16xi1> -> vector<16xi32>
      %add3A_543 = vector.broadcast %scan3A_514 : i32 to vector<16xi32>
      %add3A_544 = arith.addi %add3A_543, %masked_cumsum3A : vector<16xi32>
      %sub3A_545 = arith.constant 1 : i32
      %sub3A_546 = vector.broadcast %sub3A_545 : i32 to vector<16xi32>
      %sub3A_547 = arith.subi %add3A_544, %sub3A_546 : vector<16xi32>
      %sub3A_548 = vector.broadcast %mul3A_412 : i32 to vector<16xi32>
      %sub3A_549 = arith.subi %get3A_517, %sub3A_548 : vector<16xi32>
      tpu.vector_store_idx %arg10[%sub3A_547], %sub3A_549 masked %and3A_535 : memref<1600xi32, #tpu.memory_space<vmem>>[vector<16xi32>], vector<16xi32>, vector<16xi1>
      tpu.vector_store_idx %arg9[%sub3A_547], %add3A_524 masked %and3A_535 : memref<1600xi32, #tpu.memory_space<vmem>>[vector<16xi32>], vector<16xi32>, vector<16xi1>
      %slice3A = vector.extract_strided_slice %masked_cumsum3A {offsets = [15], sizes = [1], strides = [1]} : vector<16xi32> to vector<1xi32>
      %squeeze3A = vector.extract %slice3A[0] : i32 from vector<1xi32>
      %add3A_550 = arith.addi %scan3A_514, %squeeze3A : i32
      scf.yield %add3A_550 : i32
    }
    %scan3A_429 = arith.constant 98 : i32
    %broadcast_in_dim3A_430 = arith.constant 10000 : i32
    %broadcast_in_dim3A_431 = vector.broadcast %broadcast_in_dim3A_430 : i32 to vector<16xi32>
    %add3A_432 = arith.constant 0 : i32
    %add3A_433 = arith.addi %scan3A_428, %add3A_432 : i32
    %swap3A_434 = arith.index_cast %add3A_433 : i32 to index
    %swap3A_435 = tpu.vector_load %arg10[%swap3A_434] {strides = array<i32>} : memref<1600xi32, #tpu.memory_space<vmem>>, vector<16xi32>,
    tpu.vector_store %arg10[%swap3A_434], %broadcast_in_dim3A_431 {strides = array<i32>} : memref<1600xi32, #tpu.memory_space<vmem>>, vector<16xi32>,
    %mul3A_436 = arith.constant 0 : i32
    %mul3A_437 = vector.broadcast %mul3A_436 : i32 to vector<16xi32>
    %mul3A_438 = arith.muli %iota3A, %mul3A_437 : vector<16xi32>
    %mul3A_439 = arith.constant 1568 : i32
    %mul3A_440 = arith.muli %arg1, %mul3A_439 : i32
    %add3A_441 = vector.broadcast %mul3A_440 : i32 to vector<16xi32>
    %add3A_442 = arith.addi %mul3A_438, %add3A_441 : vector<16xi32>
    %add3A_443 = arith.constant 0 : i32
    %add3A_444 = arith.addi %scan3A_428, %add3A_443 : i32
    %swap3A_445 = arith.index_cast %add3A_444 : i32 to index
    %swap3A_446 = tpu.vector_load %arg9[%swap3A_445] {strides = array<i32>} : memref<1600xi32, #tpu.memory_space<vmem>>, vector<16xi32>,
    tpu.vector_store %arg9[%swap3A_445], %add3A_442 {strides = array<i32>} : memref<1600xi32, #tpu.memory_space<vmem>>, vector<16xi32>,
    %broadcast_in_dim3A_447 = arith.constant 10000 : i32
    %broadcast_in_dim3A_448 = vector.broadcast %broadcast_in_dim3A_447 : i32 to vector<16xi32>
    %add3A_449 = arith.constant 16 : i32
    %add3A_450 = arith.addi %scan3A_428, %add3A_449 : i32
    %swap3A_451 = arith.index_cast %add3A_450 : i32 to index
    %swap3A_452 = tpu.vector_load %arg10[%swap3A_451] {strides = array<i32>} : memref<1600xi32, #tpu.memory_space<vmem>>, vector<16xi32>,
    tpu.vector_store %arg10[%swap3A_451], %broadcast_in_dim3A_448 {strides = array<i32>} : memref<1600xi32, #tpu.memory_space<vmem>>, vector<16xi32>,
    %mul3A_453 = arith.constant 0 : i32
    %mul3A_454 = vector.broadcast %mul3A_453 : i32 to vector<16xi32>
    %mul3A_455 = arith.muli %iota3A, %mul3A_454 : vector<16xi32>
    %mul3A_456 = arith.constant 1568 : i32
    %mul3A_457 = arith.muli %arg1, %mul3A_456 : i32
    %add3A_458 = vector.broadcast %mul3A_457 : i32 to vector<16xi32>
    %add3A_459 = arith.addi %mul3A_455, %add3A_458 : vector<16xi32>
    %add3A_460 = arith.constant 16 : i32
    %add3A_461 = arith.addi %scan3A_428, %add3A_460 : i32
    %swap3A_462 = arith.index_cast %add3A_461 : i32 to index
    %swap3A_463 = tpu.vector_load %arg9[%swap3A_462] {strides = array<i32>} : memref<1600xi32, #tpu.memory_space<vmem>>, vector<16xi32>,
    tpu.vector_store %arg9[%swap3A_462], %add3A_459 {strides = array<i32>} : memref<1600xi32, #tpu.memory_space<vmem>>, vector<16xi32>,
    %barrier3A_464 = arith.constant 0 : index
    tpu.barrier barrier_id(%barrier3A_464)
    %add3A_465 = arith.constant 15 : i32
    %add3A_466 = arith.addi %scan3A_428, %add3A_465 : i32
    %jit3A_467 = arith.constant 16 : i32
    %div3A_468 = arith.divsi %add3A_466, %jit3A_467 : i32
    %sign3A_469 = arith.constant 0 : i32
    %sign3A_470 = arith.cmpi sgt, %add3A_466, %sign3A_469 : i32
    %sign3A_471 = arith.extui %sign3A_470 : i1 to i32
    %sign3A_472 = arith.constant 0 : i32
    %sign3A_473 = arith.cmpi slt, %add3A_466, %sign3A_472 : i32
    %sign3A_474 = arith.extui %sign3A_473 : i1 to i32
    %sign3A_475 = arith.subi %sign3A_471, %sign3A_474 : i32
    %sign3A_476 = arith.constant 0 : i32
    %sign3A_477 = arith.cmpi sgt, %jit3A_467, %sign3A_476 : i32
    %sign3A_478 = arith.extui %sign3A_477 : i1 to i32
    %sign3A_479 = arith.constant 0 : i32
    %sign3A_480 = arith.cmpi slt, %jit3A_467, %sign3A_479 : i32
    %sign3A_481 = arith.extui %sign3A_480 : i1 to i32
    %sign3A_482 = arith.subi %sign3A_478, %sign3A_481 : i32
    %ne3A_483 = arith.cmpi ne, %sign3A_475, %sign3A_482 : i32
    %rem3A_484 = arith.remsi %add3A_466, %jit3A_467 : i32
    %ne3A_485 = arith.constant 0 : i32
    %ne3A_486 = arith.cmpi ne, %rem3A_484, %ne3A_485 : i32
    %and3A_487 = arith.andi %ne3A_483, %ne3A_486 : i1
    %sub3A_488 = arith.constant 1 : i32
    %sub3A_489 = arith.subi %div3A_468, %sub3A_488 : i32
    %select_n3A_490 = arith.select %and3A_487, %sub3A_489, %div3A_468 : i32
    %lt3A_491 = arith.constant 8 : i32
    %lt3A_492 = arith.cmpi slt, %arg1, %lt3A_491 : i32
    %convert_element_type3A_493 = arith.extui %lt3A_492 : i1 to i32
    %cond3A_494 = arith.constant 0 : i32
    %cond3A_495 = arith.cmpi ne, %convert_element_type3A_493, %cond3A_494 : i32
    scf.if %cond3A_495 {
      %while3A = arith.constant 0 : i32
      %while3A_513 = arith.constant 0 : i32
      %while3A_514 = arith.subi %select_n3A_490, %while3A_513 : i32
      %while3A_515 = arith.addi %while3A_513, %while3A_514 : i32
      %while3A_516 = arith.constant 1 : i32
      %while3A_517 = arith.divsi %while3A_514, %while3A_516 : i32
      %while3A_518 = arith.muli %while3A_517, %while3A_516 : i32
      %while3A_519 = arith.addi %while3A_513, %while3A_518 : i32
      %while3A_520 = arith.constant 1 : i32
      scf.for %while3A_522 = %while3A_513 to %while3A_519 step %while3A_520  : i32 {
        %mul3A_523 = arith.constant 16 : i32
        %mul3A_524 = arith.muli %while3A_522, %mul3A_523 : i32
        %get3A = arith.index_cast %mul3A_524 : i32 to index
        %get3A_525 = tpu.vector_load %arg9[%get3A] {strides = array<i32>} : memref<1600xi32, #tpu.memory_space<vmem>>, vector<16xi32>,
        %sub3A_526 = arith.constant 0 : i32
        %sub3A_527 = vector.broadcast %sub3A_526 : i32 to vector<16xi32>
        %sub3A_528 = arith.subi %get3A_525, %sub3A_527 : vector<16xi32>
        %dma_start3A = arith.constant 0 : i32
        %dma_start3A_529 = arith.constant 0 : i32
        %dma_start3A_530 = tpu.memref_slice %arg4[%dma_start3A, %dma_start3A_529] : memref<12544x128xf32, #tpu.memory_space<hbm>> -> memref<12544x128xf32, #tpu.memory_space<hbm>>
        tpu.enqueue_indirect_dma source(%dma_start3A_530 : memref<12544x128xf32, #tpu.memory_space<hbm>>) target(%arg11 : memref<16x128xf32, #tpu.memory_space<vmem>>) offsets(%sub3A_528 : vector<16xi32>) semaphore(%arg13 : memref<!tpu.dma_semaphore, #tpu.memory_space<semaphore_mem>>)
        %dma_wait3A = arith.constant 0 : i32
        %dma_wait3A_531 = arith.constant 0 : i32
        %dma_wait3A_532 = tpu.memref_slice %arg4[%dma_wait3A, %dma_wait3A_531] : memref<12544x128xf32, #tpu.memory_space<hbm>> -> memref<12544x128xf32, #tpu.memory_space<hbm>>
        tpu.wait_indirect_dma semaphore(%arg13 : memref<!tpu.dma_semaphore, #tpu.memory_space<semaphore_mem>>) src(%dma_wait3A_532 : memref<12544x128xf32, #tpu.memory_space<hbm>>) dst(%arg11 : memref<16x128xf32, #tpu.memory_space<vmem>>)
        %mul3A_533 = arith.constant 16 : i32
        %mul3A_534 = arith.muli %while3A_522, %mul3A_533 : i32
        %get3A_535 = arith.index_cast %mul3A_534 : i32 to index
        %get3A_536 = tpu.vector_load %arg10[%get3A_535] {strides = array<i32>} : memref<1600xi32, #tpu.memory_space<vmem>>, vector<16xi32>,
        "tpu.region"() ({
          %run_scoped3A = tpu.sem_alloc : memref<!tpu.dma_semaphore, #tpu.memory_space<semaphore_mem>>
          %dma_start3A_537 = arith.constant 0 : i32
          %dma_start3A_538 = arith.constant 0 : i32
          %dma_start3A_539 = tpu.memref_slice %arg7[%dma_start3A_537, %dma_start3A_538] : memref<10016x128xf32, #tpu.memory_space<vmem_shared>> -> memref<10016x128xf32, #tpu.memory_space<vmem_shared>>
          tpu.enqueue_indirect_dma source(%arg11 : memref<16x128xf32, #tpu.memory_space<vmem>>) target(%dma_start3A_539 : memref<10016x128xf32, #tpu.memory_space<vmem_shared>>) offsets(%get3A_536 : vector<16xi32>) semaphore(%run_scoped3A : memref<!tpu.dma_semaphore, #tpu.memory_space<semaphore_mem>>) {add = true}
          %dma_wait3A_540 = arith.constant 0 : i32
          %dma_wait3A_541 = arith.constant 0 : i32
          %dma_wait3A_542 = tpu.memref_slice %arg7[%dma_wait3A_540, %dma_wait3A_541] : memref<10016x128xf32, #tpu.memory_space<vmem_shared>> -> memref<10016x128xf32, #tpu.memory_space<vmem_shared>>
          tpu.wait_indirect_dma semaphore(%run_scoped3A : memref<!tpu.dma_semaphore, #tpu.memory_space<semaphore_mem>>) src(%arg11 : memref<16x128xf32, #tpu.memory_space<vmem>>) dst(%dma_wait3A_542 : memref<10016x128xf32, #tpu.memory_space<vmem_shared>>)
          tpu.yield
        }) : () -> ()
      }
      %while3A_521 = arith.constant 1 : i32
      scf.for %while3A_522 = %while3A_519 to %while3A_515 step %while3A_521  : i32 {
        %mul3A_523 = arith.constant 16 : i32
        %mul3A_524 = arith.muli %while3A_522, %mul3A_523 : i32
        %get3A = arith.index_cast %mul3A_524 : i32 to index
        %get3A_525 = tpu.vector_load %arg9[%get3A] {strides = array<i32>} : memref<1600xi32, #tpu.memory_space<vmem>>, vector<16xi32>,
        %sub3A_526 = arith.constant 0 : i32
        %sub3A_527 = vector.broadcast %sub3A_526 : i32 to vector<16xi32>
        %sub3A_528 = arith.subi %get3A_525, %sub3A_527 : vector<16xi32>
        %dma_start3A = arith.constant 0 : i32
        %dma_start3A_529 = arith.constant 0 : i32
        %dma_start3A_530 = tpu.memref_slice %arg4[%dma_start3A, %dma_start3A_529] : memref<12544x128xf32, #tpu.memory_space<hbm>> -> memref<12544x128xf32, #tpu.memory_space<hbm>>
        tpu.enqueue_indirect_dma source(%dma_start3A_530 : memref<12544x128xf32, #tpu.memory_space<hbm>>) target(%arg11 : memref<16x128xf32, #tpu.memory_space<vmem>>) offsets(%sub3A_528 : vector<16xi32>) semaphore(%arg13 : memref<!tpu.dma_semaphore, #tpu.memory_space<semaphore_mem>>)
        %dma_wait3A = arith.constant 0 : i32
        %dma_wait3A_531 = arith.constant 0 : i32
        %dma_wait3A_532 = tpu.memref_slice %arg4[%dma_wait3A, %dma_wait3A_531] : memref<12544x128xf32, #tpu.memory_space<hbm>> -> memref<12544x128xf32, #tpu.memory_space<hbm>>
        tpu.wait_indirect_dma semaphore(%arg13 : memref<!tpu.dma_semaphore, #tpu.memory_space<semaphore_mem>>) src(%dma_wait3A_532 : memref<12544x128xf32, #tpu.memory_space<hbm>>) dst(%arg11 : memref<16x128xf32, #tpu.memory_space<vmem>>)
        %mul3A_533 = arith.constant 16 : i32
        %mul3A_534 = arith.muli %while3A_522, %mul3A_533 : i32
        %get3A_535 = arith.index_cast %mul3A_534 : i32 to index
        %get3A_536 = tpu.vector_load %arg10[%get3A_535] {strides = array<i32>} : memref<1600xi32, #tpu.memory_space<vmem>>, vector<16xi32>,
        "tpu.region"() ({
          %run_scoped3A = tpu.sem_alloc : memref<!tpu.dma_semaphore, #tpu.memory_space<semaphore_mem>>
          %dma_start3A_537 = arith.constant 0 : i32
          %dma_start3A_538 = arith.constant 0 : i32
          %dma_start3A_539 = tpu.memref_slice %arg7[%dma_start3A_537, %dma_start3A_538] : memref<10016x128xf32, #tpu.memory_space<vmem_shared>> -> memref<10016x128xf32, #tpu.memory_space<vmem_shared>>
          tpu.enqueue_indirect_dma source(%arg11 : memref<16x128xf32, #tpu.memory_space<vmem>>) target(%dma_start3A_539 : memref<10016x128xf32, #tpu.memory_space<vmem_shared>>) offsets(%get3A_536 : vector<16xi32>) semaphore(%run_scoped3A : memref<!tpu.dma_semaphore, #tpu.memory_space<semaphore_mem>>) {add = true}
          %dma_wait3A_540 = arith.constant 0 : i32
          %dma_wait3A_541 = arith.constant 0 : i32
          %dma_wait3A_542 = tpu.memref_slice %arg7[%dma_wait3A_540, %dma_wait3A_541] : memref<10016x128xf32, #tpu.memory_space<vmem_shared>> -> memref<10016x128xf32, #tpu.memory_space<vmem_shared>>
          tpu.wait_indirect_dma semaphore(%run_scoped3A : memref<!tpu.dma_semaphore, #tpu.memory_space<semaphore_mem>>) src(%arg11 : memref<16x128xf32, #tpu.memory_space<vmem>>) dst(%dma_wait3A_542 : memref<10016x128xf32, #tpu.memory_space<vmem_shared>>)
          tpu.yield
        }) : () -> ()
      }
    } else {
    }
    %ge3A_496 = arith.constant 8 : i32
    %ge3A_497 = arith.cmpi sge, %arg1, %ge3A_496 : i32
    %convert_element_type3A_498 = arith.extui %ge3A_497 : i1 to i32
    %cond3A_499 = arith.constant 0 : i32
    %cond3A_500 = arith.cmpi ne, %convert_element_type3A_498, %cond3A_499 : i32
    scf.if %cond3A_500 {
      %while3A = arith.constant 0 : i32
      %while3A_513 = arith.constant 0 : i32
      %while3A_514 = arith.subi %select_n3A_490, %while3A_513 : i32
      %while3A_515 = arith.addi %while3A_513, %while3A_514 : i32
      %while3A_516 = arith.constant 1 : i32
      %while3A_517 = arith.divsi %while3A_514, %while3A_516 : i32
      %while3A_518 = arith.muli %while3A_517, %while3A_516 : i32
      %while3A_519 = arith.addi %while3A_513, %while3A_518 : i32
      %while3A_520 = arith.constant 1 : i32
      scf.for %while3A_522 = %while3A_513 to %while3A_519 step %while3A_520  : i32 {
        %mul3A_523 = arith.constant 16 : i32
        %mul3A_524 = arith.muli %while3A_522, %mul3A_523 : i32
        %get3A = arith.index_cast %mul3A_524 : i32 to index
        %get3A_525 = tpu.vector_load %arg9[%get3A] {strides = array<i32>} : memref<1600xi32, #tpu.memory_space<vmem>>, vector<16xi32>,
        %sub3A_526 = arith.constant 12544 : i32
        %sub3A_527 = vector.broadcast %sub3A_526 : i32 to vector<16xi32>
        %sub3A_528 = arith.subi %get3A_525, %sub3A_527 : vector<16xi32>
        %dma_start3A = arith.constant 0 : i32
        %dma_start3A_529 = arith.constant 0 : i32
        %dma_start3A_530 = tpu.memref_slice %arg5[%dma_start3A, %dma_start3A_529] : memref<12544x128xf32, #tpu.memory_space<hbm>> -> memref<12544x128xf32, #tpu.memory_space<hbm>>
        tpu.enqueue_indirect_dma source(%dma_start3A_530 : memref<12544x128xf32, #tpu.memory_space<hbm>>) target(%arg11 : memref<16x128xf32, #tpu.memory_space<vmem>>) offsets(%sub3A_528 : vector<16xi32>) semaphore(%arg13 : memref<!tpu.dma_semaphore, #tpu.memory_space<semaphore_mem>>)
        %dma_wait3A = arith.constant 0 : i32
        %dma_wait3A_531 = arith.constant 0 : i32
        %dma_wait3A_532 = tpu.memref_slice %arg5[%dma_wait3A, %dma_wait3A_531] : memref<12544x128xf32, #tpu.memory_space<hbm>> -> memref<12544x128xf32, #tpu.memory_space<hbm>>
        tpu.wait_indirect_dma semaphore(%arg13 : memref<!tpu.dma_semaphore, #tpu.memory_space<semaphore_mem>>) src(%dma_wait3A_532 : memref<12544x128xf32, #tpu.memory_space<hbm>>) dst(%arg11 : memref<16x128xf32, #tpu.memory_space<vmem>>)
        %mul3A_533 = arith.constant 16 : i32
        %mul3A_534 = arith.muli %while3A_522, %mul3A_533 : i32
        %get3A_535 = arith.index_cast %mul3A_534 : i32 to index
        %get3A_536 = tpu.vector_load %arg10[%get3A_535] {strides = array<i32>} : memref<1600xi32, #tpu.memory_space<vmem>>, vector<16xi32>,
        "tpu.region"() ({
          %run_scoped3A = tpu.sem_alloc : memref<!tpu.dma_semaphore, #tpu.memory_space<semaphore_mem>>
          %dma_start3A_537 = arith.constant 0 : i32
          %dma_start3A_538 = arith.constant 0 : i32
          %dma_start3A_539 = tpu.memref_slice %arg7[%dma_start3A_537, %dma_start3A_538] : memref<10016x128xf32, #tpu.memory_space<vmem_shared>> -> memref<10016x128xf32, #tpu.memory_space<vmem_shared>>
          tpu.enqueue_indirect_dma source(%arg11 : memref<16x128xf32, #tpu.memory_space<vmem>>) target(%dma_start3A_539 : memref<10016x128xf32, #tpu.memory_space<vmem_shared>>) offsets(%get3A_536 : vector<16xi32>) semaphore(%run_scoped3A : memref<!tpu.dma_semaphore, #tpu.memory_space<semaphore_mem>>) {add = true}
          %dma_wait3A_540 = arith.constant 0 : i32
          %dma_wait3A_541 = arith.constant 0 : i32
          %dma_wait3A_542 = tpu.memref_slice %arg7[%dma_wait3A_540, %dma_wait3A_541] : memref<10016x128xf32, #tpu.memory_space<vmem_shared>> -> memref<10016x128xf32, #tpu.memory_space<vmem_shared>>
          tpu.wait_indirect_dma semaphore(%run_scoped3A : memref<!tpu.dma_semaphore, #tpu.memory_space<semaphore_mem>>) src(%arg11 : memref<16x128xf32, #tpu.memory_space<vmem>>) dst(%dma_wait3A_542 : memref<10016x128xf32, #tpu.memory_space<vmem_shared>>)
          tpu.yield
        }) : () -> ()
      }
      %while3A_521 = arith.constant 1 : i32
      scf.for %while3A_522 = %while3A_519 to %while3A_515 step %while3A_521  : i32 {
        %mul3A_523 = arith.constant 16 : i32
        %mul3A_524 = arith.muli %while3A_522, %mul3A_523 : i32
        %get3A = arith.index_cast %mul3A_524 : i32 to index
        %get3A_525 = tpu.vector_load %arg9[%get3A] {strides = array<i32>} : memref<1600xi32, #tpu.memory_space<vmem>>, vector<16xi32>,
        %sub3A_526 = arith.constant 12544 : i32
        %sub3A_527 = vector.broadcast %sub3A_526 : i32 to vector<16xi32>
        %sub3A_528 = arith.subi %get3A_525, %sub3A_527 : vector<16xi32>
        %dma_start3A = arith.constant 0 : i32
        %dma_start3A_529 = arith.constant 0 : i32
        %dma_start3A_530 = tpu.memref_slice %arg5[%dma_start3A, %dma_start3A_529] : memref<12544x128xf32, #tpu.memory_space<hbm>> -> memref<12544x128xf32, #tpu.memory_space<hbm>>
        tpu.enqueue_indirect_dma source(%dma_start3A_530 : memref<12544x128xf32, #tpu.memory_space<hbm>>) target(%arg11 : memref<16x128xf32, #tpu.memory_space<vmem>>) offsets(%sub3A_528 : vector<16xi32>) semaphore(%arg13 : memref<!tpu.dma_semaphore, #tpu.memory_space<semaphore_mem>>)
        %dma_wait3A = arith.constant 0 : i32
        %dma_wait3A_531 = arith.constant 0 : i32
        %dma_wait3A_532 = tpu.memref_slice %arg5[%dma_wait3A, %dma_wait3A_531] : memref<12544x128xf32, #tpu.memory_space<hbm>> -> memref<12544x128xf32, #tpu.memory_space<hbm>>
        tpu.wait_indirect_dma semaphore(%arg13 : memref<!tpu.dma_semaphore, #tpu.memory_space<semaphore_mem>>) src(%dma_wait3A_532 : memref<12544x128xf32, #tpu.memory_space<hbm>>) dst(%arg11 : memref<16x128xf32, #tpu.memory_space<vmem>>)
        %mul3A_533 = arith.constant 16 : i32
        %mul3A_534 = arith.muli %while3A_522, %mul3A_533 : i32
        %get3A_535 = arith.index_cast %mul3A_534 : i32 to index
        %get3A_536 = tpu.vector_load %arg10[%get3A_535] {strides = array<i32>} : memref<1600xi32, #tpu.memory_space<vmem>>, vector<16xi32>,
        "tpu.region"() ({
          %run_scoped3A = tpu.sem_alloc : memref<!tpu.dma_semaphore, #tpu.memory_space<semaphore_mem>>
          %dma_start3A_537 = arith.constant 0 : i32
          %dma_start3A_538 = arith.constant 0 : i32
          %dma_start3A_539 = tpu.memref_slice %arg7[%dma_start3A_537, %dma_start3A_538] : memref<10016x128xf32, #tpu.memory_space<vmem_shared>> -> memref<10016x128xf32, #tpu.memory_space<vmem_shared>>
          tpu.enqueue_indirect_dma source(%arg11 : memref<16x128xf32, #tpu.memory_space<vmem>>) target(%dma_start3A_539 : memref<10016x128xf32, #tpu.memory_space<vmem_shared>>) offsets(%get3A_536 : vector<16xi32>) semaphore(%run_scoped3A : memref<!tpu.dma_semaphore, #tpu.memory_space<semaphore_mem>>) {add = true}
          %dma_wait3A_540 = arith.constant 0 : i32
          %dma_wait3A_541 = arith.constant 0 : i32
          %dma_wait3A_542 = tpu.memref_slice %arg7[%dma_wait3A_540, %dma_wait3A_541] : memref<10016x128xf32, #tpu.memory_space<vmem_shared>> -> memref<10016x128xf32, #tpu.memory_space<vmem_shared>>
          tpu.wait_indirect_dma semaphore(%run_scoped3A : memref<!tpu.dma_semaphore, #tpu.memory_space<semaphore_mem>>) src(%arg11 : memref<16x128xf32, #tpu.memory_space<vmem>>) dst(%dma_wait3A_542 : memref<10016x128xf32, #tpu.memory_space<vmem_shared>>)
          tpu.yield
        }) : () -> ()
      }
    } else {
    }
    %barrier3A_501 = arith.constant 0 : index
    tpu.barrier barrier_id(%barrier3A_501)
    %lt3A_502 = arith.constant 15 : i32
    %lt3A_503 = arith.cmpi slt, %arg1, %lt3A_502 : i32
    %convert_element_type3A_504 = arith.extui %lt3A_503 : i1 to i32
    %cond3A_505 = arith.constant 0 : i32
    %cond3A_506 = arith.cmpi ne, %convert_element_type3A_504, %cond3A_505 : i32
    scf.if %cond3A_506 {
      %mul3A_513 = arith.constant 624 : i32
      %mul3A_514 = arith.muli %arg1, %mul3A_513 : i32
      %mul3A_515 = arith.constant 624 : i32
      %mul3A_516 = arith.muli %arg1, %mul3A_515 : i32
      %add3A_517 = arith.addi %mul3A_412, %mul3A_516 : i32
      "tpu.region"() ({
        %run_scoped3A = tpu.sem_alloc : memref<!tpu.dma_semaphore, #tpu.memory_space<semaphore_mem>>
        %dma_start3A = arith.constant 0 : i32
        %dma_start3A_518 = tpu.memref_slice %arg6[%add3A_517, %dma_start3A] : memref<100000x128xf32, #tpu.memory_space<hbm>> -> memref<624x128xf32, #tpu.memory_space<hbm>>
        %dma_start3A_519 = arith.constant 0 : i32
        %dma_start3A_520 = tpu.memref_slice %arg7[%mul3A_514, %dma_start3A_519] : memref<10016x128xf32, #tpu.memory_space<vmem_shared>> -> memref<624x128xf32, #tpu.memory_space<vmem_shared>>
        tpu.enqueue_dma source(%dma_start3A_520 : memref<624x128xf32, #tpu.memory_space<vmem_shared>>) target(%dma_start3A_518 : memref<624x128xf32, #tpu.memory_space<hbm>>) target_semaphore(%run_scoped3A : memref<!tpu.dma_semaphore, #tpu.memory_space<semaphore_mem>>)
        %dma_wait3A = arith.constant 0 : i32
        %dma_wait3A_521 = tpu.memref_slice %arg6[%add3A_517, %dma_wait3A] : memref<100000x128xf32, #tpu.memory_space<hbm>> -> memref<624x128xf32, #tpu.memory_space<hbm>>
        %dma_wait3A_522 = arith.constant 0 : i32
        %dma_wait3A_523 = tpu.memref_slice %arg7[%mul3A_514, %dma_wait3A_522] : memref<10016x128xf32, #tpu.memory_space<vmem_shared>> -> memref<624x128xf32, #tpu.memory_space<vmem_shared>>
        tpu.wait_dma2 semaphore(%run_scoped3A : memref<!tpu.dma_semaphore, #tpu.memory_space<semaphore_mem>>) src(%dma_wait3A_523 : memref<624x128xf32, #tpu.memory_space<vmem_shared>>) dst(%dma_wait3A_521 : memref<624x128xf32, #tpu.memory_space<hbm>>)
        tpu.yield
      }) : () -> ()
    } else {
    }
    %eq3A_507 = arith.constant 15 : i32
    %eq3A_508 = arith.cmpi eq, %arg1, %eq3A_507 : i32
    %convert_element_type3A_509 = arith.extui %eq3A_508 : i1 to i32
    %cond3A_510 = arith.constant 0 : i32
    %cond3A_511 = arith.cmpi ne, %convert_element_type3A_509, %cond3A_510 : i32
    scf.if %cond3A_511 {
      %add3A_513 = arith.constant 9360 : i32
      %add3A_514 = arith.addi %mul3A_412, %add3A_513 : i32
      "tpu.region"() ({
        %run_scoped3A = tpu.sem_alloc : memref<!tpu.dma_semaphore, #tpu.memory_space<semaphore_mem>>
        %dma_start3A = arith.constant 0 : i32
        %dma_start3A_515 = tpu.memref_slice %arg6[%add3A_514, %dma_start3A] : memref<100000x128xf32, #tpu.memory_space<hbm>> -> memref<640x128xf32, #tpu.memory_space<hbm>>
        %dma_start3A_516 = arith.constant 9360 : i32
        %dma_start3A_517 = arith.constant 0 : i32
        %dma_start3A_518 = tpu.memref_slice %arg7[%dma_start3A_516, %dma_start3A_517] : memref<10016x128xf32, #tpu.memory_space<vmem_shared>> -> memref<640x128xf32, #tpu.memory_space<vmem_shared>>
        tpu.enqueue_dma source(%dma_start3A_518 : memref<640x128xf32, #tpu.memory_space<vmem_shared>>) target(%dma_start3A_515 : memref<640x128xf32, #tpu.memory_space<hbm>>) target_semaphore(%run_scoped3A : memref<!tpu.dma_semaphore, #tpu.memory_space<semaphore_mem>>)
        %dma_wait3A = arith.constant 0 : i32
        %dma_wait3A_519 = tpu.memref_slice %arg6[%add3A_514, %dma_wait3A] : memref<100000x128xf32, #tpu.memory_space<hbm>> -> memref<640x128xf32, #tpu.memory_space<hbm>>
        %dma_wait3A_520 = arith.constant 9360 : i32
        %dma_wait3A_521 = arith.constant 0 : i32
        %dma_wait3A_522 = tpu.memref_slice %arg7[%dma_wait3A_520, %dma_wait3A_521] : memref<10016x128xf32, #tpu.memory_space<vmem_shared>> -> memref<640x128xf32, #tpu.memory_space<vmem_shared>>
        tpu.wait_dma2 semaphore(%run_scoped3A : memref<!tpu.dma_semaphore, #tpu.memory_space<semaphore_mem>>) src(%dma_wait3A_522 : memref<640x128xf32, #tpu.memory_space<vmem_shared>>) dst(%dma_wait3A_519 : memref<640x128xf32, #tpu.memory_space<hbm>>)
        tpu.yield
      }) : () -> ()
    } else {
    }
    %barrier3A_512 = arith.constant 0 : index
    tpu.barrier barrier_id(%barrier3A_512)
    return
  }
}

module attributes {stable_mosaic.version = 14 : i64} {
  func.func @_dense_body(%arg0: i32, %arg1: memref<6272x128xf32, #tpu.memory_space<vmem>>, %arg2: memref<128x128xf32, #tpu.memory_space<vmem>>, %arg3: memref<1x128xf32, #tpu.memory_space<vmem>>, %arg4: memref<6272x128xf32, #tpu.memory_space<vmem>>) attributes {dimension_semantics = [#tpu.dimension_semantics<arbitrary>], iteration_bounds = array<i64: 2>, scalar_prefetch = 0 : i64, scratch_operands = 0 : i64, tpu.core_type = #tpu.core_type<tc>, window_params = [{transform_indices = @transform_0, window_bounds = array<i64: 6272, 128>}, {pipeline_mode = #tpu.pipeline_mode<synchronous>, transform_indices = @transform_1, window_bounds = array<i64: 128, 128>}, {pipeline_mode = #tpu.pipeline_mode<synchronous>, transform_indices = @transform_2, window_bounds = array<i64: 1, 128>}, {transform_indices = @transform_3, window_bounds = array<i64: 6272, 128>}]} {
    %get3A = arith.constant 0 : index
    %get3A_0 = arith.constant 0 : index
    %get3A_1 = vector.load %arg1[%get3A, %get3A_0] : memref<6272x128xf32, #tpu.memory_space<vmem>>, vector<6272x128xf32>
    %get3A_2 = arith.constant 0 : index
    %get3A_3 = arith.constant 0 : index
    %get3A_4 = vector.load %arg2[%get3A_2, %get3A_3] : memref<128x128xf32, #tpu.memory_space<vmem>>, vector<128x128xf32>
    %dot_general3A = arith.constant dense<0.000000e+00> : vector<6272x128xf32>
    %dot_general3A_5 = tpu.matmul %get3A_1, %get3A_4, %dot_general3A {dimension_numbers = #tpu.dot_dimension_numbers<[1], [0], [0], [1], [0, 0, 1, 1], [], []>, transpose_lhs_hint = false} : vector<6272x128xf32>, vector<128x128xf32>, vector<6272x128xf32> -> vector<6272x128xf32>
    %get3A_6 = arith.constant 0 : index
    %get3A_7 = arith.constant 0 : index
    %get3A_8 = vector.load %arg3[%get3A_6, %get3A_7] : memref<1x128xf32, #tpu.memory_space<vmem>>, vector<1x128xf32>
    %add3A = vector.broadcast %get3A_8 : vector<1x128xf32> to vector<6272x128xf32>
    %add3A_9 = arith.addf %dot_general3A_5, %add3A : vector<6272x128xf32>
    %gt3A = arith.constant 0.000000e+00 : f32
    %gt3A_10 = vector.broadcast %gt3A : f32 to vector<6272x128xf32>
    %gt3A_11 = arith.cmpf ogt, %add3A_9, %gt3A_10 : vector<6272x128xf32>
    %min3A = arith.constant 0.000000e+00 : f32
    %min3A_12 = vector.broadcast %min3A : f32 to vector<6272x128xf32>
    %min3A_13 = arith.minimumf %add3A_9, %min3A_12 : vector<6272x128xf32>
    %exp3A = math.exp %min3A_13 : vector<6272x128xf32>
    %sub3A = arith.constant 1.000000e+00 : f32
    %sub3A_14 = vector.broadcast %sub3A : f32 to vector<6272x128xf32>
    %sub3A_15 = arith.subf %exp3A, %sub3A_14 : vector<6272x128xf32>
    %select_n3A = arith.select %gt3A_11, %add3A_9, %sub3A_15 : vector<6272x128xi1>, vector<6272x128xf32>
    %swap3A = arith.constant 0 : index
    %swap3A_16 = arith.constant 0 : index
    %swap3A_17 = vector.load %arg4[%swap3A, %swap3A_16] : memref<6272x128xf32, #tpu.memory_space<vmem>>, vector<6272x128xf32>
    tpu.vector_store %arg4[%swap3A, %swap3A_16], %select_n3A {strides = array<i32>} : memref<6272x128xf32, #tpu.memory_space<vmem>>, vector<6272x128xf32>,
    return
  }
  func.func @transform_0(%arg0: i32) -> (i32, i32) {
    %c0_i32 = arith.constant 0 : i32
    %c0_i32_0 = arith.constant 0 : i32
    return %arg0, %c0_i32 : i32, i32
  }
  func.func @transform_1(%arg0: i32) -> (i32, i32) {
    %c0_i32 = arith.constant 0 : i32
    %c0_i32_0 = arith.constant 0 : i32
    %c0_i32_1 = arith.constant 0 : i32
    return %c0_i32, %c0_i32_0 : i32, i32
  }
  func.func @transform_2(%arg0: i32) -> (i32, i32) {
    %c0_i32 = arith.constant 0 : i32
    %c0_i32_0 = arith.constant 0 : i32
    %c0_i32_1 = arith.constant 0 : i32
    return %c0_i32, %c0_i32_0 : i32, i32
  }
  func.func @transform_3(%arg0: i32) -> (i32, i32) {
    %c0_i32 = arith.constant 0 : i32
    %c0_i32_0 = arith.constant 0 : i32
    return %arg0, %c0_i32 : i32, i32
  }
}

</mosaic_0001>

<sc_bundles>
// kernel: kernel.10.cloned.1.call-start
scs
__scs_entry_jumppad:
0x0: {  	(pc) =	sbr.rel $0x88, $3  }
0x1: {  	(tag) =	ssettag $0x0;
	lr =	simm.s32 $0x1  }
0x2: {  	[smem:$0x3F9D] =	sst lr;
	_ =	strace $0xD0000000  }
0x3: {  	_ = 	snop  }
0x4: {  	_ = 	snop  }
0x5: {  	_ = 	snop  }
0x6: {  	_ = 	snop  }
0x7: {  	_ = 	snop  }
__scs_overlays_trampoline_lowered:
0x8: {  	[smem:$0x3FAC] =	sst s0  }
0x9: {  	[smem:$0x3FAD] =	sst s1  }
0xa: {  	[smem:$0x3FAE] =	sst s2  }
0xb: {  	[smem:$0x3FAF] =	sst s3  }
0xc: {  	[smem:$0x3FB0] =	sst s4  }
0xd: {  	[smem:$0x3FB1] =	sst s5  }
0xe: {  	[smem:$0x3FB2] =	sst s6  }
0xf: {  	[smem:$0x3FB3] =	sst s7  }
0x10: {  	[smem:$0x3FB4] =	sst s8  }
0x11: {  	[smem:$0x3FB5] =	sst s9;
	s0 =	simm.s32 @!p0 $0x0  }
0x12: {  	s1 =	sld [smem:$0x3F9B];
	s0 =	simm.s32 @p0 $0x1  }
0x13: {  	[smem:$0x3FB6] =	sst s0;
	s0 =	simm.s32 @!p1 $0x0  }
0x14: {  	s2 =	sld [smem:$0x3F9A];
	s0 =	simm.s32 @p1 $0x1  }
0x15: {  	[smem:$0x3FB7] =	sst s0;
	s0 =	simm.s32 @!p2 $0x0  }
0x16: {  	s3 =	sld [smem:$0x3FDB];
	s0 =	simm.s32 @p2 $0x1  }
0x17: {  	s4 =	simm.s32 $0x1BF5;
	[smem:$0x3FB9] =	sst s0  }
0x18: {  	s0 =	sld [smem:$0x3F9C];
	_ =	swait.ge [sflag:s4], $0x0  }
0x19: {  	s7 =	sld [smem:$0x3F9D]  }
0x1a: {  	s8 =	sadd.s32 $0xFFFFE003, lr  }
0x1b: {  	s9 =	sadd.s32 $0xFFFFFEF7, lr;
	s5 =	simm.s32 $0xFFFFFFFF;
	p2 =	slt.u32 s8, $0xFFFFF086  }
0x1c: {  	p1 =	slt.u32 s9, $0xF7A;
	s5 =	simm.s32 @!p2 $0x0  }
0x1d: {  	s5 =	simm.s32 @p1 $0x1;
	p0 =	seq.s32 s7, s2  }
0x1e: {  	s7 =	smul.u32 @!p0 $0xF7A, s2;
	p2 =	seq.s32 @!p0 s5, $0x0  }
0x1f: {  	s9 =	smul.u32 $0xF7A, s1;
	s8 =	simm.s32 @!p0 $0x1BF5;
	p2 =	por !p2, p0  }
0x20: {  	[sflag:s8] =	ssyncset.s32 @!p0 $0xFFFFF086;
	s6 =	sadd.s32 @!p0 s3, s7;
	s7 =	simm.s32 @!p0 $0x108  }
0x21: {  	s3 =	sadd.s32 s3, s9;
	s6 =	sadd.s32 @!p0 $0x88, s6;
	s7 =	simm.s32 @p2 $0x1082  }
0x22: {  	[simem:s7], [sflag:s8] =	dma.local @!p0 [hbm:s6], $0xF7A  }
0x23: {  	s9 =	sor.u32 $0xD0000000, s2;
	s6 =	simm.s32 $0x108;
	_ =	swait.ge @!p0 [sflag:s8], $0x0  }
0x24: {  	s3 =	sadd.s32 $0x88, s3;
	s6 =	simm.s32 @!p1 $0x1082;
	[sflag:s4] =	ssyncset.s32 $0xFFFFF086  }
0x25: {  	[simem:s6], [sflag:s4] =	dma.local [hbm:s3], $0xF7A  }
0x26: {  	[smem:$0x3F9D] =	sst s1;
	(tag) =	ssettag s2;
	_ =	strace s9  }
0x27: {  	s1 =	sld [smem:$0x3FAD]  }
0x28: {  	s2 =	sld [smem:$0x3FAE]  }
0x29: {  	s4 =	sld [smem:$0x3FB0]  }
0x2a: {  	p0 =	seq.s32 s5, $0x0;
	s5 =	sld [smem:$0x3FB1]  }
0x2b: {  	s6 =	sld [smem:$0x3FB2]  }
0x2c: {  	s7 =	sld [smem:$0x3FB3]  }
0x2d: {  	s3 =	simm.s32 $0x108;
	s8 =	sld [smem:$0x3FB4]  }
0x2e: {  	s3 =	simm.s32 @!p0 $0x1082;
	s9 =	sld [smem:$0x3FB5]  }
0x2f: {  	lr =	sadd.s32 s0, s3;
	s0 =	sld [smem:$0x3FAC]  }
0x30: {  	s3 =	sld [smem:$0x3FAF]  }
0x31: {  	[smem:$0x3FB8] =	sst s10  }
0x32: {  	s10 =	sld [smem:$0x3FB6];
	_ =	sdelay $0x3  }
0x33: {  	p0 =	seq.s32 s10, $0x1;
	s10 =	sld [smem:$0x3FB8];
	_ =	sdelay $0x3  }
0x34: {  	[smem:$0x3FB8] =	sst s10  }
0x35: {  	s10 =	sld [smem:$0x3FB7];
	_ =	sdelay $0x3  }
0x36: {  	p1 =	seq.s32 s10, $0x1;
	s10 =	sld [smem:$0x3FB8];
	_ =	sdelay $0x3  }
0x37: {  	[smem:$0x3FB8] =	sst s10  }
0x38: {  	s10 =	sld [smem:$0x3FB9]  }
0x39: {  	_ = 	snop;
	(pc) =	sbr.ind lr, $3  }
0x3a: {  	_ = 	snop  }
0x3b: {  	_ = 	snop  }
0x3c: {  	p2 =	seq.s32 s10, $0x1;
	s10 =	sld [smem:$0x3FB8]  }
0x3d: {  	_ =	shalt  }
0x3e: {  	_ =	shalt  }
0x3f: {  	_ =	shalt  }
0x40: {  	_ =	shalt  }
0x41: {  	_ =	shalt  }
0x42: {  	_ =	shalt  }
0x43: {  	_ =	shalt  }
0x44: {  	_ =	shalt  }
0x45: {  	_ =	shalt  }
0x46: {  	_ =	shalt  }
0x47: {  	_ =	shalt  }
0x48: {  	_ =	shalt  }
0x49: {  	_ =	shalt  }
0x4a: {  	_ =	shalt  }
0x4b: {  	_ =	shalt  }
0x4c: {  	_ =	shalt  }
0x4d: {  	_ =	shalt  }
0x4e: {  	_ =	shalt  }
0x4f: {  	_ =	shalt  }
0x50: {  	_ =	shalt  }
0x51: {  	_ =	shalt  }
0x52: {  	_ =	shalt  }
0x53: {  	_ =	shalt  }
0x54: {  	_ =	shalt  }
0x55: {  	_ =	shalt  }
0x56: {  	_ =	shalt  }
0x57: {  	_ =	shalt  }
0x58: {  	_ =	shalt  }
0x59: {  	_ =	shalt  }
0x5a: {  	_ =	shalt  }
0x5b: {  	_ =	shalt  }
0x5c: {  	_ =	shalt  }
0x5d: {  	_ =	shalt  }
0x5e: {  	_ =	shalt  }
0x5f: {  	_ =	shalt  }
0x60: {  	_ =	shalt  }
0x61: {  	_ =	shalt  }
0x62: {  	_ =	shalt  }
0x63: {  	_ =	shalt  }
0x64: {  	_ =	shalt  }
0x65: {  	_ =	shalt  }
0x66: {  	_ =	shalt  }
0x67: {  	_ =	shalt  }
0x68: {  	_ =	shalt  }
0x69: {  	_ =	shalt  }
0x6a: {  	_ =	shalt  }
0x6b: {  	_ =	shalt  }
0x6c: {  	_ =	shalt  }
0x6d: {  	_ =	shalt  }
0x6e: {  	_ =	shalt  }
0x6f: {  	_ =	shalt  }
0x70: {  	_ =	shalt  }
0x71: {  	_ =	shalt  }
0x72: {  	_ =	shalt  }
0x73: {  	_ =	shalt  }
0x74: {  	_ =	shalt  }
0x75: {  	_ =	shalt  }
0x76: {  	_ =	shalt  }
0x77: {  	_ =	shalt  }
0x78: {  	_ =	shalt  }
0x79: {  	_ =	shalt  }
0x7a: {  	_ =	shalt  }
0x7b: {  	_ =	shalt  }
0x7c: {  	_ =	shalt  }
0x7d: {  	_ =	shalt  }
0x7e: {  	_ =	shalt  }
0x7f: {  	_ =	shalt  }
0x80: {  	_ =	shalt  }
0x81: {  	_ =	shalt  }
0x82: {  	_ =	shalt  }
0x83: {  	_ =	shalt  }
0x84: {  	_ =	shalt  }
0x85: {  	_ =	shalt  }
0x86: {  	_ =	shalt  }
0x87: {  	_ =	shalt  }
.Lfunc_end0:
.L_simem_size_0:
called_computation.1_lowered:
.L_overlay_start_0:
0x88: {  	s2 =	sld [smem:$0x3FD9]  }
0x89: {  	s3 =	sld [smem:$0x3FFE];
	_ =	sdelay $0x1  }
0x8a: {  	s1 =	srdreg.scid  }
0x8b: {  	s0 =	sand.u32 $0x1, s1  }
0x8c: {  	s17 =	sshll.u32 s0, $0xA;
	s2 =	sadd.s32 s3, s2  }
0x8d: {  	s2 =	sadd.s32 s2, s17  }
0x8e: {  	[smem:$0x3FC4] =	sst s2  }
0x8f: {  	_ = 	snop  }
0x90: {  	s2 =	sld [smem:$0x3FC9];
	(tm) =	ssettm $0x1  }
0x91: {  	s18 =	sld [smem:$0x3FFB];
	_ =	sdelay $0x3  }
0x92: {  	_ =	strace s18  }
0x93: {  	s3 =	sld [smem:$0x3FFC];
	_ =	sdelay $0x3  }
0x94: {  	_ =	strace s3  }
0x95: {  	s3 =	sld [smem:$0x3FFD];
	_ =	sdelay $0x3  }
0x96: {  	_ =	strace s3  }
0x97: {  	_ =	strace $0x8FFFFFFF  }
0x98: {  	s19 =	sld [smem:$0x3FDB];
	_ =	sdelay $0x1  }
0x99: {  	s4 =	simm.s32 $_scs_section_size  }
0x9a: {  	s5 =	simm.s32 $_size__tile_overlayer_lowered;
	s6 =	simm.s32 $_tile_overlayer_lowered  }
0x9b: {  	s22 =	simm.s32 $0x1BFF;
	s21 =	sshll.u32 s6, $0x1;
	s3 =	sadd.s32 s4, s19  }
0x9c: {  	s7 =	simm.s32 $0x0;
	s20 =	sshll.u32 s5, $0x1;
	s5 =	sadd.s32 s21, s3  }
0x9d: {  	[timem:s7], [sflag:s22] =	dma.local [hbm:s5], s20  }
0x9e: {  	_ =	swait.ge [sflag:s22], s20  }
0x9f: {  	s4 =	ssub.s32 $0x0, s20;
	[sflag:s22] =	ssyncset.done $0x0  }
0xa0: {  	[sflag:s22] =	ssyncadd.s32 s4;
	_ =	sdelay $0x1  }
0xa1: {  	s23 =	simm.s32 $0x1B8B  }
0xa2: {  	_ =	swait.ge [sflag:s23], $0x1  }
0xa3: {  	[sflag:s23] =	ssyncset.done $0x0  }
0xa4: {  	s25 =	simm.s32 $0x1B8E;
	s24 =	sld [smem:$0x3FFE];
	[sflag:s23] =	ssyncadd.s32 $0xFFFFFFFF  }
0xa5: {  	s26 =	simm.s32 $execute0_lowered;
	[smem:$0x3FD2] =	sst s25  }
0xa6: {  	s5 =	sshll.u32 s26, $0x1;
	_ =	strace $0x80000046;
	[dreg:$0x1] =	wrdreg $0xFFFFFFFF  }
0xa7: {  	s28 =	simm.s32 $_size_execute0_lowered;
	s3 =	sadd.s32 s3, s5;
	[dreg:$0x0] =	wrdreg $0x0  }
0xa8: {  	s5 =	sshll.u32 s28, $0x1;
	[dreg:$0x2] =	wrdreg s3  }
0xa9: {  	[dreg:$0x3] =	wrdreg s5  }
0xaa: {  	[dreg:$0x4] =	wrdreg $0xC0  }
0xab: {  	_ =	task [dreg:s7], $0x5FFFF  }
0xac: {  	[dreg:$0x1] =	wrdreg $0xFFFFFFFF  }
0xad: {  	[dreg:$0x0] =	wrdreg $0x60  }
0xae: {  	[dreg:$0x2] =	wrdreg s2  }
0xaf: {  	[dreg:$0x3] =	wrdreg s24  }
0xb0: {  	[dreg:$0x4] =	wrdreg $0xA  }
0xb1: {  	_ =	task.clear_ibuf [dreg:s7], $0x5FFFF;
	_ =	strace $0x90000046  }
0xb2: {  	s29 =	simm.s32 $0xA;
	_ =	strace $0x80000048  }
0xb3: {  	_ =	swait.ge [sflag:s29], $0x1  }
0xb4: {  	[sflag:s29] =	ssyncadd.s32 $0xFFFFFFFF  }
0xb5: {  	_ =	strace $0x90000048  }
0xb6: {  	_ =	sfence  }
0xb7: {  	s30 =	sld [smem:$0x0];
	_ =	sdelay $0x2  }
0xb8: {  	s31 =	sshll.u32 s1, $0xD;
	s1 =	sshrl.u32 s1, $0x2  }
0xb9: {  	s3 =	sand.u32 $0x4000, s31;
	s1 =	sadd.s32 s1, s30  }
0xba: {  	s0 =	sor.u32 s3, s0;
	s1 =	sshll.u32 s1, $0x11  }
0xbb: {  	s0 =	sor.u32 s1, s0  }
0xbc: {  	s0 =	sadd.s32 $0x8F2B, s0  }
0xbd: {  	[sflag:s0] =	ssyncadd.remote.s32 $0x1  }
0xbe: {  	_ =	sfence.sel $0xFFFF  }
0xbf: {  	[dreg:$0x0] =	wrdreg $0xFFFFFFFF;
	(pc) =	sbr.abs _section_cstart, $3  }
0xc0: {  	[dreg:$0x1] =	wrdreg $0xFFFFFFFF  }
0xc1: {  	_ =	task.clear_ibuf [dreg:s7], $0x2FFFF;
	_ =	strace $0x9FFFFFFF  }
0xc2: {  	(tm) =	ssettm $0x7FFFFFFF  }
0xc3: {  	_ =	shalt  }
tec
execute0_lowered:
.L_overlay_start_1:
0x0: {  	(tag) =	ssettag $0x1  }
0x1: {  	s1 =	srdreg.scid;
	s0 =	stileid.u32  }
0x2: {  	s2 =	rddreg [dreg:$0x0];
	s6 =	sand.u32 $0x1, s1;
	s30 =	sshll.u32 s0, $0x1  }
0x3: {  	s9 =	rddreg [dreg:$0x1];
	s7 =	sor.u32 s6, s30  }
0x4: {  	s3 =	simm.s32 $0x0;
	s1 =	rddreg [dreg:$0x2];
	s4 =	smul.u32 $0x31, s7  }
0x5: {  	s8 =	simm.s32 $0x1;
	[smem:$0x7FF] =	sst s3  }
0x6: {  	_ =	strace $0x80000047;
	s11 =	ssub.s32 $0x2, s6;
	s4 =	sadd.s32 s4, s9  }
0x7: {  	s6 =	simm.s32 $0x188;
	s5 =	sadd.s32 $0x1000, s4;
	s4 =	simm.s32 $0x2  }
0x8: {  	[tilespmem:s3], [sflag:$0x2] =	stream.linear.gather [hbm4b:s5+s3], $0x188, $0x38;
	[tilespmem:$0xC600] =	vst v63  }
0x9: {  	s10 =	smul.u32 $0x1880, s7;
	s12 =	sshrl.u32 s11, $0x1;
	_ =	swait.ge [sflag:s4], $0x188  }
0xa: {  	s7 =	simm.s32 $0x200;
	s31 =	ssub.s32 s11, s12;
	[sflag:s4] =	ssyncset.done $0x0  }
0xb: {  	s9 =	sadd.s32 s10, s9;
	s10 =	smax.u32 s31, $0x1;
	[sflag:s4] =	ssyncadd.s32 $0xFFFFFE78  }
0xc: {  	[tilespmem:s7], [sflag:$0x1] =	stream.indirect.gather [hbm4b:s2+s6], $0x80, s3, s6, $0xb8;
	[tilespmem:$0xC600] =	vst v63  }
0xd: {  	p0 =	sne.s32 s10, $0x1;
	_ =	swait.ge [sflag:s8], $0xC400  }
.Ltmp0:
0xe: {  	[sflag:s8] =	ssyncset.done $0x0;
	(pc) =	sbr.rel @!p0 .LBB2_2-.Ltmp0, $4  }
0xf: {  	s9 =	sadd.s32 $0x1800, s9;
	[sflag:s8] =	ssyncadd.s32 $0xFFFF3C00  }
0x10: {  	[hbm4b:s9+s3] =	stream.linear.scatter [tilespmem:s7], [sflag:$0x2], $0xC400, $0x38;
	[tilespmem:$0xC600] =	vst v63  }
0x11: {  	_ =	swait.ge [sflag:s4], $0xC400  }
0x12: {  	s10 =	sadd.s32 $0xFFFFFFFF, s10;
	[sflag:s4] =	ssyncset.done $0x0  }
.LBB2_1:
0x13: {  	p0 =	sne.s32 s10, $0x1;
	s10 =	sadd.s32 $0xFFFFFFFF, s10;
	[sflag:s4] =	ssyncadd.s32 $0xFFFF3C00  }
0x14: {  	[tilespmem:s3], [sflag:$0x2] =	stream.linear.gather [hbm4b:s5+s3], $0x188, $0x38;
	[tilespmem:$0xC600] =	vst v63  }
0x15: {  	_ =	swait.ge [sflag:s4], $0x188  }
0x16: {  	[sflag:s4] =	ssyncset.done $0x0  }
0x17: {  	[sflag:s4] =	ssyncadd.s32 $0xFFFFFE78  }
0x18: {  	[tilespmem:s7], [sflag:$0x1] =	stream.indirect.gather [hbm4b:s2+s6], $0x80, s3, s6, $0xb8;
	[tilespmem:$0xC600] =	vst v63  }
0x19: {  	_ =	swait.ge [sflag:s8], $0xC400  }
.Ltmp1:
0x1a: {  	[sflag:s8] =	ssyncset.done $0x0;
	(pc) =	sbr.rel @p0 .LBB2_1-.Ltmp1, $4  }
0x1b: {  	[sflag:s8] =	ssyncadd.s32 $0xFFFF3C00  }
0x1c: {  	[hbm4b:s9+s3] =	stream.linear.scatter [tilespmem:s7], [sflag:$0x2], $0xC400, $0x38;
	[tilespmem:$0xC600] =	vst v63  }
0x1d: {  	_ =	swait.ge [sflag:s4], $0xC400  }
0x1e: {  	[sflag:s4] =	ssyncset.done $0x0  }
.LBB2_2:
0x1f: {  	[sflag:s4] =	ssyncadd.s32 $0xFFFF3C00  }
0x20: {  	_ =	sfence.sel $0x180000  }
0x21: {  	[bflag:$0x0] =	sbarrier.arrive $0xFFFF  }
0x22: {  	p0 =	sne.s32 s0, $0x0;
	_ =	strace $0x90000047  }
0x23: {  	s0 =	sadd.s32 @!p0 $0x100000, s1;
	[bflag:$0x2] =	sbarrier.arrive $0xFFFF  }
0x24: {  	[sflag:s0] =	ssyncadd.tile.s32 @!p0 $0x1;
	_ =	shalt  }
.Lfunc_end2:
_tile_overlayer_lowered:
.L_overlay_start_2:
0x25: {  	(tag) =	ssettag $0x2  }
0x26: {  	s0 =	rddreg [dreg:$0x0];
	s2 =	stileid.u32  }
0x27: {  	s1 =	rddreg [dreg:$0x1];
	p0 =	sne.s32 s2, $0x0  }
0x28: {  	s3 =	rddreg [dreg:$0x2];
	[bflag:$0x3] =	sbarrier.arrive $0xFFFF;
	s2 =	simm.s32 @!p0 $0x1C02  }
0x29: {  	[timem:s3], [sflag:s2] =	dma.local @!p0 [hbm:s0], s1  }
0x2a: {  	s0 =	simm.s32 @!p0 $0x2  }
0x2b: {  	_ =	swait.ge @!p0 [sflag:s0], s1  }
0x2c: {  	s1 =	ssub.s32 @!p0 $0x0, s1;
	[sflag:s0] =	ssyncset.done @!p0 $0x0  }
0x2d: {  	[sflag:s0] =	ssyncadd.s32 @!p0 s1  }
0x2e: {  	[bflag:$0x3] =	sbarrier.arrive $0xFFFF  }
0x2f: {  	_ =	shalt  }

// kernel: kernel.13.cloned.1.call-start
scs
__scs_entry_jumppad:
0x0: {  	(pc) =	sbr.rel $0x88, $3  }
0x1: {  	(tag) =	ssettag $0x0;
	lr =	simm.s32 $0x1  }
0x2: {  	[smem:$0x3F9D] =	sst lr;
	_ =	strace $0xD0000000  }
0x3: {  	_ = 	snop  }
0x4: {  	_ = 	snop  }
0x5: {  	_ = 	snop  }
0x6: {  	_ = 	snop  }
0x7: {  	_ = 	snop  }
__scs_overlays_trampoline_lowered:
0x8: {  	[smem:$0x3FAC] =	sst s0  }
0x9: {  	[smem:$0x3FAD] =	sst s1  }
0xa: {  	[smem:$0x3FAE] =	sst s2  }
0xb: {  	[smem:$0x3FAF] =	sst s3  }
0xc: {  	[smem:$0x3FB0] =	sst s4  }
0xd: {  	[smem:$0x3FB1] =	sst s5  }
0xe: {  	[smem:$0x3FB2] =	sst s6  }
0xf: {  	[smem:$0x3FB3] =	sst s7  }
0x10: {  	[smem:$0x3FB4] =	sst s8  }
0x11: {  	[smem:$0x3FB5] =	sst s9;
	s0 =	simm.s32 @!p0 $0x0  }
0x12: {  	s1 =	sld [smem:$0x3F9B];
	s0 =	simm.s32 @p0 $0x1  }
0x13: {  	[smem:$0x3FB6] =	sst s0;
	s0 =	simm.s32 @!p1 $0x0  }
0x14: {  	s2 =	sld [smem:$0x3F9A];
	s0 =	simm.s32 @p1 $0x1  }
0x15: {  	[smem:$0x3FB7] =	sst s0;
	s0 =	simm.s32 @!p2 $0x0  }
0x16: {  	s3 =	sld [smem:$0x3FDB];
	s0 =	simm.s32 @p2 $0x1  }
0x17: {  	s4 =	simm.s32 $0x1BF5;
	[smem:$0x3FB9] =	sst s0  }
0x18: {  	s0 =	sld [smem:$0x3F9C];
	_ =	swait.ge [sflag:s4], $0x0  }
0x19: {  	s7 =	sld [smem:$0x3F9D]  }
0x1a: {  	s8 =	sadd.s32 $0xFFFFE003, lr  }
0x1b: {  	s9 =	sadd.s32 $0xFFFFFEF7, lr;
	s5 =	simm.s32 $0xFFFFFFFF;
	p2 =	slt.u32 s8, $0xFFFFF086  }
0x1c: {  	p1 =	slt.u32 s9, $0xF7A;
	s5 =	simm.s32 @!p2 $0x0  }
0x1d: {  	s5 =	simm.s32 @p1 $0x1;
	p0 =	seq.s32 s7, s2  }
0x1e: {  	s7 =	smul.u32 @!p0 $0xF7A, s2;
	p2 =	seq.s32 @!p0 s5, $0x0  }
0x1f: {  	s9 =	smul.u32 $0xF7A, s1;
	s8 =	simm.s32 @!p0 $0x1BF5;
	p2 =	por !p2, p0  }
0x20: {  	[sflag:s8] =	ssyncset.s32 @!p0 $0xFFFFF086;
	s6 =	sadd.s32 @!p0 s3, s7;
	s7 =	simm.s32 @!p0 $0x108  }
0x21: {  	s3 =	sadd.s32 s3, s9;
	s6 =	sadd.s32 @!p0 $0x88, s6;
	s7 =	simm.s32 @p2 $0x1082  }
0x22: {  	[simem:s7], [sflag:s8] =	dma.local @!p0 [hbm:s6], $0xF7A  }
0x23: {  	s9 =	sor.u32 $0xD0000000, s2;
	s6 =	simm.s32 $0x108;
	_ =	swait.ge @!p0 [sflag:s8], $0x0  }
0x24: {  	s3 =	sadd.s32 $0x88, s3;
	s6 =	simm.s32 @!p1 $0x1082;
	[sflag:s4] =	ssyncset.s32 $0xFFFFF086  }
0x25: {  	[simem:s6], [sflag:s4] =	dma.local [hbm:s3], $0xF7A  }
0x26: {  	[smem:$0x3F9D] =	sst s1;
	(tag) =	ssettag s2;
	_ =	strace s9  }
0x27: {  	s1 =	sld [smem:$0x3FAD]  }
0x28: {  	s2 =	sld [smem:$0x3FAE]  }
0x29: {  	s4 =	sld [smem:$0x3FB0]  }
0x2a: {  	p0 =	seq.s32 s5, $0x0;
	s5 =	sld [smem:$0x3FB1]  }
0x2b: {  	s6 =	sld [smem:$0x3FB2]  }
0x2c: {  	s7 =	sld [smem:$0x3FB3]  }
0x2d: {  	s3 =	simm.s32 $0x108;
	s8 =	sld [smem:$0x3FB4]  }
0x2e: {  	s3 =	simm.s32 @!p0 $0x1082;
	s9 =	sld [smem:$0x3FB5]  }
0x2f: {  	lr =	sadd.s32 s0, s3;
	s0 =	sld [smem:$0x3FAC]  }
0x30: {  	s3 =	sld [smem:$0x3FAF]  }
0x31: {  	[smem:$0x3FB8] =	sst s10  }
0x32: {  	s10 =	sld [smem:$0x3FB6];
	_ =	sdelay $0x3  }
0x33: {  	p0 =	seq.s32 s10, $0x1;
	s10 =	sld [smem:$0x3FB8];
	_ =	sdelay $0x3  }
0x34: {  	[smem:$0x3FB8] =	sst s10  }
0x35: {  	s10 =	sld [smem:$0x3FB7];
	_ =	sdelay $0x3  }
0x36: {  	p1 =	seq.s32 s10, $0x1;
	s10 =	sld [smem:$0x3FB8];
	_ =	sdelay $0x3  }
0x37: {  	[smem:$0x3FB8] =	sst s10  }
0x38: {  	s10 =	sld [smem:$0x3FB9]  }
0x39: {  	_ = 	snop;
	(pc) =	sbr.ind lr, $3  }
0x3a: {  	_ = 	snop  }
0x3b: {  	_ = 	snop  }
0x3c: {  	p2 =	seq.s32 s10, $0x1;
	s10 =	sld [smem:$0x3FB8]  }
0x3d: {  	_ =	shalt  }
0x3e: {  	_ =	shalt  }
0x3f: {  	_ =	shalt  }
0x40: {  	_ =	shalt  }
0x41: {  	_ =	shalt  }
0x42: {  	_ =	shalt  }
0x43: {  	_ =	shalt  }
0x44: {  	_ =	shalt  }
0x45: {  	_ =	shalt  }
0x46: {  	_ =	shalt  }
0x47: {  	_ =	shalt  }
0x48: {  	_ =	shalt  }
0x49: {  	_ =	shalt  }
0x4a: {  	_ =	shalt  }
0x4b: {  	_ =	shalt  }
0x4c: {  	_ =	shalt  }
0x4d: {  	_ =	shalt  }
0x4e: {  	_ =	shalt  }
0x4f: {  	_ =	shalt  }
0x50: {  	_ =	shalt  }
0x51: {  	_ =	shalt  }
0x52: {  	_ =	shalt  }
0x53: {  	_ =	shalt  }
0x54: {  	_ =	shalt  }
0x55: {  	_ =	shalt  }
0x56: {  	_ =	shalt  }
0x57: {  	_ =	shalt  }
0x58: {  	_ =	shalt  }
0x59: {  	_ =	shalt  }
0x5a: {  	_ =	shalt  }
0x5b: {  	_ =	shalt  }
0x5c: {  	_ =	shalt  }
0x5d: {  	_ =	shalt  }
0x5e: {  	_ =	shalt  }
0x5f: {  	_ =	shalt  }
0x60: {  	_ =	shalt  }
0x61: {  	_ =	shalt  }
0x62: {  	_ =	shalt  }
0x63: {  	_ =	shalt  }
0x64: {  	_ =	shalt  }
0x65: {  	_ =	shalt  }
0x66: {  	_ =	shalt  }
0x67: {  	_ =	shalt  }
0x68: {  	_ =	shalt  }
0x69: {  	_ =	shalt  }
0x6a: {  	_ =	shalt  }
0x6b: {  	_ =	shalt  }
0x6c: {  	_ =	shalt  }
0x6d: {  	_ =	shalt  }
0x6e: {  	_ =	shalt  }
0x6f: {  	_ =	shalt  }
0x70: {  	_ =	shalt  }
0x71: {  	_ =	shalt  }
0x72: {  	_ =	shalt  }
0x73: {  	_ =	shalt  }
0x74: {  	_ =	shalt  }
0x75: {  	_ =	shalt  }
0x76: {  	_ =	shalt  }
0x77: {  	_ =	shalt  }
0x78: {  	_ =	shalt  }
0x79: {  	_ =	shalt  }
0x7a: {  	_ =	shalt  }
0x7b: {  	_ =	shalt  }
0x7c: {  	_ =	shalt  }
0x7d: {  	_ =	shalt  }
0x7e: {  	_ =	shalt  }
0x7f: {  	_ =	shalt  }
0x80: {  	_ =	shalt  }
0x81: {  	_ =	shalt  }
0x82: {  	_ =	shalt  }
0x83: {  	_ =	shalt  }
0x84: {  	_ =	shalt  }
0x85: {  	_ =	shalt  }
0x86: {  	_ =	shalt  }
0x87: {  	_ =	shalt  }
.Lfunc_end0:
.L_simem_size_0:
called_computation.2_lowered:
.L_overlay_start_0:
0x88: {  	s2 =	sld [smem:$0x3FD9]  }
0x89: {  	s3 =	sld [smem:$0x3FFE];
	_ =	sdelay $0x1  }
0x8a: {  	s1 =	srdreg.scid  }
0x8b: {  	s0 =	sand.u32 $0x1, s1  }
0x8c: {  	s17 =	sshll.u32 s0, $0xA;
	s2 =	sadd.s32 s3, s2  }
0x8d: {  	s2 =	sadd.s32 s2, s17  }
0x8e: {  	[smem:$0x3FC4] =	sst s2  }
0x8f: {  	_ = 	snop  }
0x90: {  	s2 =	sld [smem:$0x3FC9]  }
0x91: {  	s18 =	sld [smem:$0x3FD0];
	(tm) =	ssettm $0x1  }
0x92: {  	s4 =	sld [smem:$0x3FFB];
	_ =	sdelay $0x3  }
0x93: {  	_ =	strace s4  }
0x94: {  	s4 =	sld [smem:$0x3FFC];
	_ =	sdelay $0x3  }
0x95: {  	_ =	strace s4  }
0x96: {  	s4 =	sld [smem:$0x3FFD];
	_ =	sdelay $0x3  }
0x97: {  	_ =	strace s4  }
0x98: {  	_ =	strace $0x8FFFFFFF  }
0x99: {  	s19 =	sld [smem:$0x3FDB];
	_ =	sdelay $0x1  }
0x9a: {  	s5 =	simm.s32 $_scs_section_size  }
0x9b: {  	s6 =	simm.s32 $_size__tile_overlayer_lowered;
	s7 =	simm.s32 $_tile_overlayer_lowered  }
0x9c: {  	s22 =	simm.s32 $0x1BFF;
	s21 =	sshll.u32 s7, $0x1;
	s4 =	sadd.s32 s5, s19  }
0x9d: {  	s8 =	simm.s32 $0x0;
	s20 =	sshll.u32 s6, $0x1;
	s6 =	sadd.s32 s21, s4  }
0x9e: {  	[timem:s8], [sflag:s22] =	dma.local [hbm:s6], s20  }
0x9f: {  	_ =	swait.ge [sflag:s22], s20  }
0xa0: {  	s5 =	ssub.s32 $0x0, s20;
	[sflag:s22] =	ssyncset.done $0x0  }
0xa1: {  	[sflag:s22] =	ssyncadd.s32 s5;
	_ =	sdelay $0x1  }
0xa2: {  	s23 =	simm.s32 $0x1B8B  }
0xa3: {  	_ =	swait.ge [sflag:s23], $0x1  }
0xa4: {  	[sflag:s23] =	ssyncset.done $0x0  }
0xa5: {  	s25 =	simm.s32 $0x1B8E;
	s24 =	sld [smem:$0x3FFE];
	[sflag:s23] =	ssyncadd.s32 $0xFFFFFFFF  }
0xa6: {  	s26 =	simm.s32 $execute0_lowered;
	[smem:$0x3FD2] =	sst s25  }
0xa7: {  	s6 =	sshll.u32 s26, $0x1;
	_ =	strace $0x8000004C;
	[dreg:$0x1] =	wrdreg $0xFFFFFFFF  }
0xa8: {  	s28 =	simm.s32 $_size_execute0_lowered;
	s4 =	sadd.s32 s4, s6;
	[dreg:$0x0] =	wrdreg $0x0  }
0xa9: {  	s6 =	sshll.u32 s28, $0x1;
	[dreg:$0x2] =	wrdreg s4  }
0xaa: {  	[dreg:$0x3] =	wrdreg s6  }
0xab: {  	[dreg:$0x4] =	wrdreg $0xC0  }
0xac: {  	_ =	task [dreg:s8], $0x5FFFF  }
0xad: {  	[dreg:$0x1] =	wrdreg $0xFFFFFFFF  }
0xae: {  	[dreg:$0x0] =	wrdreg $0x60  }
0xaf: {  	[dreg:$0x2] =	wrdreg s2  }
0xb0: {  	[dreg:$0x3] =	wrdreg s24  }
0xb1: {  	[dreg:$0x4] =	wrdreg s18  }
0xb2: {  	[dreg:$0x5] =	wrdreg $0x0  }
0xb3: {  	[dreg:$0x6] =	wrdreg $0x9  }
0xb4: {  	_ =	task.clear_ibuf [dreg:s8], $0x7FFFF;
	_ =	strace $0x9000004C  }
0xb5: {  	s29 =	simm.s32 $0x9;
	_ =	strace $0x8000004E  }
0xb6: {  	_ =	swait.ge [sflag:s29], $0x1  }
0xb7: {  	[sflag:s29] =	ssyncadd.s32 $0xFFFFFFFF  }
0xb8: {  	_ =	strace $0x9000004E  }
0xb9: {  	_ =	sfence  }
0xba: {  	s30 =	sld [smem:$0x0];
	_ =	sdelay $0x2  }
0xbb: {  	s31 =	sshll.u32 s1, $0xD;
	s1 =	sshrl.u32 s1, $0x2  }
0xbc: {  	s3 =	sand.u32 $0x4000, s31;
	s1 =	sadd.s32 s1, s30  }
0xbd: {  	s0 =	sor.u32 s3, s0;
	s1 =	sshll.u32 s1, $0x11  }
0xbe: {  	s0 =	sor.u32 s1, s0  }
0xbf: {  	s0 =	sadd.s32 $0x8F2B, s0  }
0xc0: {  	[sflag:s0] =	ssyncadd.remote.s32 $0x1  }
0xc1: {  	_ =	sfence.sel $0xFFFF  }
0xc2: {  	[dreg:$0x0] =	wrdreg $0xFFFFFFFF;
	(pc) =	sbr.abs _section_cstart, $3  }
0xc3: {  	[dreg:$0x1] =	wrdreg $0xFFFFFFFF  }
0xc4: {  	_ =	task.clear_ibuf [dreg:s8], $0x2FFFF;
	_ =	strace $0x9FFFFFFF  }
0xc5: {  	(tm) =	ssettm $0x7FFFFFFF  }
tec
execute0_lowered:
.L_overlay_start_1:
0x0: {  	(tag) =	ssettag $0x1  }
0x1: {  	s0 =	srdreg.scid  }
0x2: {  	s7 =	rddreg [dreg:$0x0];
	s2 =	sand.u32 $0x1, s0  }
0x3: {  	s0 =	stileid.u32;
	s6 =	smul.u32 $0xC350, s2  }
0x4: {  	s8 =	rddreg [dreg:$0x2];
	s1 =	simm.s32 $0x0;
	s9 =	smul.u32 $0x270, s0  }
0x5: {  	[smem:$0x7FF] =	sst s1;
	s3 =	ssub.s32 $0x2, s2;
	s2 =	smul.u32 $0x61A800, s2  }
0x6: {  	p0 =	seq.s32 s0, $0xF;
	p1 =	sgt.u32 s0, $0x7;
	s4 =	sshrl.u32 s3, $0x1  }
0x7: {  	p2 =	slt.u32 s0, $0x8;
	s10 =	ssub.s32 s3, s4;
	s22 =	sadd.s32 s9, s6  }
0x8: {  	s11 =	sshrl.u32 s2, $0x3;
	s12 =	sadd.s32 $0x2710, s6;
	s19 =	sadd.s32 $0x4E20, s6  }
0x9: {  	s21 =	sadd.s32 $0x7530, s6;
	s31 =	sadd.s32 $0x9C40, s6;
	s23 =	sshll.u32 s22, $0x4  }
0xa: {  	s13 =	sadd.s32 $0x24900, s11;
	s5 =	sadd.s32 s9, s12;
	s14 =	sadd.s32 $0x4BA00, s11  }
0xb: {  	s25 =	sadd.s32 s9, s19;
	s26 =	sadd.s32 $0x72B00, s11;
	s18 =	sadd.s32 s9, s21  }
0xc: {  	s20 =	sadd.s32 $0x99C00, s11;
	s9 =	sadd.s32 s9, s31;
	s11 =	sadd.s32 $0xC0D00, s11  }
0xd: {  	s30 =	smax.u32 s10, $0x1;
	v1 =	vmov s12;
	s10 =	simm.s32 $0x14C80;
	s12 =	simm.s32 $0x0  }
0xe: {  	s2 =	sadd.s32 s7, s23;
	s3 =	sadd.s32 s7, s13;
	s4 =	sadd.s32 s8, s23  }
0xf: {  	s16 =	sshll.u32 s5, $0x4;
	s13 =	sadd.s32 s8, s13;
	s24 =	sadd.s32 s7, s14  }
0x10: {  	s17 =	sshll.u32 s25, $0x4;
	s14 =	sadd.s32 s8, s14;
	[dreg:$0x5] =	wrdreg s13  }
0x11: {  	s15 =	sadd.s32 s7, s26;
	s22 =	sshll.u32 s18, $0x4;
	[dreg:$0x6] =	wrdreg s24  }
0x12: {  	s23 =	sadd.s32 s7, s20;
	s9 =	sshll.u32 s9, $0x4;
	[dreg:$0x7] =	wrdreg s14  }
0x13: {  	s25 =	sadd.s32 s8, s11;
	s5 =	sadd.s32 s7, s16;
	[dreg:$0x8] =	wrdreg s15  }
0x14: {  	s13 =	sadd.s32 s8, s26;
	[dreg:$0xa] =	wrdreg s23;
	s24 =	sadd.s32 s8, s20  }
0x15: {  	s14 =	sadd.s32 s7, s22;
	s15 =	sadd.s32 s7, s9;
	[dreg:$0xd] =	wrdreg s25  }
0x16: {  	s18 =	sadd.s32 s8, s16;
	s20 =	sadd.s32 s8, s17;
	s26 =	rddreg [dreg:$0x1]  }
0x17: {  	s22 =	sadd.s32 s8, s22;
	s23 =	sadd.s32 s8, s9;
	[dreg:$0x9] =	wrdreg s13  }
0x18: {  	s16 =	smul.u32 $0x4E000, s0;
	[dreg:$0xb] =	wrdreg s24;
	s13 =	sadd.s32 s7, s17  }
0x19: {  	s7 =	sadd.s32 s7, s11;
	s17 =	smul.u32 $0x620, s0;
	s24 =	rddreg [dreg:$0x3]  }
0x1a: {  	s9 =	simm.s32 $0x1;
	s25 =	sadd.s32 $0x33E00, s26;
	[dreg:$0xc] =	wrdreg s7  }
0x1b: {  	v4 =	vmov s31;
	s31 =	sadd.s32 $0x124800, s24;
	s7 =	simm.s32 $0x14600;
	s11 =	sshrl.u32 s17, $0x3  }
0x1c: {  	v7 =	vlaneseq.u32;
	v8 =	vimm.s32 $0x0;
	v9 =	vimm.s32 $0x2710;
	_ =	strace $0x8000004D;
	s8 =	sadd.s32 s11, s26;
	s26 =	sadd.s32 $0x1000, s26  }
0x1d: {  	vm0 =	vmmov $0xffff;
	v0 =	vmov s6;
	v2 =	vmov s19;
	s11 =	sshrl.u32 s16, $0x2;
	s16 =	sadd.s32 $0xC350, s6;
	s6 =	simm.s32 $0x2  }
0x1e: {  	v3 =	vmov s21;
	v6 =	vmov s17;
	s28 =	sadd.s32 $0x33000, s8;
	s29 =	sadd.s32 s11, s24;
	v5 =	vmov s16;
	s8 =	simm.s32 $0x13F80  }
.LBB2_1:
0x1f: {  	s11 =	simm.s32 $0x13900  }
0x20: {  	[tilespmem:s11], [sflag:$0x2] =	stream.linear.gather [hbm4b:s28+s1], $0x620, $0x38;
	[tilespmem:$0x15480] =	vst v63  }
0x21: {  	_ =	swait.ge [sflag:s6], $0x620  }
0x22: {  	[sflag:s6] =	ssyncset.done $0x0  }
0x23: {  	s16 =	simm.s32 @p0 $0x1FC2;
	s11 =	sshrl.u32 @p0 s31, $0x3;
	[sflag:s6] =	ssyncadd.s32 $0xFFFFF9E0  }
0x24: {  	[spmem:s11], [sflag:s16] =	dma.local @p0 [hbm:s3], $0x2800  }
0x25: {  	s11 =	simm.s32 @p0 $0x2  }
0x26: {  	_ =	swait.ge @p0 [sflag:s11], $0x2800  }
0x27: {  	s16 =	sshll.u32 @!p0 s0, $0x6;
	[sflag:s11] =	ssyncset.done @p0 $0x0  }
0x28: {  	[sflag:s11] =	ssyncadd.s32 @p0 $0xFFFFD800;
	s11 =	sor.u32 @!p0 $0x1C02, s16;
	s16 =	sshrl.u32 @!p0 s29, $0x3  }
0x29: {  	[spmem:s16], [sflag:s11] =	dma.local @!p0 [hbm:s2], $0x2700  }
0x2a: {  	s11 =	simm.s32 @!p0 $0x2  }
0x2b: {  	_ =	swait.ge @!p0 [sflag:s11], $0x2700  }
0x2c: {  	[sflag:s11] =	ssyncset.done @!p0 $0x0  }
0x2d: {  	s21 =	simm.s32 $0x0;
	[sflag:s11] =	ssyncadd.s32 @!p0 $0xFFFFD900  }
0x2e: {  	v11 =	vld [tilespmem:s21+$0x13900];
	_ =	sdelay $0x4  }
0x2f: {  	v10 =	vor.u32 s17, v7;
	vm1 =	vge.s32 v11, v0;
	vm2 =	vlt.s32 v11, v1  }
0x30: {  	vm2 =	vmand vm1, vm2;
	vm1 =	vlt.u32 v10, $0x61A8  }
0x31: {  	vm2 =	vmand vm1, vm2  }
0x32: {  	v12 =	vsel vm2, $0x1, v8  }
0x33: {  	(xrf0) =	vadd.scan.msk.s32 $0xffff, v12;
	_ =	sdelay $0x2  }
0x34: {  	v63 =	vmov s1  }
0x35: {  	v12 =	vadd.s32 $0xFFFFFFFF, v63  }
0x36: {  	v12 =	vbroadcast v12, $0x0  }
0x37: {  	v13, _, _ =	vpop (xrf0)  }
0x38: {  	v12 =	vadd.s32 v13, v12;
	(v2sf) =	vpush v13, $0xF;
	_ =	sdelay $0x3  }
0x39: {  	v11 =	vsub.s32 v11, v0  }
0x3a: {  	s19 =	simm.s32 $0x10;
	[tilespmem:v12+s7+$0x0] =	vst.idx.msk vm2, v11  }
0x3b: {  	s16 =	simm.s32 $0x0;
	s11 =	simm.s32 $0x80;
	s21 =	smov.u32 s17;
	[tilespmem:v12+s8+$0x0] =	vst.idx.msk vm2, v10  }
.LBB2_2:
0x3c: {  	p3 =	sne.s32 s11, $0x1840;
	v11 =	vld [tilespmem:s19+$0x13900];
	_ =	sdelay $0x2  }
0x3d: {  	s21 =	sadd.s32 $0x10, s21  }
0x3e: {  	v12 =	vor.u32 s21, v7  }
0x3f: {  	vm2 =	vge.s32 v11, v0;
	vm3 =	vlt.s32 v11, v1;
	v11 =	vsub.s32 v11, v0  }
0x40: {  	vm2 =	vmand vm2, vm3;
	vm3 =	vlt.u32 v12, $0x61A8  }
0x41: {  	vm2 =	vmand vm3, vm2  }
0x42: {  	v13 =	vsel vm2, $0x1, v8;
	s19 =	spop (v2sf)  }
0x43: {  	(xrf0) =	vadd.scan.msk.s32 $0xffff, v13;
	s16 =	sadd.s32 s16, s19  }
0x44: {  	v13 =	vmov s16  }
0x45: {  	v13 =	vadd.s32 $0xFFFFFFFF, v13  }
0x46: {  	v13 =	vbroadcast v13, $0x0;
	_ =	sdelay $0x2  }
0x47: {  	v14, _, _ =	vpop (xrf0)  }
0x48: {  	v13 =	vadd.s32 v14, v13;
	(v2sf) =	vpush v14, $0xF;
	_ =	sdelay $0x1  }
.Ltmp0:
0x49: {  	(pc) =	sbr.rel @p3 .LBB2_2-.Ltmp0, $3  }
0x4a: {  	_ =	sdelay $0x1  }
0x4b: {  	[tilespmem:v13+s7+$0x0] =	vst.idx.msk vm2, v11  }
0x4c: {  	s19 =	sshra.s32 s11, $0x2;
	s11 =	sadd.s32 $0x40, s11;
	[tilespmem:v13+s8+$0x0] =	vst.idx.msk vm2, v12  }
0x4d: {  	v11 =	vld [tilespmem:s19+$0x13900];
	_ =	sdelay $0x3  }
0x4e: {  	s11 =	sadd.s32 $0x10, s21  }
0x4f: {  	v12 =	vor.u32 s11, v7;
	vm2 =	vge.s32 v11, v0;
	vm3 =	vlt.s32 v11, v1  }
0x50: {  	vm2 =	vmand vm2, vm3;
	vm3 =	vlt.u32 v12, $0x61A8  }
0x51: {  	vm2 =	vmand vm3, vm2  }
0x52: {  	v13 =	vsel vm2, $0x1, v8  }
0x53: {  	(xrf0) =	vadd.scan.msk.s32 $0xffff, v13;
	_ =	sdelay $0x5  }
0x54: {  	v13, _, _ =	vpop (xrf0)  }
0x55: {  	(v2sf) =	vpush v13, $0xF;
	_ =	sdelay $0xb  }
0x56: {  	s21 =	spop (v2sf)  }
0x57: {  	s11 =	sadd.s32 s16, s21  }
0x58: {  	v14 =	vmov s11  }
0x59: {  	v14 =	vadd.s32 $0xFFFFFFFF, v14;
	s19 =	spop (v2sf)  }
0x5a: {  	v14 =	vbroadcast v14, $0x0;
	s11 =	sadd.s32 s11, s19  }
0x5b: {  	s16 =	sadd.s32 $0xF, s11  }
0x5c: {  	v13 =	vadd.s32 v13, v14;
	s21 =	sand.u32 $0xF, s16  }
0x5d: {  	p4 =	slt.s32 s16, $0x1;
	p3 =	sne.s32 s21, $0x0;
	s21 =	sshra.s32 s16, $0x1F  }
0x5e: {  	s19 =	sshrl.u32 s21, $0x1C;
	p3 =	por !p4, !p3  }
0x5f: {  	s16 =	sadd.s32 s19, s16;
	p3 =	por !p3, !p3;
	s19 =	simm.s32 $0x1  }
0x60: {  	v11 =	vsub.s32 v11, v0;
	s16 =	sshra.s32 s16, $0x4;
	s19 =	simm.s32 @!p3 $0x0  }
0x61: {  	[tilespmem:v13+s7+$0x0] =	vst.idx.msk vm2, v11;
	s16 =	ssub.s32 s16, s19  }
0x62: {  	[tilespmem:v13+s8+$0x0] =	vst.idx.msk vm2, v12;
	p3 =	slt.s32 @!p1 s16, $0x1  }
0x63: {  	[tilespmem:s11+$0x14600] =	vst v9;
	p3 =	por p1, p3  }
.Ltmp1:
0x64: {  	[tilespmem:s11+$0x13F80] =	vst v6;
	(pc) =	sbr.rel @p3 .LBB2_7-.Ltmp1, $3  }
0x65: {  	[tilespmem:s11+$0x14610] =	vst v9  }
0x66: {  	[tilespmem:s11+$0x13F90] =	vst v6  }
0x67: {  	[bflag:$0x0] =	sbarrier.arrive $0xFFFF;
	_ =	sdelay $0x1  }
0x68: {  	s11 =	simm.s32 $0x13F80;
	s21 =	simm.s32 $0x14600  }
.LBB2_5:
0x69: {  	v11 =	vld [tilespmem:s11+$0x0];
	_ =	sdelay $0x7  }
0x6a: {  	[tilespmem:s10], [sflag:$0x1] =	stream.indirect_vreg.gather [hbm4b:s25+s1], $0x80, v11, vm0, $0xb8;
	[tilespmem:$0x15480] =	vst v63  }
0x6b: {  	_ =	swait.ge [sflag:s9], $0x800  }
0x6c: {  	[sflag:s9] =	ssyncset.done $0x0  }
0x6d: {  	[sflag:s9] =	ssyncadd.s32 $0xFFFFF800  }
0x6e: {  	v11 =	vld [tilespmem:s21+$0x0];
	_ =	sdelay $0x5  }
0x6f: {  	p3 =	seq.s32 s16, $0x1  }
.Ltmp2:
0x70: {  	_ = 	snop;
	(pc) =	sbr.rel @!p3 .LBB2_5-.Ltmp2, $4  }
0x71: {  	[spmem:s24] =	stream.indirect_vreg.scatter.add.f32 [tilespmem:s10], [sflag:$0x2], $0x80, v11, vm0, $0xb8;
	[tilespmem:$0x15480] =	vst v63  }
0x72: {  	_ =	swait.ge [sflag:s6], $0x800  }
0x73: {  	s11 =	sadd.s32 $0x10, s11;
	[sflag:s6] =	ssyncset.done $0x0  }
0x74: {  	s16 =	sadd.s32 $0xFFFFFFFF, s16;
	s21 =	sadd.s32 $0x10, s21;
	[sflag:s6] =	ssyncadd.s32 $0xFFFFF800  }
.LBB2_6:
0x75: {  	[bflag:$0x0] =	sbarrier.arrive $0xFFFF  }
.LBB2_12:
0x76: {  	s11 =	sshll.u32 s0, $0x6  }
0x77: {  	s16 =	sshrl.u32 s29, $0x3;
	s11 =	sor.u32 $0x1C02, s11  }
0x78: {  	[hbm:s4], [sflag:s11] =	dma.local [spmem:s16], $0x2700  }
0x79: {  	_ =	swait.ge [sflag:s6], $0x2700  }
0x7a: {  	[sflag:s6] =	ssyncset.done $0x0  }
0x7b: {  	[sflag:s6] =	ssyncadd.s32 $0xFFFFD900  }
0x7c: {  	[bflag:$0x0] =	sbarrier.arrive $0xFFFF  }
0x7d: {  	[spmem:s16], [sflag:s11] =	dma.local [hbm:s5], $0x2700  }
0x7e: {  	_ =	swait.ge [sflag:s6], $0x2700  }
0x7f: {  	[sflag:s6] =	ssyncset.done $0x0  }
0x80: {  	[sflag:s6] =	ssyncadd.s32 $0xFFFFD900  }
.LBB2_14:
0x81: {  	s11 =	simm.s32 $0x0  }
0x82: {  	v11 =	vld [tilespmem:s11+$0x13900];
	_ =	sdelay $0x4  }
0x83: {  	vm2 =	vge.s32 v11, v1;
	vm3 =	vlt.s32 v11, v2  }
0x84: {  	vm2 =	vmand vm2, vm3  }
0x85: {  	vm2 =	vmand vm1, vm2  }
0x86: {  	v12 =	vsel vm2, $0x1, v8  }
0x87: {  	(xrf0) =	vadd.scan.msk.s32 $0xffff, v12;
	_ =	sdelay $0x1  }
0x88: {  	s16 =	simm.s32 $0x0  }
0x89: {  	v63 =	vmov s16  }
0x8a: {  	v12 =	vadd.s32 $0xFFFFFFFF, v63  }
0x8b: {  	v12 =	vbroadcast v12, $0x0  }
0x8c: {  	v13, _, _ =	vpop (xrf0)  }
0x8d: {  	v12 =	vadd.s32 v13, v12;
	(v2sf) =	vpush v13, $0xF;
	_ =	sdelay $0x3  }
0x8e: {  	v11 =	vsub.s32 v11, v1  }
0x8f: {  	[tilespmem:v12+s7+$0x0] =	vst.idx.msk vm2, v11  }
0x90: {  	s19 =	simm.s32 $0x10;
	s21 =	simm.s32 $0x80;
	s11 =	smov.u32 s17;
	[tilespmem:v12+s8+$0x0] =	vst.idx.msk vm2, v10  }
.LBB2_15:
0x91: {  	p3 =	sne.s32 s21, $0x1840;
	v11 =	vld [tilespmem:s19+$0x13900];
	_ =	sdelay $0x2  }
0x92: {  	s11 =	sadd.s32 $0x10, s11  }
0x93: {  	v12 =	vor.u32 s11, v7  }
0x94: {  	vm2 =	vge.s32 v11, v1;
	vm3 =	vlt.s32 v11, v2;
	v11 =	vsub.s32 v11, v1  }
0x95: {  	vm2 =	vmand vm2, vm3;
	vm3 =	vlt.u32 v12, $0x61A8  }
0x96: {  	vm2 =	vmand vm3, vm2  }
0x97: {  	v13 =	vsel vm2, $0x1, v8;
	s19 =	spop (v2sf)  }
0x98: {  	(xrf0) =	vadd.scan.msk.s32 $0xffff, v13;
	s16 =	sadd.s32 s16, s19  }
0x99: {  	v13 =	vmov s16  }
0x9a: {  	v13 =	vadd.s32 $0xFFFFFFFF, v13  }
0x9b: {  	v13 =	vbroadcast v13, $0x0;
	_ =	sdelay $0x2  }
0x9c: {  	v14, _, _ =	vpop (xrf0)  }
0x9d: {  	v13 =	vadd.s32 v14, v13;
	(v2sf) =	vpush v14, $0xF;
	_ =	sdelay $0x1  }
.Ltmp3:
0x9e: {  	(pc) =	sbr.rel @p3 .LBB2_15-.Ltmp3, $3  }
0x9f: {  	_ =	sdelay $0x1  }
0xa0: {  	[tilespmem:v13+s7+$0x0] =	vst.idx.msk vm2, v11  }
0xa1: {  	s19 =	sshra.s32 s21, $0x2;
	s21 =	sadd.s32 $0x40, s21;
	[tilespmem:v13+s8+$0x0] =	vst.idx.msk vm2, v12  }
0xa2: {  	v11 =	vld [tilespmem:s19+$0x13900];
	_ =	sdelay $0x3  }
0xa3: {  	s11 =	sadd.s32 $0x10, s11  }
0xa4: {  	v12 =	vor.u32 s11, v7;
	vm2 =	vge.s32 v11, v1;
	vm3 =	vlt.s32 v11, v2  }
0xa5: {  	vm2 =	vmand vm2, vm3;
	vm3 =	vlt.u32 v12, $0x61A8  }
0xa6: {  	vm2 =	vmand vm3, vm2  }
0xa7: {  	v13 =	vsel vm2, $0x1, v8  }
0xa8: {  	(xrf0) =	vadd.scan.msk.s32 $0xffff, v13;
	_ =	sdelay $0x5  }
0xa9: {  	v13, _, _ =	vpop (xrf0)  }
0xaa: {  	(v2sf) =	vpush v13, $0xF;
	_ =	sdelay $0xb  }
0xab: {  	s21 =	spop (v2sf)  }
0xac: {  	s11 =	sadd.s32 s16, s21  }
0xad: {  	v14 =	vmov s11  }
0xae: {  	v14 =	vadd.s32 $0xFFFFFFFF, v14;
	s19 =	spop (v2sf)  }
0xaf: {  	v14 =	vbroadcast v14, $0x0;
	s11 =	sadd.s32 s11, s19  }
0xb0: {  	s16 =	sadd.s32 $0xF, s11  }
0xb1: {  	v13 =	vadd.s32 v13, v14;
	s21 =	sand.u32 $0xF, s16  }
0xb2: {  	p4 =	slt.s32 s16, $0x1;
	p3 =	sne.s32 s21, $0x0;
	s21 =	sshra.s32 s16, $0x1F  }
0xb3: {  	s19 =	sshrl.u32 s21, $0x1C;
	p3 =	por !p4, !p3  }
0xb4: {  	s16 =	sadd.s32 s19, s16;
	p3 =	por !p3, !p3;
	s19 =	simm.s32 $0x1  }
0xb5: {  	v11 =	vsub.s32 v11, v1;
	s16 =	sshra.s32 s16, $0x4;
	s19 =	simm.s32 @!p3 $0x0  }
0xb6: {  	[tilespmem:v13+s7+$0x0] =	vst.idx.msk vm2, v11;
	s16 =	ssub.s32 s16, s19  }
0xb7: {  	[tilespmem:v13+s8+$0x0] =	vst.idx.msk vm2, v12;
	p3 =	slt.s32 @!p1 s16, $0x1  }
0xb8: {  	[tilespmem:s11+$0x14600] =	vst v9;
	p3 =	por p1, p3  }
.Ltmp4:
0xb9: {  	[tilespmem:s11+$0x13F80] =	vst v6;
	(pc) =	sbr.rel @p3 .LBB2_20-.Ltmp4, $3  }
0xba: {  	[tilespmem:s11+$0x14610] =	vst v9  }
0xbb: {  	[tilespmem:s11+$0x13F90] =	vst v6  }
0xbc: {  	[bflag:$0x0] =	sbarrier.arrive $0xFFFF;
	_ =	sdelay $0x1  }
0xbd: {  	s11 =	simm.s32 $0x13F80;
	s21 =	simm.s32 $0x14600  }
.LBB2_18:
0xbe: {  	v11 =	vld [tilespmem:s11+$0x0];
	_ =	sdelay $0x7  }
0xbf: {  	[tilespmem:s10], [sflag:$0x1] =	stream.indirect_vreg.gather [hbm4b:s25+s1], $0x80, v11, vm0, $0xb8;
	[tilespmem:$0x15480] =	vst v63  }
0xc0: {  	_ =	swait.ge [sflag:s9], $0x800  }
0xc1: {  	[sflag:s9] =	ssyncset.done $0x0  }
0xc2: {  	[sflag:s9] =	ssyncadd.s32 $0xFFFFF800  }
0xc3: {  	v11 =	vld [tilespmem:s21+$0x0];
	_ =	sdelay $0x5  }
0xc4: {  	p3 =	seq.s32 s16, $0x1  }
.Ltmp5:
0xc5: {  	_ = 	snop;
	(pc) =	sbr.rel @!p3 .LBB2_18-.Ltmp5, $4  }
0xc6: {  	[spmem:s24] =	stream.indirect_vreg.scatter.add.f32 [tilespmem:s10], [sflag:$0x2], $0x80, v11, vm0, $0xb8;
	[tilespmem:$0x15480] =	vst v63  }
0xc7: {  	_ =	swait.ge [sflag:s6], $0x800  }
0xc8: {  	s11 =	sadd.s32 $0x10, s11;
	[sflag:s6] =	ssyncset.done $0x0  }
0xc9: {  	s16 =	sadd.s32 $0xFFFFFFFF, s16;
	s21 =	sadd.s32 $0x10, s21;
	[sflag:s6] =	ssyncadd.s32 $0xFFFFF800  }
.LBB2_19:
0xca: {  	[bflag:$0x0] =	sbarrier.arrive $0xFFFF  }
.LBB2_25:
0xcb: {  	s11 =	sshll.u32 s0, $0x6  }
0xcc: {  	s16 =	sshrl.u32 s29, $0x3;
	s11 =	sor.u32 $0x1C02, s11  }
0xcd: {  	[hbm:s18], [sflag:s11] =	dma.local [spmem:s16], $0x2700  }
0xce: {  	_ =	swait.ge [sflag:s6], $0x2700  }
0xcf: {  	[sflag:s6] =	ssyncset.done $0x0  }
0xd0: {  	[sflag:s6] =	ssyncadd.s32 $0xFFFFD900  }
0xd1: {  	[bflag:$0x0] =	sbarrier.arrive $0xFFFF  }
0xd2: {  	[spmem:s16], [sflag:s11] =	dma.local [hbm:s13], $0x2700  }
0xd3: {  	_ =	swait.ge [sflag:s6], $0x2700  }
0xd4: {  	[sflag:s6] =	ssyncset.done $0x0  }
0xd5: {  	[sflag:s6] =	ssyncadd.s32 $0xFFFFD900  }
.LBB2_27:
0xd6: {  	s11 =	simm.s32 $0x0  }
0xd7: {  	v11 =	vld [tilespmem:s11+$0x13900];
	_ =	sdelay $0x4  }
0xd8: {  	vm2 =	vge.s32 v11, v2;
	vm3 =	vlt.s32 v11, v3  }
0xd9: {  	vm2 =	vmand vm2, vm3  }
0xda: {  	vm2 =	vmand vm1, vm2  }
0xdb: {  	v12 =	vsel vm2, $0x1, v8  }
0xdc: {  	(xrf0) =	vadd.scan.msk.s32 $0xffff, v12;
	_ =	sdelay $0x1  }
0xdd: {  	s16 =	simm.s32 $0x0  }
0xde: {  	v63 =	vmov s16  }
0xdf: {  	v12 =	vadd.s32 $0xFFFFFFFF, v63  }
0xe0: {  	v12 =	vbroadcast v12, $0x0  }
0xe1: {  	v13, _, _ =	vpop (xrf0)  }
0xe2: {  	v12 =	vadd.s32 v13, v12;
	(v2sf) =	vpush v13, $0xF;
	_ =	sdelay $0x3  }
0xe3: {  	v11 =	vsub.s32 v11, v2  }
0xe4: {  	[tilespmem:v12+s7+$0x0] =	vst.idx.msk vm2, v11  }
0xe5: {  	s19 =	simm.s32 $0x10;
	s21 =	simm.s32 $0x80;
	s11 =	smov.u32 s17;
	[tilespmem:v12+s8+$0x0] =	vst.idx.msk vm2, v10  }
.LBB2_28:
0xe6: {  	p3 =	sne.s32 s21, $0x1840;
	v11 =	vld [tilespmem:s19+$0x13900];
	_ =	sdelay $0x2  }
0xe7: {  	s11 =	sadd.s32 $0x10, s11  }
0xe8: {  	v12 =	vor.u32 s11, v7  }
0xe9: {  	vm2 =	vge.s32 v11, v2;
	vm3 =	vlt.s32 v11, v3;
	v11 =	vsub.s32 v11, v2  }
0xea: {  	vm2 =	vmand vm2, vm3;
	vm3 =	vlt.u32 v12, $0x61A8  }
0xeb: {  	vm2 =	vmand vm3, vm2  }
0xec: {  	v13 =	vsel vm2, $0x1, v8;
	s19 =	spop (v2sf)  }
0xed: {  	(xrf0) =	vadd.scan.msk.s32 $0xffff, v13;
	s16 =	sadd.s32 s16, s19  }
0xee: {  	v13 =	vmov s16  }
0xef: {  	v13 =	vadd.s32 $0xFFFFFFFF, v13  }
0xf0: {  	v13 =	vbroadcast v13, $0x0;
	_ =	sdelay $0x2  }
0xf1: {  	v14, _, _ =	vpop (xrf0)  }
0xf2: {  	v13 =	vadd.s32 v14, v13;
	(v2sf) =	vpush v14, $0xF;
	_ =	sdelay $0x1  }
.Ltmp6:
0xf3: {  	(pc) =	sbr.rel @p3 .LBB2_28-.Ltmp6, $3  }
0xf4: {  	_ =	sdelay $0x1  }
0xf5: {  	[tilespmem:v13+s7+$0x0] =	vst.idx.msk vm2, v11  }
0xf6: {  	s19 =	sshra.s32 s21, $0x2;
	s21 =	sadd.s32 $0x40, s21;
	[tilespmem:v13+s8+$0x0] =	vst.idx.msk vm2, v12  }
0xf7: {  	v11 =	vld [tilespmem:s19+$0x13900];
	_ =	sdelay $0x3  }
0xf8: {  	s11 =	sadd.s32 $0x10, s11  }
0xf9: {  	v12 =	vor.u32 s11, v7;
	vm2 =	vge.s32 v11, v2;
	vm3 =	vlt.s32 v11, v3  }
0xfa: {  	vm2 =	vmand vm2, vm3;
	vm3 =	vlt.u32 v12, $0x61A8  }
0xfb: {  	vm2 =	vmand vm3, vm2  }
0xfc: {  	v13 =	vsel vm2, $0x1, v8  }
0xfd: {  	(xrf0) =	vadd.scan.msk.s32 $0xffff, v13;
	_ =	sdelay $0x5  }
0xfe: {  	v13, _, _ =	vpop (xrf0)  }
0xff: {  	(v2sf) =	vpush v13, $0xF;
	_ =	sdelay $0xb  }
0x100: {  	s21 =	spop (v2sf)  }
0x101: {  	s11 =	sadd.s32 s16, s21  }
0x102: {  	v14 =	vmov s11  }
0x103: {  	v14 =	vadd.s32 $0xFFFFFFFF, v14;
	s19 =	spop (v2sf)  }
0x104: {  	v14 =	vbroadcast v14, $0x0;
	s11 =	sadd.s32 s11, s19  }
0x105: {  	s16 =	sadd.s32 $0xF, s11  }
0x106: {  	v13 =	vadd.s32 v13, v14;
	s21 =	sand.u32 $0xF, s16  }
0x107: {  	p4 =	slt.s32 s16, $0x1;
	p3 =	sne.s32 s21, $0x0;
	s21 =	sshra.s32 s16, $0x1F  }
0x108: {  	s19 =	sshrl.u32 s21, $0x1C;
	p3 =	por !p4, !p3  }
0x109: {  	s16 =	sadd.s32 s19, s16;
	p3 =	por !p3, !p3;
	s19 =	simm.s32 $0x1  }
0x10a: {  	v11 =	vsub.s32 v11, v2;
	s16 =	sshra.s32 s16, $0x4;
	s19 =	simm.s32 @!p3 $0x0  }
0x10b: {  	[tilespmem:v13+s7+$0x0] =	vst.idx.msk vm2, v11;
	s16 =	ssub.s32 s16, s19  }
0x10c: {  	[tilespmem:v13+s8+$0x0] =	vst.idx.msk vm2, v12;
	p3 =	slt.s32 @!p1 s16, $0x1  }
0x10d: {  	[tilespmem:s11+$0x14600] =	vst v9;
	p3 =	por p1, p3  }
.Ltmp7:
0x10e: {  	[tilespmem:s11+$0x13F80] =	vst v6;
	(pc) =	sbr.rel @p3 .LBB2_33-.Ltmp7, $3  }
0x10f: {  	[tilespmem:s11+$0x14610] =	vst v9  }
0x110: {  	[tilespmem:s11+$0x13F90] =	vst v6  }
0x111: {  	[bflag:$0x0] =	sbarrier.arrive $0xFFFF;
	_ =	sdelay $0x1  }
0x112: {  	s11 =	simm.s32 $0x13F80;
	s21 =	simm.s32 $0x14600  }
.LBB2_31:
0x113: {  	v11 =	vld [tilespmem:s11+$0x0];
	_ =	sdelay $0x7  }
0x114: {  	[tilespmem:s10], [sflag:$0x1] =	stream.indirect_vreg.gather [hbm4b:s25+s1], $0x80, v11, vm0, $0xb8;
	[tilespmem:$0x15480] =	vst v63  }
0x115: {  	_ =	swait.ge [sflag:s9], $0x800  }
0x116: {  	[sflag:s9] =	ssyncset.done $0x0  }
0x117: {  	[sflag:s9] =	ssyncadd.s32 $0xFFFFF800  }
0x118: {  	v11 =	vld [tilespmem:s21+$0x0];
	_ =	sdelay $0x5  }
0x119: {  	p3 =	seq.s32 s16, $0x1  }
.Ltmp8:
0x11a: {  	_ = 	snop;
	(pc) =	sbr.rel @!p3 .LBB2_31-.Ltmp8, $4  }
0x11b: {  	[spmem:s24] =	stream.indirect_vreg.scatter.add.f32 [tilespmem:s10], [sflag:$0x2], $0x80, v11, vm0, $0xb8;
	[tilespmem:$0x15480] =	vst v63  }
0x11c: {  	_ =	swait.ge [sflag:s6], $0x800  }
0x11d: {  	s11 =	sadd.s32 $0x10, s11;
	[sflag:s6] =	ssyncset.done $0x0  }
0x11e: {  	s16 =	sadd.s32 $0xFFFFFFFF, s16;
	s21 =	sadd.s32 $0x10, s21;
	[sflag:s6] =	ssyncadd.s32 $0xFFFFF800  }
.LBB2_32:
0x11f: {  	[bflag:$0x0] =	sbarrier.arrive $0xFFFF  }
.LBB2_38:
0x120: {  	s11 =	sshll.u32 s0, $0x6  }
0x121: {  	s16 =	sshrl.u32 s29, $0x3;
	s11 =	sor.u32 $0x1C02, s11  }
0x122: {  	[hbm:s20], [sflag:s11] =	dma.local [spmem:s16], $0x2700  }
0x123: {  	_ =	swait.ge [sflag:s6], $0x2700  }
0x124: {  	[sflag:s6] =	ssyncset.done $0x0  }
0x125: {  	[sflag:s6] =	ssyncadd.s32 $0xFFFFD900  }
0x126: {  	[bflag:$0x0] =	sbarrier.arrive $0xFFFF  }
0x127: {  	[spmem:s16], [sflag:s11] =	dma.local [hbm:s14], $0x2700  }
0x128: {  	_ =	swait.ge [sflag:s6], $0x2700  }
0x129: {  	[sflag:s6] =	ssyncset.done $0x0  }
0x12a: {  	[sflag:s6] =	ssyncadd.s32 $0xFFFFD900  }
.LBB2_40:
0x12b: {  	s11 =	simm.s32 $0x0  }
0x12c: {  	v11 =	vld [tilespmem:s11+$0x13900];
	_ =	sdelay $0x4  }
0x12d: {  	vm2 =	vge.s32 v11, v3;
	vm3 =	vlt.s32 v11, v4  }
0x12e: {  	vm2 =	vmand vm2, vm3  }
0x12f: {  	vm2 =	vmand vm1, vm2  }
0x130: {  	v12 =	vsel vm2, $0x1, v8  }
0x131: {  	(xrf0) =	vadd.scan.msk.s32 $0xffff, v12;
	_ =	sdelay $0x1  }
0x132: {  	s16 =	simm.s32 $0x0  }
0x133: {  	v63 =	vmov s16  }
0x134: {  	v12 =	vadd.s32 $0xFFFFFFFF, v63  }
0x135: {  	v12 =	vbroadcast v12, $0x0  }
0x136: {  	v13, _, _ =	vpop (xrf0)  }
0x137: {  	v12 =	vadd.s32 v13, v12;
	(v2sf) =	vpush v13, $0xF;
	_ =	sdelay $0x3  }
0x138: {  	v11 =	vsub.s32 v11, v3  }
0x139: {  	[tilespmem:v12+s7+$0x0] =	vst.idx.msk vm2, v11  }
0x13a: {  	s19 =	simm.s32 $0x10;
	s21 =	simm.s32 $0x80;
	s11 =	smov.u32 s17;
	[tilespmem:v12+s8+$0x0] =	vst.idx.msk vm2, v10  }
.LBB2_41:
0x13b: {  	p3 =	sne.s32 s21, $0x1840;
	v11 =	vld [tilespmem:s19+$0x13900];
	_ =	sdelay $0x2  }
0x13c: {  	s11 =	sadd.s32 $0x10, s11  }
0x13d: {  	v12 =	vor.u32 s11, v7  }
0x13e: {  	vm2 =	vge.s32 v11, v3;
	vm3 =	vlt.s32 v11, v4;
	v11 =	vsub.s32 v11, v3  }
0x13f: {  	vm2 =	vmand vm2, vm3;
	vm3 =	vlt.u32 v12, $0x61A8  }
0x140: {  	vm2 =	vmand vm3, vm2  }
0x141: {  	v13 =	vsel vm2, $0x1, v8;
	s19 =	spop (v2sf)  }
0x142: {  	(xrf0) =	vadd.scan.msk.s32 $0xffff, v13;
	s16 =	sadd.s32 s16, s19  }
0x143: {  	v13 =	vmov s16  }
0x144: {  	v13 =	vadd.s32 $0xFFFFFFFF, v13  }
0x145: {  	v13 =	vbroadcast v13, $0x0;
	_ =	sdelay $0x2  }
0x146: {  	v14, _, _ =	vpop (xrf0)  }
0x147: {  	v13 =	vadd.s32 v14, v13;
	(v2sf) =	vpush v14, $0xF;
	_ =	sdelay $0x1  }
.Ltmp9:
0x148: {  	(pc) =	sbr.rel @p3 .LBB2_41-.Ltmp9, $3  }
0x149: {  	_ =	sdelay $0x1  }
0x14a: {  	[tilespmem:v13+s7+$0x0] =	vst.idx.msk vm2, v11  }
0x14b: {  	s19 =	sshra.s32 s21, $0x2;
	s21 =	sadd.s32 $0x40, s21;
	[tilespmem:v13+s8+$0x0] =	vst.idx.msk vm2, v12  }
0x14c: {  	v11 =	vld [tilespmem:s19+$0x13900];
	_ =	sdelay $0x3  }
0x14d: {  	s11 =	sadd.s32 $0x10, s11  }
0x14e: {  	v12 =	vor.u32 s11, v7;
	vm2 =	vge.s32 v11, v3;
	vm3 =	vlt.s32 v11, v4  }
0x14f: {  	vm2 =	vmand vm2, vm3;
	vm3 =	vlt.u32 v12, $0x61A8  }
0x150: {  	vm2 =	vmand vm3, vm2  }
0x151: {  	v13 =	vsel vm2, $0x1, v8  }
0x152: {  	(xrf0) =	vadd.scan.msk.s32 $0xffff, v13;
	_ =	sdelay $0x5  }
0x153: {  	v13, _, _ =	vpop (xrf0)  }
0x154: {  	(v2sf) =	vpush v13, $0xF;
	_ =	sdelay $0xb  }
0x155: {  	s21 =	spop (v2sf)  }
0x156: {  	s11 =	sadd.s32 s16, s21  }
0x157: {  	v14 =	vmov s11  }
0x158: {  	v14 =	vadd.s32 $0xFFFFFFFF, v14;
	s19 =	spop (v2sf)  }
0x159: {  	v14 =	vbroadcast v14, $0x0;
	s11 =	sadd.s32 s11, s19  }
0x15a: {  	s16 =	sadd.s32 $0xF, s11  }
0x15b: {  	v13 =	vadd.s32 v13, v14;
	s21 =	sand.u32 $0xF, s16  }
0x15c: {  	p4 =	slt.s32 s16, $0x1;
	p3 =	sne.s32 s21, $0x0;
	s21 =	sshra.s32 s16, $0x1F  }
0x15d: {  	s19 =	sshrl.u32 s21, $0x1C;
	p3 =	por !p4, !p3  }
0x15e: {  	s16 =	sadd.s32 s19, s16;
	p3 =	por !p3, !p3;
	s19 =	simm.s32 $0x1  }
0x15f: {  	v11 =	vsub.s32 v11, v3;
	s16 =	sshra.s32 s16, $0x4;
	s19 =	simm.s32 @!p3 $0x0  }
0x160: {  	[tilespmem:v13+s7+$0x0] =	vst.idx.msk vm2, v11;
	s16 =	ssub.s32 s16, s19  }
0x161: {  	[tilespmem:v13+s8+$0x0] =	vst.idx.msk vm2, v12;
	p3 =	slt.s32 @!p1 s16, $0x1  }
0x162: {  	[tilespmem:s11+$0x14600] =	vst v9;
	p3 =	por p1, p3  }
.Ltmp10:
0x163: {  	[tilespmem:s11+$0x13F80] =	vst v6;
	(pc) =	sbr.rel @p3 .LBB2_46-.Ltmp10, $3  }
0x164: {  	[tilespmem:s11+$0x14610] =	vst v9  }
0x165: {  	[tilespmem:s11+$0x13F90] =	vst v6  }
0x166: {  	[bflag:$0x0] =	sbarrier.arrive $0xFFFF;
	_ =	sdelay $0x1  }
0x167: {  	s11 =	simm.s32 $0x13F80;
	s21 =	simm.s32 $0x14600  }
.LBB2_44:
0x168: {  	v11 =	vld [tilespmem:s11+$0x0];
	_ =	sdelay $0x7  }
0x169: {  	[tilespmem:s10], [sflag:$0x1] =	stream.indirect_vreg.gather [hbm4b:s25+s1], $0x80, v11, vm0, $0xb8;
	[tilespmem:$0x15480] =	vst v63  }
0x16a: {  	_ =	swait.ge [sflag:s9], $0x800  }
0x16b: {  	[sflag:s9] =	ssyncset.done $0x0  }
0x16c: {  	[sflag:s9] =	ssyncadd.s32 $0xFFFFF800  }
0x16d: {  	v11 =	vld [tilespmem:s21+$0x0];
	_ =	sdelay $0x5  }
0x16e: {  	p3 =	seq.s32 s16, $0x1  }
.Ltmp11:
0x16f: {  	_ = 	snop;
	(pc) =	sbr.rel @!p3 .LBB2_44-.Ltmp11, $4  }
0x170: {  	[spmem:s24] =	stream.indirect_vreg.scatter.add.f32 [tilespmem:s10], [sflag:$0x2], $0x80, v11, vm0, $0xb8;
	[tilespmem:$0x15480] =	vst v63  }
0x171: {  	_ =	swait.ge [sflag:s6], $0x800  }
0x172: {  	s11 =	sadd.s32 $0x10, s11;
	[sflag:s6] =	ssyncset.done $0x0  }
0x173: {  	s16 =	sadd.s32 $0xFFFFFFFF, s16;
	s21 =	sadd.s32 $0x10, s21;
	[sflag:s6] =	ssyncadd.s32 $0xFFFFF800  }
.LBB2_45:
0x174: {  	[bflag:$0x0] =	sbarrier.arrive $0xFFFF  }
.LBB2_51:
0x175: {  	s11 =	sshll.u32 s0, $0x6  }
0x176: {  	s16 =	sshrl.u32 s29, $0x3;
	s11 =	sor.u32 $0x1C02, s11  }
0x177: {  	[hbm:s22], [sflag:s11] =	dma.local [spmem:s16], $0x2700  }
0x178: {  	_ =	swait.ge [sflag:s6], $0x2700  }
0x179: {  	[sflag:s6] =	ssyncset.done $0x0  }
0x17a: {  	[sflag:s6] =	ssyncadd.s32 $0xFFFFD900  }
0x17b: {  	[bflag:$0x0] =	sbarrier.arrive $0xFFFF  }
0x17c: {  	[spmem:s16], [sflag:s11] =	dma.local [hbm:s15], $0x2700  }
0x17d: {  	_ =	swait.ge [sflag:s6], $0x2700  }
0x17e: {  	[sflag:s6] =	ssyncset.done $0x0  }
0x17f: {  	[sflag:s6] =	ssyncadd.s32 $0xFFFFD900  }
.LBB2_53:
0x180: {  	s11 =	simm.s32 $0x0  }
0x181: {  	v11 =	vld [tilespmem:s11+$0x13900];
	_ =	sdelay $0x4  }
0x182: {  	vm2 =	vge.s32 v11, v4;
	vm3 =	vlt.s32 v11, v5  }
0x183: {  	vm2 =	vmand vm2, vm3  }
0x184: {  	vm1 =	vmand vm1, vm2  }
0x185: {  	v12 =	vsel vm1, $0x1, v8  }
0x186: {  	(xrf0) =	vadd.scan.msk.s32 $0xffff, v12;
	_ =	sdelay $0x1  }
0x187: {  	s16 =	simm.s32 $0x0  }
0x188: {  	v63 =	vmov s16  }
0x189: {  	v12 =	vadd.s32 $0xFFFFFFFF, v63  }
0x18a: {  	v12 =	vbroadcast v12, $0x0  }
0x18b: {  	v13, _, _ =	vpop (xrf0)  }
0x18c: {  	v12 =	vadd.s32 v13, v12;
	(v2sf) =	vpush v13, $0xF;
	_ =	sdelay $0x3  }
0x18d: {  	v11 =	vsub.s32 v11, v4  }
0x18e: {  	[tilespmem:v12+s7+$0x0] =	vst.idx.msk vm1, v11  }
0x18f: {  	s19 =	simm.s32 $0x10;
	s21 =	simm.s32 $0x80;
	s11 =	smov.u32 s17;
	[tilespmem:v12+s8+$0x0] =	vst.idx.msk vm1, v10  }
.LBB2_54:
0x190: {  	p3 =	sne.s32 s21, $0x1840;
	v10 =	vld [tilespmem:s19+$0x13900];
	_ =	sdelay $0x2  }
0x191: {  	s11 =	sadd.s32 $0x10, s11  }
0x192: {  	v11 =	vor.u32 s11, v7  }
0x193: {  	vm1 =	vge.s32 v10, v4;
	vm2 =	vlt.s32 v10, v5;
	v10 =	vsub.s32 v10, v4  }
0x194: {  	vm1 =	vmand vm1, vm2;
	vm2 =	vlt.u32 v11, $0x61A8  }
0x195: {  	vm1 =	vmand vm2, vm1  }
0x196: {  	v12 =	vsel vm1, $0x1, v8;
	s19 =	spop (v2sf)  }
0x197: {  	(xrf0) =	vadd.scan.msk.s32 $0xffff, v12;
	s16 =	sadd.s32 s16, s19  }
0x198: {  	v12 =	vmov s16  }
0x199: {  	v12 =	vadd.s32 $0xFFFFFFFF, v12  }
0x19a: {  	v12 =	vbroadcast v12, $0x0;
	_ =	sdelay $0x2  }
0x19b: {  	v13, _, _ =	vpop (xrf0)  }
0x19c: {  	v12 =	vadd.s32 v13, v12;
	(v2sf) =	vpush v13, $0xF;
	_ =	sdelay $0x1  }
.Ltmp12:
0x19d: {  	(pc) =	sbr.rel @p3 .LBB2_54-.Ltmp12, $3  }
0x19e: {  	_ =	sdelay $0x1  }
0x19f: {  	[tilespmem:v12+s7+$0x0] =	vst.idx.msk vm1, v10  }
0x1a0: {  	s19 =	sshra.s32 s21, $0x2;
	s21 =	sadd.s32 $0x40, s21;
	[tilespmem:v12+s8+$0x0] =	vst.idx.msk vm1, v11  }
0x1a1: {  	v10 =	vld [tilespmem:s19+$0x13900];
	_ =	sdelay $0x3  }
0x1a2: {  	s11 =	sadd.s32 $0x10, s11  }
0x1a3: {  	v11 =	vor.u32 s11, v7;
	vm1 =	vge.s32 v10, v4;
	vm2 =	vlt.s32 v10, v5  }
0x1a4: {  	vm1 =	vmand vm1, vm2;
	vm2 =	vlt.u32 v11, $0x61A8  }
0x1a5: {  	vm1 =	vmand vm2, vm1  }
0x1a6: {  	v12 =	vsel vm1, $0x1, v8  }
0x1a7: {  	(xrf0) =	vadd.scan.msk.s32 $0xffff, v12;
	_ =	sdelay $0x5  }
0x1a8: {  	v12, _, _ =	vpop (xrf0)  }
0x1a9: {  	(v2sf) =	vpush v12, $0xF;
	_ =	sdelay $0xb  }
0x1aa: {  	s21 =	spop (v2sf)  }
0x1ab: {  	s11 =	sadd.s32 s16, s21  }
0x1ac: {  	v13 =	vmov s11  }
0x1ad: {  	v13 =	vadd.s32 $0xFFFFFFFF, v13;
	s19 =	spop (v2sf)  }
0x1ae: {  	v13 =	vbroadcast v13, $0x0;
	s11 =	sadd.s32 s11, s19  }
0x1af: {  	s16 =	sadd.s32 $0xF, s11  }
0x1b0: {  	v12 =	vadd.s32 v12, v13;
	s21 =	sand.u32 $0xF, s16  }
0x1b1: {  	p4 =	slt.s32 s16, $0x1;
	p3 =	sne.s32 s21, $0x0;
	s21 =	sshra.s32 s16, $0x1F  }
0x1b2: {  	s19 =	sshrl.u32 s21, $0x1C;
	p3 =	por !p4, !p3  }
0x1b3: {  	s16 =	sadd.s32 s19, s16;
	p3 =	por !p3, !p3;
	s19 =	simm.s32 $0x1  }
0x1b4: {  	v10 =	vsub.s32 v10, v4;
	s16 =	sshra.s32 s16, $0x4;
	s19 =	simm.s32 @!p3 $0x0  }
0x1b5: {  	[tilespmem:v12+s7+$0x0] =	vst.idx.msk vm1, v10;
	s16 =	ssub.s32 s16, s19  }
0x1b6: {  	[tilespmem:v12+s8+$0x0] =	vst.idx.msk vm1, v11;
	p3 =	slt.s32 @!p1 s16, $0x1  }
0x1b7: {  	[tilespmem:s11+$0x14600] =	vst v9;
	p3 =	por p1, p3  }
.Ltmp13:
0x1b8: {  	[tilespmem:s11+$0x13F80] =	vst v6;
	(pc) =	sbr.rel @p3 .LBB2_59-.Ltmp13, $3  }
0x1b9: {  	[tilespmem:s11+$0x14610] =	vst v9  }
0x1ba: {  	[tilespmem:s11+$0x13F90] =	vst v6  }
0x1bb: {  	[bflag:$0x0] =	sbarrier.arrive $0xFFFF;
	_ =	sdelay $0x1  }
0x1bc: {  	s11 =	simm.s32 $0x13F80;
	s21 =	simm.s32 $0x14600  }
.LBB2_57:
0x1bd: {  	v10 =	vld [tilespmem:s11+$0x0];
	_ =	sdelay $0x7  }
0x1be: {  	[tilespmem:s10], [sflag:$0x1] =	stream.indirect_vreg.gather [hbm4b:s25+s1], $0x80, v10, vm0, $0xb8;
	[tilespmem:$0x15480] =	vst v63  }
0x1bf: {  	_ =	swait.ge [sflag:s9], $0x800  }
0x1c0: {  	[sflag:s9] =	ssyncset.done $0x0  }
0x1c1: {  	[sflag:s9] =	ssyncadd.s32 $0xFFFFF800  }
0x1c2: {  	v10 =	vld [tilespmem:s21+$0x0];
	_ =	sdelay $0x5  }
0x1c3: {  	p3 =	seq.s32 s16, $0x1  }
.Ltmp14:
0x1c4: {  	_ = 	snop;
	(pc) =	sbr.rel @!p3 .LBB2_57-.Ltmp14, $4  }
0x1c5: {  	[spmem:s24] =	stream.indirect_vreg.scatter.add.f32 [tilespmem:s10], [sflag:$0x2], $0x80, v10, vm0, $0xb8;
	[tilespmem:$0x15480] =	vst v63  }
0x1c6: {  	_ =	swait.ge [sflag:s6], $0x800  }
0x1c7: {  	s11 =	sadd.s32 $0x10, s11;
	[sflag:s6] =	ssyncset.done $0x0  }
0x1c8: {  	s16 =	sadd.s32 $0xFFFFFFFF, s16;
	s21 =	sadd.s32 $0x10, s21;
	[sflag:s6] =	ssyncadd.s32 $0xFFFFF800  }
.LBB2_58:
0x1c9: {  	[bflag:$0x0] =	sbarrier.arrive $0xFFFF  }
.LBB2_64:
0x1ca: {  	s11 =	sshll.u32 s0, $0x6  }
0x1cb: {  	s16 =	sshrl.u32 s29, $0x3;
	s11 =	sor.u32 $0x1C02, s11  }
0x1cc: {  	[hbm:s23], [sflag:s11] =	dma.local [spmem:s16], $0x2700  }
0x1cd: {  	_ =	swait.ge [sflag:s6], $0x2700  }
0x1ce: {  	[sflag:s6] =	ssyncset.done $0x0  }
0x1cf: {  	[sflag:s6] =	ssyncadd.s32 $0xFFFFD900  }
.LBB2_66:
0x1d0: {  	s12 =	sadd.s32 $0x1, s12  }
0x1d1: {  	p3 =	sne.s32 s12, s30  }
.Ltmp15:
0x1d2: {  	_ = 	snop;
	(pc) =	sbr.rel @p3 .LBB2_1-.Ltmp15, $4  }
.Ltmp16:
0x1d3: {  	_ = 	snop;
	(pc) =	sbr.rel @!p3 .LBB2_67-.Ltmp16, $4  }
0x1d4: {  	_ = 	snop  }
0x1d5: {  	[bflag:$0x0] =	sbarrier.arrive $0xFFFF  }
0x1d6: {  	_ = 	snop  }
0x1d7: {  	_ = 	snop  }
.LBB2_7:
.Ltmp17:
0x1d8: {  	(pc) =	sbr.rel @p2 .LBB2_6-.Ltmp17, $1  }
0x1d9: {  	_ =	sdelay $0x3  }
0x1da: {  	p3 =	sgt.s32 s16, $0x0  }
.Ltmp18:
0x1db: {  	_ = 	snop;
	(pc) =	sbr.rel @!p3 .LBB2_11-.Ltmp18, $1  }
0x1dc: {  	_ =	sdelay $0x3  }
0x1dd: {  	s11 =	simm.s32 $0x13F80;
	s21 =	simm.s32 $0x14600  }
.LBB2_10:
0x1de: {  	v11 =	vld [tilespmem:s11+$0x0];
	_ =	sdelay $0x4  }
0x1df: {  	v11 =	vadd.s32 $0xFFFFCF00, v11;
	_ =	sdelay $0x4  }
0x1e0: {  	[tilespmem:s10], [sflag:$0x1] =	stream.indirect_vreg.gather [hbm4b:s26+s1], $0x80, v11, vm0, $0xb8;
	[tilespmem:$0x15480] =	vst v63  }
0x1e1: {  	_ =	swait.ge [sflag:s9], $0x800  }
0x1e2: {  	[sflag:s9] =	ssyncset.done $0x0  }
0x1e3: {  	[sflag:s9] =	ssyncadd.s32 $0xFFFFF800  }
0x1e4: {  	v11 =	vld [tilespmem:s21+$0x0];
	_ =	sdelay $0x5  }
0x1e5: {  	p3 =	sne.s32 s16, $0x1  }
.Ltmp19:
0x1e6: {  	_ = 	snop;
	(pc) =	sbr.rel @p3 .LBB2_10-.Ltmp19, $4  }
0x1e7: {  	[spmem:s24] =	stream.indirect_vreg.scatter.add.f32 [tilespmem:s10], [sflag:$0x2], $0x80, v11, vm0, $0xb8;
	[tilespmem:$0x15480] =	vst v63  }
0x1e8: {  	_ =	swait.ge [sflag:s6], $0x800  }
0x1e9: {  	s11 =	sadd.s32 $0x10, s11;
	[sflag:s6] =	ssyncset.done $0x0  }
0x1ea: {  	s16 =	sadd.s32 $0xFFFFFFFF, s16;
	s21 =	sadd.s32 $0x10, s21;
	[sflag:s6] =	ssyncadd.s32 $0xFFFFF800  }
.LBB2_11:
.Ltmp20:
0x1eb: {  	(pc) =	sbr.rel @!p0 .LBB2_12-.Ltmp20, $2  }
0x1ec: {  	_ =	sdelay $0x1  }
0x1ed: {  	[bflag:$0x0] =	sbarrier.arrive $0xFFFF;
	_ =	sdelay $0x1  }
0x1ee: {  	s11 =	sshrl.u32 s31, $0x3;
	s16 =	rddreg [dreg:$0x5];
	s19 =	simm.s32 $0x1FC2  }
0x1ef: {  	[hbm:s16], [sflag:s19] =	dma.local [spmem:s11], $0x2800  }
0x1f0: {  	_ =	swait.ge [sflag:s6], $0x2800  }
0x1f1: {  	[sflag:s6] =	ssyncset.done $0x0  }
0x1f2: {  	[sflag:s6] =	ssyncadd.s32 $0xFFFFD800  }
0x1f3: {  	[bflag:$0x0] =	sbarrier.arrive $0xFFFF  }
.Ltmp21:
0x1f4: {  	s21 =	rddreg [dreg:$0x6];
	(pc) =	sbr.rel .LBB2_14-.Ltmp21, $4  }
0x1f5: {  	[spmem:s11], [sflag:s19] =	dma.local [hbm:s21], $0x2800  }
0x1f6: {  	_ =	swait.ge [sflag:s6], $0x2800  }
0x1f7: {  	[sflag:s6] =	ssyncset.done $0x0  }
0x1f8: {  	[sflag:s6] =	ssyncadd.s32 $0xFFFFD800  }
.LBB2_20:
.Ltmp22:
0x1f9: {  	(pc) =	sbr.rel @p2 .LBB2_19-.Ltmp22, $1  }
0x1fa: {  	_ =	sdelay $0x3  }
0x1fb: {  	p3 =	sgt.s32 s16, $0x0  }
.Ltmp23:
0x1fc: {  	_ = 	snop;
	(pc) =	sbr.rel @!p3 .LBB2_24-.Ltmp23, $1  }
0x1fd: {  	_ =	sdelay $0x3  }
0x1fe: {  	s11 =	simm.s32 $0x13F80;
	s21 =	simm.s32 $0x14600  }
.LBB2_23:
0x1ff: {  	v11 =	vld [tilespmem:s11+$0x0];
	_ =	sdelay $0x4  }
0x200: {  	v11 =	vadd.s32 $0xFFFFCF00, v11;
	_ =	sdelay $0x4  }
0x201: {  	[tilespmem:s10], [sflag:$0x1] =	stream.indirect_vreg.gather [hbm4b:s26+s1], $0x80, v11, vm0, $0xb8;
	[tilespmem:$0x15480] =	vst v63  }
0x202: {  	_ =	swait.ge [sflag:s9], $0x800  }
0x203: {  	[sflag:s9] =	ssyncset.done $0x0  }
0x204: {  	[sflag:s9] =	ssyncadd.s32 $0xFFFFF800  }
0x205: {  	v11 =	vld [tilespmem:s21+$0x0];
	_ =	sdelay $0x5  }
0x206: {  	p3 =	sne.s32 s16, $0x1  }
.Ltmp24:
0x207: {  	_ = 	snop;
	(pc) =	sbr.rel @p3 .LBB2_23-.Ltmp24, $4  }
0x208: {  	[spmem:s24] =	stream.indirect_vreg.scatter.add.f32 [tilespmem:s10], [sflag:$0x2], $0x80, v11, vm0, $0xb8;
	[tilespmem:$0x15480] =	vst v63  }
0x209: {  	_ =	swait.ge [sflag:s6], $0x800  }
0x20a: {  	s11 =	sadd.s32 $0x10, s11;
	[sflag:s6] =	ssyncset.done $0x0  }
0x20b: {  	s16 =	sadd.s32 $0xFFFFFFFF, s16;
	s21 =	sadd.s32 $0x10, s21;
	[sflag:s6] =	ssyncadd.s32 $0xFFFFF800  }
.LBB2_24:
.Ltmp25:
0x20c: {  	(pc) =	sbr.rel @!p0 .LBB2_25-.Ltmp25, $2  }
0x20d: {  	_ =	sdelay $0x1  }
0x20e: {  	[bflag:$0x0] =	sbarrier.arrive $0xFFFF;
	_ =	sdelay $0x1  }
0x20f: {  	s11 =	sshrl.u32 s31, $0x3;
	s16 =	rddreg [dreg:$0x7];
	s19 =	simm.s32 $0x1FC2  }
0x210: {  	[hbm:s16], [sflag:s19] =	dma.local [spmem:s11], $0x2800  }
0x211: {  	_ =	swait.ge [sflag:s6], $0x2800  }
0x212: {  	[sflag:s6] =	ssyncset.done $0x0  }
0x213: {  	[sflag:s6] =	ssyncadd.s32 $0xFFFFD800  }
0x214: {  	[bflag:$0x0] =	sbarrier.arrive $0xFFFF  }
.Ltmp26:
0x215: {  	s21 =	rddreg [dreg:$0x8];
	(pc) =	sbr.rel .LBB2_27-.Ltmp26, $4  }
0x216: {  	[spmem:s11], [sflag:s19] =	dma.local [hbm:s21], $0x2800  }
0x217: {  	_ =	swait.ge [sflag:s6], $0x2800  }
0x218: {  	[sflag:s6] =	ssyncset.done $0x0  }
0x219: {  	[sflag:s6] =	ssyncadd.s32 $0xFFFFD800  }
.LBB2_33:
.Ltmp27:
0x21a: {  	(pc) =	sbr.rel @p2 .LBB2_32-.Ltmp27, $1  }
0x21b: {  	_ =	sdelay $0x3  }
0x21c: {  	p3 =	sgt.s32 s16, $0x0  }
.Ltmp28:
0x21d: {  	_ = 	snop;
	(pc) =	sbr.rel @!p3 .LBB2_37-.Ltmp28, $1  }
0x21e: {  	_ =	sdelay $0x3  }
0x21f: {  	s11 =	simm.s32 $0x13F80;
	s21 =	simm.s32 $0x14600  }
.LBB2_36:
0x220: {  	v11 =	vld [tilespmem:s11+$0x0];
	_ =	sdelay $0x4  }
0x221: {  	v11 =	vadd.s32 $0xFFFFCF00, v11;
	_ =	sdelay $0x4  }
0x222: {  	[tilespmem:s10], [sflag:$0x1] =	stream.indirect_vreg.gather [hbm4b:s26+s1], $0x80, v11, vm0, $0xb8;
	[tilespmem:$0x15480] =	vst v63  }
0x223: {  	_ =	swait.ge [sflag:s9], $0x800  }
0x224: {  	[sflag:s9] =	ssyncset.done $0x0  }
0x225: {  	[sflag:s9] =	ssyncadd.s32 $0xFFFFF800  }
0x226: {  	v11 =	vld [tilespmem:s21+$0x0];
	_ =	sdelay $0x5  }
0x227: {  	p3 =	sne.s32 s16, $0x1  }
.Ltmp29:
0x228: {  	_ = 	snop;
	(pc) =	sbr.rel @p3 .LBB2_36-.Ltmp29, $4  }
0x229: {  	[spmem:s24] =	stream.indirect_vreg.scatter.add.f32 [tilespmem:s10], [sflag:$0x2], $0x80, v11, vm0, $0xb8;
	[tilespmem:$0x15480] =	vst v63  }
0x22a: {  	_ =	swait.ge [sflag:s6], $0x800  }
0x22b: {  	s11 =	sadd.s32 $0x10, s11;
	[sflag:s6] =	ssyncset.done $0x0  }
0x22c: {  	s16 =	sadd.s32 $0xFFFFFFFF, s16;
	s21 =	sadd.s32 $0x10, s21;
	[sflag:s6] =	ssyncadd.s32 $0xFFFFF800  }
.LBB2_37:
.Ltmp30:
0x22d: {  	(pc) =	sbr.rel @!p0 .LBB2_38-.Ltmp30, $2  }
0x22e: {  	_ =	sdelay $0x1  }
0x22f: {  	[bflag:$0x0] =	sbarrier.arrive $0xFFFF;
	_ =	sdelay $0x1  }
0x230: {  	s11 =	sshrl.u32 s31, $0x3;
	s16 =	rddreg [dreg:$0x9];
	s19 =	simm.s32 $0x1FC2  }
0x231: {  	[hbm:s16], [sflag:s19] =	dma.local [spmem:s11], $0x2800  }
0x232: {  	_ =	swait.ge [sflag:s6], $0x2800  }
0x233: {  	[sflag:s6] =	ssyncset.done $0x0  }
0x234: {  	[sflag:s6] =	ssyncadd.s32 $0xFFFFD800  }
0x235: {  	[bflag:$0x0] =	sbarrier.arrive $0xFFFF  }
.Ltmp31:
0x236: {  	s21 =	rddreg [dreg:$0xa];
	(pc) =	sbr.rel .LBB2_40-.Ltmp31, $4  }
0x237: {  	[spmem:s11], [sflag:s19] =	dma.local [hbm:s21], $0x2800  }
0x238: {  	_ =	swait.ge [sflag:s6], $0x2800  }
0x239: {  	[sflag:s6] =	ssyncset.done $0x0  }
0x23a: {  	[sflag:s6] =	ssyncadd.s32 $0xFFFFD800  }
.LBB2_46:
.Ltmp32:
0x23b: {  	(pc) =	sbr.rel @p2 .LBB2_45-.Ltmp32, $1  }
0x23c: {  	_ =	sdelay $0x3  }
0x23d: {  	p3 =	sgt.s32 s16, $0x0  }
.Ltmp33:
0x23e: {  	_ = 	snop;
	(pc) =	sbr.rel @!p3 .LBB2_50-.Ltmp33, $1  }
0x23f: {  	_ =	sdelay $0x3  }
0x240: {  	s11 =	simm.s32 $0x13F80;
	s21 =	simm.s32 $0x14600  }
.LBB2_49:
0x241: {  	v11 =	vld [tilespmem:s11+$0x0];
	_ =	sdelay $0x4  }
0x242: {  	v11 =	vadd.s32 $0xFFFFCF00, v11;
	_ =	sdelay $0x4  }
0x243: {  	[tilespmem:s10], [sflag:$0x1] =	stream.indirect_vreg.gather [hbm4b:s26+s1], $0x80, v11, vm0, $0xb8;
	[tilespmem:$0x15480] =	vst v63  }
0x244: {  	_ =	swait.ge [sflag:s9], $0x800  }
0x245: {  	[sflag:s9] =	ssyncset.done $0x0  }
0x246: {  	[sflag:s9] =	ssyncadd.s32 $0xFFFFF800  }
0x247: {  	v11 =	vld [tilespmem:s21+$0x0];
	_ =	sdelay $0x5  }
0x248: {  	p3 =	sne.s32 s16, $0x1  }
.Ltmp34:
0x249: {  	_ = 	snop;
	(pc) =	sbr.rel @p3 .LBB2_49-.Ltmp34, $4  }
0x24a: {  	[spmem:s24] =	stream.indirect_vreg.scatter.add.f32 [tilespmem:s10], [sflag:$0x2], $0x80, v11, vm0, $0xb8;
	[tilespmem:$0x15480] =	vst v63  }
0x24b: {  	_ =	swait.ge [sflag:s6], $0x800  }
0x24c: {  	s11 =	sadd.s32 $0x10, s11;
	[sflag:s6] =	ssyncset.done $0x0  }
0x24d: {  	s16 =	sadd.s32 $0xFFFFFFFF, s16;
	s21 =	sadd.s32 $0x10, s21;
	[sflag:s6] =	ssyncadd.s32 $0xFFFFF800  }
.LBB2_50:
.Ltmp35:
0x24e: {  	(pc) =	sbr.rel @!p0 .LBB2_51-.Ltmp35, $2  }
0x24f: {  	_ =	sdelay $0x1  }
0x250: {  	[bflag:$0x0] =	sbarrier.arrive $0xFFFF;
	_ =	sdelay $0x1  }
0x251: {  	s11 =	sshrl.u32 s31, $0x3;
	s16 =	rddreg [dreg:$0xb];
	s19 =	simm.s32 $0x1FC2  }
0x252: {  	[hbm:s16], [sflag:s19] =	dma.local [spmem:s11], $0x2800  }
0x253: {  	_ =	swait.ge [sflag:s6], $0x2800  }
0x254: {  	[sflag:s6] =	ssyncset.done $0x0  }
0x255: {  	[sflag:s6] =	ssyncadd.s32 $0xFFFFD800  }
0x256: {  	[bflag:$0x0] =	sbarrier.arrive $0xFFFF  }
.Ltmp36:
0x257: {  	s21 =	rddreg [dreg:$0xc];
	(pc) =	sbr.rel .LBB2_53-.Ltmp36, $4  }
0x258: {  	[spmem:s11], [sflag:s19] =	dma.local [hbm:s21], $0x2800  }
0x259: {  	_ =	swait.ge [sflag:s6], $0x2800  }
0x25a: {  	[sflag:s6] =	ssyncset.done $0x0  }
0x25b: {  	[sflag:s6] =	ssyncadd.s32 $0xFFFFD800  }
.LBB2_59:
.Ltmp37:
0x25c: {  	(pc) =	sbr.rel @p2 .LBB2_58-.Ltmp37, $1  }
0x25d: {  	_ =	sdelay $0x3  }
0x25e: {  	p3 =	sgt.s32 s16, $0x0  }
.Ltmp38:
0x25f: {  	_ = 	snop;
	(pc) =	sbr.rel @!p3 .LBB2_63-.Ltmp38, $1  }
0x260: {  	_ =	sdelay $0x3  }
0x261: {  	s11 =	simm.s32 $0x13F80;
	s21 =	simm.s32 $0x14600  }
.LBB2_62:
0x262: {  	v10 =	vld [tilespmem:s11+$0x0];
	_ =	sdelay $0x4  }
0x263: {  	v10 =	vadd.s32 $0xFFFFCF00, v10;
	_ =	sdelay $0x4  }
0x264: {  	[tilespmem:s10], [sflag:$0x1] =	stream.indirect_vreg.gather [hbm4b:s26+s1], $0x80, v10, vm0, $0xb8;
	[tilespmem:$0x15480] =	vst v63  }
0x265: {  	_ =	swait.ge [sflag:s9], $0x800  }
0x266: {  	[sflag:s9] =	ssyncset.done $0x0  }
0x267: {  	[sflag:s9] =	ssyncadd.s32 $0xFFFFF800  }
0x268: {  	v10 =	vld [tilespmem:s21+$0x0];
	_ =	sdelay $0x5  }
0x269: {  	p3 =	sne.s32 s16, $0x1  }
.Ltmp39:
0x26a: {  	_ = 	snop;
	(pc) =	sbr.rel @p3 .LBB2_62-.Ltmp39, $4  }
0x26b: {  	[spmem:s24] =	stream.indirect_vreg.scatter.add.f32 [tilespmem:s10], [sflag:$0x2], $0x80, v10, vm0, $0xb8;
	[tilespmem:$0x15480] =	vst v63  }
0x26c: {  	_ =	swait.ge [sflag:s6], $0x800  }
0x26d: {  	s11 =	sadd.s32 $0x10, s11;
	[sflag:s6] =	ssyncset.done $0x0  }
0x26e: {  	s16 =	sadd.s32 $0xFFFFFFFF, s16;
	s21 =	sadd.s32 $0x10, s21;
	[sflag:s6] =	ssyncadd.s32 $0xFFFFF800  }
.LBB2_63:
.Ltmp40:
0x26f: {  	(pc) =	sbr.rel @!p0 .LBB2_64-.Ltmp40, $2  }
0x270: {  	_ =	sdelay $0x1  }
0x271: {  	[bflag:$0x0] =	sbarrier.arrive $0xFFFF;
	_ =	sdelay $0x1  }
0x272: {  	s11 =	sshrl.u32 s31, $0x3  }
.Ltmp41:
0x273: {  	s16 =	rddreg [dreg:$0xd];
	s19 =	simm.s32 $0x1FC2;
	(pc) =	sbr.rel .LBB2_66-.Ltmp41, $4  }
0x274: {  	[hbm:s16], [sflag:s19] =	dma.local [spmem:s11], $0x2800  }
0x275: {  	_ =	swait.ge [sflag:s6], $0x2800  }
0x276: {  	[sflag:s6] =	ssyncset.done $0x0  }
0x277: {  	[sflag:s6] =	ssyncadd.s32 $0xFFFFD800  }
.LBB2_67:
0x278: {  	_ =	sfence.sel $0x180000  }
0x279: {  	[bflag:$0x0] =	sbarrier.arrive $0xFFFF  }
0x27a: {  	_ =	strace $0x9000004D  }
0x27b: {  	[bflag:$0x2] =	sbarrier.arrive $0xFFFF  }
0x27c: {  	p0 =	sne.s32 s0, $0x0;
	s0 =	rddreg [dreg:$0x4]  }
0x27d: {  	s0 =	sadd.s32 @!p0 $0x100000, s0  }
0x27e: {  	[sflag:s0] =	ssyncadd.tile.s32 @!p0 $0x1;
	_ =	shalt  }
.Lfunc_end2:
_tile_overlayer_lowered:
.L_overlay_start_2:
0x27f: {  	(tag) =	ssettag $0x2  }
0x280: {  	s0 =	rddreg [dreg:$0x0];
	s2 =	stileid.u32  }
0x281: {  	s1 =	rddreg [dreg:$0x1];
	p0 =	sne.s32 s2, $0x0  }
0x282: {  	s3 =	rddreg [dreg:$0x2];
	[bflag:$0x3] =	sbarrier.arrive $0xFFFF;
	s2 =	simm.s32 @!p0 $0x1C02  }
0x283: {  	[timem:s3], [sflag:s2] =	dma.local @!p0 [hbm:s0], s1  }
0x284: {  	s0 =	simm.s32 @!p0 $0x2  }
0x285: {  	_ =	swait.ge @!p0 [sflag:s0], s1  }
0x286: {  	s1 =	ssub.s32 @!p0 $0x0, s1;
	[sflag:s0] =	ssyncset.done @!p0 $0x0  }
0x287: {  	[sflag:s0] =	ssyncadd.s32 @!p0 s1  }
0x288: {  	[bflag:$0x3] =	sbarrier.arrive $0xFFFF  }
0x289: {  	_ =	shalt  }

// kernel: kernel.7.cloned.1.call-start
scs
__scs_entry_jumppad:
0x0: {  	(pc) =	sbr.rel $0x88, $3  }
0x1: {  	(tag) =	ssettag $0x0;
	lr =	simm.s32 $0x1  }
0x2: {  	[smem:$0x3F9D] =	sst lr;
	_ =	strace $0xD0000000  }
0x3: {  	_ = 	snop  }
0x4: {  	_ = 	snop  }
0x5: {  	_ = 	snop  }
0x6: {  	_ = 	snop  }
0x7: {  	_ = 	snop  }
__scs_overlays_trampoline_lowered:
0x8: {  	[smem:$0x3FAC] =	sst s0  }
0x9: {  	[smem:$0x3FAD] =	sst s1  }
0xa: {  	[smem:$0x3FAE] =	sst s2  }
0xb: {  	[smem:$0x3FAF] =	sst s3  }
0xc: {  	[smem:$0x3FB0] =	sst s4  }
0xd: {  	[smem:$0x3FB1] =	sst s5  }
0xe: {  	[smem:$0x3FB2] =	sst s6  }
0xf: {  	[smem:$0x3FB3] =	sst s7  }
0x10: {  	[smem:$0x3FB4] =	sst s8  }
0x11: {  	[smem:$0x3FB5] =	sst s9;
	s0 =	simm.s32 @!p0 $0x0  }
0x12: {  	s1 =	sld [smem:$0x3F9B];
	s0 =	simm.s32 @p0 $0x1  }
0x13: {  	[smem:$0x3FB6] =	sst s0;
	s0 =	simm.s32 @!p1 $0x0  }
0x14: {  	s2 =	sld [smem:$0x3F9A];
	s0 =	simm.s32 @p1 $0x1  }
0x15: {  	[smem:$0x3FB7] =	sst s0;
	s0 =	simm.s32 @!p2 $0x0  }
0x16: {  	s3 =	sld [smem:$0x3FDB];
	s0 =	simm.s32 @p2 $0x1  }
0x17: {  	s4 =	simm.s32 $0x1BF5;
	[smem:$0x3FB9] =	sst s0  }
0x18: {  	s0 =	sld [smem:$0x3F9C];
	_ =	swait.ge [sflag:s4], $0x0  }
0x19: {  	s7 =	sld [smem:$0x3F9D]  }
0x1a: {  	s8 =	sadd.s32 $0xFFFFE003, lr  }
0x1b: {  	s9 =	sadd.s32 $0xFFFFFEF7, lr;
	s5 =	simm.s32 $0xFFFFFFFF;
	p2 =	slt.u32 s8, $0xFFFFF086  }
0x1c: {  	p1 =	slt.u32 s9, $0xF7A;
	s5 =	simm.s32 @!p2 $0x0  }
0x1d: {  	s5 =	simm.s32 @p1 $0x1;
	p0 =	seq.s32 s7, s2  }
0x1e: {  	s7 =	smul.u32 @!p0 $0xF7A, s2;
	p2 =	seq.s32 @!p0 s5, $0x0  }
0x1f: {  	s9 =	smul.u32 $0xF7A, s1;
	s8 =	simm.s32 @!p0 $0x1BF5;
	p2 =	por !p2, p0  }
0x20: {  	[sflag:s8] =	ssyncset.s32 @!p0 $0xFFFFF086;
	s6 =	sadd.s32 @!p0 s3, s7;
	s7 =	simm.s32 @!p0 $0x108  }
0x21: {  	s3 =	sadd.s32 s3, s9;
	s6 =	sadd.s32 @!p0 $0x88, s6;
	s7 =	simm.s32 @p2 $0x1082  }
0x22: {  	[simem:s7], [sflag:s8] =	dma.local @!p0 [hbm:s6], $0xF7A  }
0x23: {  	s9 =	sor.u32 $0xD0000000, s2;
	s6 =	simm.s32 $0x108;
	_ =	swait.ge @!p0 [sflag:s8], $0x0  }
0x24: {  	s3 =	sadd.s32 $0x88, s3;
	s6 =	simm.s32 @!p1 $0x1082;
	[sflag:s4] =	ssyncset.s32 $0xFFFFF086  }
0x25: {  	[simem:s6], [sflag:s4] =	dma.local [hbm:s3], $0xF7A  }
0x26: {  	[smem:$0x3F9D] =	sst s1;
	(tag) =	ssettag s2;
	_ =	strace s9  }
0x27: {  	s1 =	sld [smem:$0x3FAD]  }
0x28: {  	s2 =	sld [smem:$0x3FAE]  }
0x29: {  	s4 =	sld [smem:$0x3FB0]  }
0x2a: {  	p0 =	seq.s32 s5, $0x0;
	s5 =	sld [smem:$0x3FB1]  }
0x2b: {  	s6 =	sld [smem:$0x3FB2]  }
0x2c: {  	s7 =	sld [smem:$0x3FB3]  }
0x2d: {  	s3 =	simm.s32 $0x108;
	s8 =	sld [smem:$0x3FB4]  }
0x2e: {  	s3 =	simm.s32 @!p0 $0x1082;
	s9 =	sld [smem:$0x3FB5]  }
0x2f: {  	lr =	sadd.s32 s0, s3;
	s0 =	sld [smem:$0x3FAC]  }
0x30: {  	s3 =	sld [smem:$0x3FAF]  }
0x31: {  	[smem:$0x3FB8] =	sst s10  }
0x32: {  	s10 =	sld [smem:$0x3FB6];
	_ =	sdelay $0x3  }
0x33: {  	p0 =	seq.s32 s10, $0x1;
	s10 =	sld [smem:$0x3FB8];
	_ =	sdelay $0x3  }
0x34: {  	[smem:$0x3FB8] =	sst s10  }
0x35: {  	s10 =	sld [smem:$0x3FB7];
	_ =	sdelay $0x3  }
0x36: {  	p1 =	seq.s32 s10, $0x1;
	s10 =	sld [smem:$0x3FB8];
	_ =	sdelay $0x3  }
0x37: {  	[smem:$0x3FB8] =	sst s10  }
0x38: {  	s10 =	sld [smem:$0x3FB9]  }
0x39: {  	_ = 	snop;
	(pc) =	sbr.ind lr, $3  }
0x3a: {  	_ = 	snop  }
0x3b: {  	_ = 	snop  }
0x3c: {  	p2 =	seq.s32 s10, $0x1;
	s10 =	sld [smem:$0x3FB8]  }
0x3d: {  	_ =	shalt  }
0x3e: {  	_ =	shalt  }
0x3f: {  	_ =	shalt  }
0x40: {  	_ =	shalt  }
0x41: {  	_ =	shalt  }
0x42: {  	_ =	shalt  }
0x43: {  	_ =	shalt  }
0x44: {  	_ =	shalt  }
0x45: {  	_ =	shalt  }
0x46: {  	_ =	shalt  }
0x47: {  	_ =	shalt  }
0x48: {  	_ =	shalt  }
0x49: {  	_ =	shalt  }
0x4a: {  	_ =	shalt  }
0x4b: {  	_ =	shalt  }
0x4c: {  	_ =	shalt  }
0x4d: {  	_ =	shalt  }
0x4e: {  	_ =	shalt  }
0x4f: {  	_ =	shalt  }
0x50: {  	_ =	shalt  }
0x51: {  	_ =	shalt  }
0x52: {  	_ =	shalt  }
0x53: {  	_ =	shalt  }
0x54: {  	_ =	shalt  }
0x55: {  	_ =	shalt  }
0x56: {  	_ =	shalt  }
0x57: {  	_ =	shalt  }
0x58: {  	_ =	shalt  }
0x59: {  	_ =	shalt  }
0x5a: {  	_ =	shalt  }
0x5b: {  	_ =	shalt  }
0x5c: {  	_ =	shalt  }
0x5d: {  	_ =	shalt  }
0x5e: {  	_ =	shalt  }
0x5f: {  	_ =	shalt  }
0x60: {  	_ =	shalt  }
0x61: {  	_ =	shalt  }
0x62: {  	_ =	shalt  }
0x63: {  	_ =	shalt  }
0x64: {  	_ =	shalt  }
0x65: {  	_ =	shalt  }
0x66: {  	_ =	shalt  }
0x67: {  	_ =	shalt  }
0x68: {  	_ =	shalt  }
0x69: {  	_ =	shalt  }
0x6a: {  	_ =	shalt  }
0x6b: {  	_ =	shalt  }
0x6c: {  	_ =	shalt  }
0x6d: {  	_ =	shalt  }
0x6e: {  	_ =	shalt  }
0x6f: {  	_ =	shalt  }
0x70: {  	_ =	shalt  }
0x71: {  	_ =	shalt  }
0x72: {  	_ =	shalt  }
0x73: {  	_ =	shalt  }
0x74: {  	_ =	shalt  }
0x75: {  	_ =	shalt  }
0x76: {  	_ =	shalt  }
0x77: {  	_ =	shalt  }
0x78: {  	_ =	shalt  }
0x79: {  	_ =	shalt  }
0x7a: {  	_ =	shalt  }
0x7b: {  	_ =	shalt  }
0x7c: {  	_ =	shalt  }
0x7d: {  	_ =	shalt  }
0x7e: {  	_ =	shalt  }
0x7f: {  	_ =	shalt  }
0x80: {  	_ =	shalt  }
0x81: {  	_ =	shalt  }
0x82: {  	_ =	shalt  }
0x83: {  	_ =	shalt  }
0x84: {  	_ =	shalt  }
0x85: {  	_ =	shalt  }
0x86: {  	_ =	shalt  }
0x87: {  	_ =	shalt  }
.Lfunc_end0:
.L_simem_size_0:
called_computation_lowered:
.L_overlay_start_0:
0x88: {  	s2 =	sld [smem:$0x3FD9]  }
0x89: {  	s3 =	sld [smem:$0x3FFE];
	_ =	sdelay $0x1  }
0x8a: {  	s1 =	srdreg.scid  }
0x8b: {  	s0 =	sand.u32 $0x1, s1  }
0x8c: {  	s17 =	sshll.u32 s0, $0xA;
	s2 =	sadd.s32 s3, s2  }
0x8d: {  	s2 =	sadd.s32 s2, s17  }
0x8e: {  	[smem:$0x3FC4] =	sst s2  }
0x8f: {  	_ = 	snop  }
0x90: {  	s4 =	sld [smem:$0x3FC9]  }
0x91: {  	s18 =	sld [smem:$0x3FD0];
	(tm) =	ssettm $0x1  }
0x92: {  	s19 =	sld [smem:$0x3FFB];
	_ =	sdelay $0x3  }
0x93: {  	_ =	strace s19  }
0x94: {  	s2 =	sld [smem:$0x3FFC];
	_ =	sdelay $0x3  }
0x95: {  	_ =	strace s2  }
0x96: {  	s2 =	sld [smem:$0x3FFD];
	_ =	sdelay $0x3  }
0x97: {  	_ =	strace s2  }
0x98: {  	_ =	strace $0x8FFFFFFF  }
0x99: {  	s20 =	sld [smem:$0x3FDB];
	_ =	sdelay $0x1  }
0x9a: {  	s5 =	simm.s32 $_scs_section_size  }
0x9b: {  	s6 =	simm.s32 $_size__tile_overlayer_lowered;
	s7 =	simm.s32 $_tile_overlayer_lowered  }
0x9c: {  	s8 =	simm.s32 $0x1BFF;
	s21 =	sshll.u32 s7, $0x1;
	s5 =	sadd.s32 s5, s20  }
0x9d: {  	s22 =	simm.s32 $0x0;
	s6 =	sshll.u32 s6, $0x1;
	s7 =	sadd.s32 s21, s5  }
0x9e: {  	[timem:s22], [sflag:s8] =	dma.local [hbm:s7], s6  }
0x9f: {  	_ =	swait.ge [sflag:s8], s6  }
0xa0: {  	s6 =	ssub.s32 $0x0, s6;
	[sflag:s8] =	ssyncset.done $0x0  }
0xa1: {  	[sflag:s8] =	ssyncadd.s32 s6;
	_ =	sdelay $0x1  }
0xa2: {  	s23 =	simm.s32 $0x1B8B  }
0xa3: {  	_ =	swait.ge [sflag:s23], $0x1  }
0xa4: {  	[sflag:s23] =	ssyncset.done $0x0  }
0xa5: {  	[sflag:s23] =	ssyncadd.s32 $0xFFFFFFFF  }
0xa6: {  	s6 =	sld [smem:$0x0]  }
0xa7: {  	s7 =	sand.u32 $0xFFFFFFFE, s1  }
0xa8: {  	p0 =	sne.s32 s1, s7  }
0xa9: {  	s7 =	sshll.u32 @p0 s7, $0xE  }
0xaa: {  	s7 =	sadd.s32 @p0 $0x11B8D, s7;
	s8 =	sshll.u32 @p0 s6, $0x11  }
0xab: {  	s7 =	sor.u32 @p0 s8, s7  }
0xac: {  	[sflag:s7] =	ssyncadd.remote.s32 @p0 $0x1;
	_ =	sdelay $0x1  }
0xad: {  	s7 =	simm.s32 @p0 $0x1B8D  }
0xae: {  	_ =	swait.eq @p0 [sflag:s7], $0x1  }
0xaf: {  	[sflag:s7] =	ssyncadd.s32 @p0 $0xFFFFFFFF  }
0xb0: {  	s8 =	sshll.u32 @!p0 s1, $0xE  }
0xb1: {  	s8 =	sor.u32 @!p0 $0x4000, s8;
	s7 =	simm.s32 @!p0 $0x1B8D  }
0xb2: {  	s6 =	sshll.u32 @!p0 s6, $0x11;
	s8 =	sadd.s32 @!p0 $0x11B8D, s8;
	_ =	swait.eq @!p0 [sflag:s7], $0x1  }
0xb3: {  	s6 =	sor.u32 @!p0 s6, s8;
	[sflag:s7] =	ssyncadd.s32 @!p0 $0xFFFFFFFF  }
0xb4: {  	s25 =	simm.s32 $0x1B8E;
	s24 =	sld [smem:$0x3FFE];
	[sflag:s6] =	ssyncadd.remote.s32 @!p0 $0x1  }
0xb5: {  	s26 =	simm.s32 $execute0_lowered;
	[smem:$0x3FD2] =	sst s25  }
0xb6: {  	s7 =	sshll.u32 s26, $0x1;
	_ =	strace $0x80000049;
	[dreg:$0x1] =	wrdreg $0xFFFFFFFF  }
0xb7: {  	s28 =	simm.s32 $_size_execute0_lowered;
	s5 =	sadd.s32 s5, s7;
	[dreg:$0x0] =	wrdreg $0x0  }
0xb8: {  	s7 =	sshll.u32 s28, $0x1;
	[dreg:$0x2] =	wrdreg s5  }
0xb9: {  	[dreg:$0x3] =	wrdreg s7  }
0xba: {  	[dreg:$0x4] =	wrdreg $0xC0  }
0xbb: {  	_ =	task [dreg:s22], $0x5FFFF  }
0xbc: {  	[dreg:$0x1] =	wrdreg $0xFFFFFFFF  }
0xbd: {  	[dreg:$0x0] =	wrdreg $0x60  }
0xbe: {  	[dreg:$0x2] =	wrdreg s4  }
0xbf: {  	[dreg:$0x3] =	wrdreg s24  }
0xc0: {  	[dreg:$0x4] =	wrdreg s18  }
0xc1: {  	[dreg:$0x5] =	wrdreg $0x9  }
0xc2: {  	_ =	task.clear_ibuf [dreg:s22], $0x6FFFF;
	_ =	strace $0x90000049  }
0xc3: {  	s29 =	simm.s32 $0x9;
	_ =	strace $0x8000004B  }
0xc4: {  	_ =	swait.ge [sflag:s29], $0x1  }
0xc5: {  	[sflag:s29] =	ssyncadd.s32 $0xFFFFFFFF  }
0xc6: {  	_ =	strace $0x9000004B  }
0xc7: {  	_ =	sfence  }
0xc8: {  	s30 =	sld [smem:$0x0];
	_ =	sdelay $0x2  }
0xc9: {  	s31 =	sshll.u32 s1, $0xD;
	s1 =	sshrl.u32 s1, $0x2  }
0xca: {  	s4 =	sand.u32 $0x4000, s31;
	s1 =	sadd.s32 s1, s30  }
0xcb: {  	s0 =	sor.u32 s4, s0;
	s1 =	sshll.u32 s1, $0x11  }
0xcc: {  	s0 =	sor.u32 s1, s0  }
0xcd: {  	s0 =	sadd.s32 $0x8F2B, s0  }
0xce: {  	[sflag:s0] =	ssyncadd.remote.s32 $0x1  }
0xcf: {  	_ =	sfence.sel $0xFFFF  }
0xd0: {  	[dreg:$0x0] =	wrdreg $0xFFFFFFFF;
	(pc) =	sbr.abs _section_cstart, $3  }
0xd1: {  	[dreg:$0x1] =	wrdreg $0xFFFFFFFF  }
0xd2: {  	_ =	task.clear_ibuf [dreg:s22], $0x2FFFF;
	_ =	strace $0x9FFFFFFF  }
0xd3: {  	(tm) =	ssettm $0x7FFFFFFF  }
tec
execute0_lowered:
.L_overlay_start_1:
0x0: {  	(tag) =	ssettag $0x1  }
0x1: {  	s1 =	srdreg.scid;
	s0 =	stileid.u32  }
0x2: {  	s2 =	rddreg [dreg:$0x0];
	s6 =	sand.u32 $0x1, s1;
	s30 =	sshll.u32 s0, $0x1  }
0x3: {  	s4 =	rddreg [dreg:$0x1];
	s9 =	sor.u32 s6, s30  }
0x4: {  	s10 =	rddreg [dreg:$0x2];
	s3 =	simm.s32 $0x0;
	s5 =	smul.u32 $0x31, s9  }
0x5: {  	[smem:$0x7FF] =	sst s3  }
0x6: {  	s1 =	rddreg [dreg:$0x3];
	_ =	strace $0x8000004A;
	s4 =	sadd.s32 s5, s4  }
0x7: {  	s11 =	ssub.s32 $0x2, s6;
	s5 =	sadd.s32 $0x32800, s4;
	s4 =	simm.s32 $0x2  }
0x8: {  	[tilespmem:s3], [sflag:$0x2] =	stream.linear.gather [hbm4b:s5+s3], $0x188, $0x38;
	[tilespmem:$0xC600] =	vst v63  }
0x9: {  	s7 =	simm.s32 $0x200;
	s12 =	sshrl.u32 s11, $0x1;
	_ =	swait.ge [sflag:s4], $0x188  }
0xa: {  	s8 =	simm.s32 $0x1;
	s11 =	ssub.s32 s11, s12;
	[sflag:s4] =	ssyncset.done $0x0  }
0xb: {  	s6 =	simm.s32 $0x188;
	s31 =	smax.u32 s11, $0x1;
	[sflag:s4] =	ssyncadd.s32 $0xFFFFFE78  }
0xc: {  	[tilespmem:s7], [sflag:$0x1] =	stream.indirect.gather [hbm4b:s2+s6], $0x80, s3, s6, $0xb8;
	[tilespmem:$0xC600] =	vst v63  }
0xd: {  	s9 =	smul.u32 $0x1880, s9;
	p0 =	sne.s32 s31, $0x1;
	_ =	swait.ge [sflag:s8], $0xC400  }
.Ltmp0:
0xe: {  	[sflag:s8] =	ssyncset.done $0x0;
	(pc) =	sbr.rel @!p0 .LBB2_2-.Ltmp0, $4  }
0xf: {  	s9 =	sadd.s32 s10, s9;
	[sflag:s8] =	ssyncadd.s32 $0xFFFF3C00  }
0x10: {  	[hbm4b:s9+s3] =	stream.linear.scatter [tilespmem:s7], [sflag:$0x2], $0xC400, $0x38;
	[tilespmem:$0xC600] =	vst v63  }
0x11: {  	_ =	swait.ge [sflag:s4], $0xC400  }
0x12: {  	s10 =	sadd.s32 $0xFFFFFFFF, s31;
	[sflag:s4] =	ssyncset.done $0x0  }
.LBB2_1:
0x13: {  	p0 =	sne.s32 s10, $0x1;
	s10 =	sadd.s32 $0xFFFFFFFF, s10;
	[sflag:s4] =	ssyncadd.s32 $0xFFFF3C00  }
0x14: {  	[tilespmem:s3], [sflag:$0x2] =	stream.linear.gather [hbm4b:s5+s3], $0x188, $0x38;
	[tilespmem:$0xC600] =	vst v63  }
0x15: {  	_ =	swait.ge [sflag:s4], $0x188  }
0x16: {  	[sflag:s4] =	ssyncset.done $0x0  }
0x17: {  	[sflag:s4] =	ssyncadd.s32 $0xFFFFFE78  }
0x18: {  	[tilespmem:s7], [sflag:$0x1] =	stream.indirect.gather [hbm4b:s2+s6], $0x80, s3, s6, $0xb8;
	[tilespmem:$0xC600] =	vst v63  }
0x19: {  	_ =	swait.ge [sflag:s8], $0xC400  }
.Ltmp1:
0x1a: {  	[sflag:s8] =	ssyncset.done $0x0;
	(pc) =	sbr.rel @p0 .LBB2_1-.Ltmp1, $4  }
0x1b: {  	[sflag:s8] =	ssyncadd.s32 $0xFFFF3C00  }
0x1c: {  	[hbm4b:s9+s3] =	stream.linear.scatter [tilespmem:s7], [sflag:$0x2], $0xC400, $0x38;
	[tilespmem:$0xC600] =	vst v63  }
0x1d: {  	_ =	swait.ge [sflag:s4], $0xC400  }
0x1e: {  	[sflag:s4] =	ssyncset.done $0x0  }
.LBB2_2:
0x1f: {  	[sflag:s4] =	ssyncadd.s32 $0xFFFF3C00  }
0x20: {  	_ =	sfence.sel $0x180000  }
0x21: {  	[bflag:$0x0] =	sbarrier.arrive $0xFFFF  }
0x22: {  	p0 =	sne.s32 s0, $0x0;
	_ =	strace $0x9000004A  }
0x23: {  	s0 =	sadd.s32 @!p0 $0x100000, s1;
	[bflag:$0x2] =	sbarrier.arrive $0xFFFF  }
0x24: {  	[sflag:s0] =	ssyncadd.tile.s32 @!p0 $0x1;
	_ =	shalt  }
.Lfunc_end2:
_tile_overlayer_lowered:
.L_overlay_start_2:
0x25: {  	(tag) =	ssettag $0x2  }
0x26: {  	s0 =	rddreg [dreg:$0x0];
	s2 =	stileid.u32  }
0x27: {  	s1 =	rddreg [dreg:$0x1];
	p0 =	sne.s32 s2, $0x0  }
0x28: {  	s3 =	rddreg [dreg:$0x2];
	[bflag:$0x3] =	sbarrier.arrive $0xFFFF;
	s2 =	simm.s32 @!p0 $0x1C02  }
0x29: {  	[timem:s3], [sflag:s2] =	dma.local @!p0 [hbm:s0], s1  }
0x2a: {  	s0 =	simm.s32 @!p0 $0x2  }
0x2b: {  	_ =	swait.ge @!p0 [sflag:s0], s1  }
0x2c: {  	s1 =	ssub.s32 @!p0 $0x0, s1;
	[sflag:s0] =	ssyncset.done @!p0 $0x0  }
0x2d: {  	[sflag:s0] =	ssyncadd.s32 @!p0 s1  }
0x2e: {  	[bflag:$0x3] =	sbarrier.arrive $0xFFFF  }
0x2f: {  	_ =	shalt  }

</sc_bundles>
